<compile_context>
chip_gen: v7x
topology: tpu7x:2x2x1
jax: 0.10.2.dev20260603
libtpu: 0.0.44.dev20260713+nightly
codegen_flags: <defaults>
</compile_context>

<pallas_src>
import functools

import jax
import jax.numpy as jnp
import numpy as np
from jax import lax
from jax.experimental import pallas as pl
from jax.experimental.pallas import tpu as pltpu
from jax.experimental.pallas import tpu_sc as plsc

VOCAB = 1000000
EMBED_DIM = 64
NOISE_ALPHA = 5.0


_NC, _NS = 2, 16
_NW = _NC * _NS


def _sc_gather_body(batch, seq, table_hbm, x1_hbm, x2_hbm, out_hbm,
                    idx_v, rows_v, si0, si1, sg0, sg1, ss0, ss1):
    wid = lax.axis_index("s") * _NC + lax.axis_index("c")
    xrows_per_w = batch // _NW
    r0 = wid * xrows_per_w
    n16 = seq // 16
    tail = seq - n16 * 16
    sem_i = (si0, si1)
    sem_g = (sg0, sg1)
    sem_s = (ss0, ss1)

    def issue_idx(r, b):
        pltpu.async_copy(x1_hbm.at[r], idx_v.at[b, pl.ds(0, 128)], sem_i[b])
        pltpu.async_copy(x2_hbm.at[r], idx_v.at[b, pl.ds(128, 128)], sem_i[b])

    def wait_idx(b):
        pltpu.make_async_copy(x1_hbm.at[0],
                              idx_v.at[b, pl.ds(0, 128)], sem_i[b]).wait()
        pltpu.make_async_copy(x2_hbm.at[0],
                              idx_v.at[b, pl.ds(128, 128)], sem_i[b]).wait()

    issue_idx(r0, 0)

    def step(j, carry):
        for b in (0, 1):
            r = r0 + 2 * j + b

            @pl.when(r + 1 < r0 + xrows_per_w)
            def _():
                issue_idx(r + 1, 1 - b)

            wait_idx(b)

            @pl.when(r >= r0 + 2)
            def _():
                pltpu.make_async_copy(
                    table_hbm.at[pl.ds(0, seq)], rows_v.at[b],
                    sem_s[b]).wait()

            def fire16(k, c):
                v = idx_v[b, pl.ds(k * 16, 16)]
                for t in range(16):
                    pltpu.async_copy(table_hbm.at[pl.ds(v[t], 1)],
                                     rows_v.at[b, pl.ds(k * 16 + t, 1)],
                                     sem_g[b])
                return c

            lax.fori_loop(0, n16, fire16, 0, unroll=False)
            if tail:
                v = idx_v[b, pl.ds(n16 * 16, 16)]
                for t in range(tail):
                    pltpu.async_copy(table_hbm.at[pl.ds(v[t], 1)],
                                     rows_v.at[b, pl.ds(n16 * 16 + t, 1)],
                                     sem_g[b])

            @pl.when(r >= r0 + 1)
            def _():
                pltpu.make_async_copy(table_hbm.at[pl.ds(0, seq)],
                                      rows_v.at[1 - b], sem_g[1 - b]).wait()
                pltpu.async_copy(rows_v.at[1 - b],
                                 out_hbm.at[pl.ds((r - 1) * seq, seq)],
                                 sem_s[1 - b])
        return carry

    lax.fori_loop(0, xrows_per_w // 2, step, 0, unroll=False)

    last = r0 + xrows_per_w - 1
    pltpu.make_async_copy(table_hbm.at[pl.ds(0, seq)], rows_v.at[1],
                          sem_g[1]).wait()
    pltpu.sync_copy(rows_v.at[1], out_hbm.at[pl.ds(last * seq, seq)])
    pltpu.make_async_copy(table_hbm.at[pl.ds(0, seq)], rows_v.at[0],
                          sem_s[0]).wait()


def _sc_gather(table, x1, x2, batch, seq):
    nrows = batch * seq
    mesh = plsc.VectorSubcoreMesh(core_axis_name="c", subcore_axis_name="s")
    return pl.kernel(
        functools.partial(_sc_gather_body, batch, seq),
        out_type=jax.ShapeDtypeStruct((nrows, EMBED_DIM), jnp.float32),
        mesh=mesh,
        compiler_params=pltpu.CompilerParams(use_tc_tiling_on_sc=True),
        scratch_types=[
            pltpu.VMEM((2, 256), jnp.int32),
            pltpu.VMEM((2, seq, EMBED_DIM), jnp.float32),
            pltpu.SemaphoreType.DMA,
            pltpu.SemaphoreType.DMA,
            pltpu.SemaphoreType.DMA,
            pltpu.SemaphoreType.DMA,
            pltpu.SemaphoreType.DMA,
            pltpu.SemaphoreType.DMA,
        ],
    )(table, x1, x2)



_ROT_A = (13, 15, 26, 6)
_ROT_B = (17, 29, 16, 24)


def _threefry_noise(lo, mag):
    u32 = jnp.uint32
    ks0 = u32(0)
    ks1 = u32(42)
    ks2 = ks0 ^ ks1 ^ u32(0x1BD11BDA)
    ks = (ks0, ks1, ks2)
    x0 = jnp.zeros_like(lo)
    x1 = lo + ks1

    def rotl(v, d):
        return (v << u32(d)) | (v >> u32(32 - d))

    for i in range(5):
        rots = _ROT_A if i % 2 == 0 else _ROT_B
        for r in rots:
            x0 = x0 + x1
            x1 = rotl(x1, r)
            x1 = x1 ^ x0
        x0 = x0 + ks[(i + 1) % 3]
        x1 = x1 + ks[(i + 2) % 3] + u32(i + 1)

    bits = x0 ^ x1
    fl = lax.bitcast_convert_type((bits >> u32(9)) | u32(0x3F800000),
                                  jnp.float32) - jnp.float32(1.0)
    return jnp.maximum(jnp.float32(-mag),
                       fl * jnp.float32(2.0 * mag) + jnp.float32(-mag))


def _noise_body(mag, blk_l, d, blk_b, l, g_ref, out_ref):
    u32 = jnp.uint32
    shape = (blk_l, d, blk_b)
    i = pl.program_id(0)
    j = pl.program_id(1)
    li = lax.broadcasted_iota(u32, shape, 0) + (i * blk_l).astype(u32)
    di = lax.broadcasted_iota(u32, shape, 1)
    bi = lax.broadcasted_iota(u32, shape, 2) + (j * blk_b).astype(u32)
    lo = bi * u32(l * d) + li * u32(d) + di
    out_ref[...] = g_ref[...] + _threefry_noise(lo, mag)


def _tc_noise_add(g_t, mag, b, l):
    blk_l, blk_b = 25, 512
    grid = (l // blk_l, b // blk_b)
    spec = pl.BlockSpec((blk_l, EMBED_DIM, blk_b), lambda i, j: (i, 0, j))
    return pl.pallas_call(
        functools.partial(_noise_body, mag, blk_l, EMBED_DIM, blk_b, l),
        out_shape=jax.ShapeDtypeStruct((l, EMBED_DIM, b), jnp.float32),
        grid=grid,
        in_specs=[spec],
        out_specs=spec,
    )(g_t)




def kernel(x, table):
    b, l = x.shape
    x1 = x[:, :128]
    x2 = jnp.pad(x[:, 128:], ((0, 0), (0, 256 - l)))

    dims = np.float32(l * EMBED_DIM)
    mag = np.float32(NOISE_ALPHA) / np.sqrt(dims)

    gathered = _sc_gather(table, x1, x2, b, l)
    g_t = jnp.transpose(gathered.reshape(b, l, EMBED_DIM), (1, 2, 0))
    out_t = _tc_noise_add(g_t, mag, b, l)
    return jnp.transpose(out_t, (2, 0, 1))

# --- scband reference (transcript-rebuilt; emitter-appended) ---
"""Pipeline reference for scband-noised-embedding-46755013984458 (READ-ONLY COPY).

The authoritative reference and input builder live on the scoring server;
editing this copy changes nothing except your own understanding.
"""

import jax, jax.numpy as jnp
import numpy as np

VOCAB = 1000000
EMBED_DIM = 64
BATCH = 4096
SEQ = 200
NOISE_ALPHA = 5.0


def setup_inputs(seed: int = 0) -> dict:
    key = jax.random.key(seed)
    k1, k2 = jax.random.split(key)
    x = jax.random.randint(k1, (BATCH, SEQ), 0, VOCAB, dtype=jnp.int32)
    table = jax.random.normal(k2, (VOCAB, EMBED_DIM), dtype=jnp.float32) * 0.02
    return {"x": x, "table": table}


def reference(x, table):
    # NEFTune noised embedding (training mode): embed lookup + uniform noise
    embed_init = jnp.take(table, x, axis=0)  # [B, L, D]
    dims = jnp.asarray(embed_init.shape[1] * embed_init.shape[2], dtype=jnp.float32)
    mag_norm = NOISE_ALPHA / jnp.sqrt(dims)
    noise = jax.random.uniform(
        jax.random.key(42),
        embed_init.shape,
        minval=-mag_norm,
        maxval=mag_norm,
        dtype=jnp.float32,
    )
    return embed_init + noise

if __name__ == "__main__":
    import jax
    _d = setup_inputs()
    print(jax.jit(kernel)(*tuple(_d.values())))

</pallas_src>

<mosaic_0001>
#map = affine_map<(d0, d1) -> (0, 0)>
module attributes {stable_mosaic.version = 14 : i64} {
  func.func @_sc_gather_body(%arg0: i32, %arg1: i32, %arg2: memref<1000000x64xf32, #tpu.memory_space<hbm>>, %arg3: memref<4096x128xi32, #tpu.memory_space<hbm>>, %arg4: memref<4096x128xi32, #tpu.memory_space<hbm>>, %arg5: memref<819200x64xf32, #tpu.memory_space<hbm>>, %arg6: memref<2x256xi32, #tpu.memory_space<vmem>>, %arg7: memref<2x200x64xf32, #tpu.memory_space<vmem>>, %arg8: memref<!tpu.dma_semaphore, #tpu.memory_space<semaphore_mem>>, %arg9: memref<!tpu.dma_semaphore, #tpu.memory_space<semaphore_mem>>, %arg10: memref<!tpu.dma_semaphore, #tpu.memory_space<semaphore_mem>>, %arg11: memref<!tpu.dma_semaphore, #tpu.memory_space<semaphore_mem>>, %arg12: memref<!tpu.dma_semaphore, #tpu.memory_space<semaphore_mem>>, %arg13: memref<!tpu.dma_semaphore, #tpu.memory_space<semaphore_mem>>) attributes {dimension_semantics = [#tpu.dimension_semantics<core_parallel>, #tpu.dimension_semantics<subcore_parallel>], iteration_bounds = array<i64: 2, 16>, scalar_prefetch = 0 : i64, scratch_operands = 8 : i64, tpu.core_type = #tpu.core_type<sc_vector_subcore>, window_params = [{transform_indices = #map}, {transform_indices = #map}, {transform_indices = #map}, {transform_indices = #map}]} {
    %mul3A = arith.constant 2 : i32
    %mul3A_0 = arith.muli %arg1, %mul3A : i32
    %add3A = arith.addi %mul3A_0, %arg0 : i32
    %mul3A_1 = arith.constant 128 : i32
    %mul3A_2 = arith.muli %add3A, %mul3A_1 : i32
    %dma_start3A = arith.constant 0 : i32
    %dma_start3A_3 = arith.constant 0 : i32
    %dma_start3A_4 = tpu.memref_slice %arg6[%dma_start3A, %dma_start3A_3] : memref<2x256xi32, #tpu.memory_space<vmem>> -> memref<1x128xi32, #tpu.memory_space<vmem>>
    %dma_start3A_5 = tpu.memref_squeeze %dma_start3A_4 : memref<1x128xi32, #tpu.memory_space<vmem>> -> memref<128xi32, #tpu.memory_space<vmem>>
    %dma_start3A_6 = arith.constant 0 : i32
    %dma_start3A_7 = tpu.memref_slice %arg3[%mul3A_2, %dma_start3A_6] : memref<4096x128xi32, #tpu.memory_space<hbm>> -> memref<1x128xi32, #tpu.memory_space<hbm>>
    %dma_start3A_8 = tpu.memref_squeeze %dma_start3A_7 : memref<1x128xi32, #tpu.memory_space<hbm>> -> memref<128xi32, #tpu.memory_space<hbm>>
    %dma_start3A_9 = arith.constant 0 : i32
    %dma_start3A_10 = tpu.memref_slice %arg6[%dma_start3A, %dma_start3A_9] : memref<2x256xi32, #tpu.memory_space<vmem>> -> memref<1x128xi32, #tpu.memory_space<vmem>>
    %dma_start3A_11 = tpu.memref_squeeze %dma_start3A_10 : memref<1x128xi32, #tpu.memory_space<vmem>> -> memref<128xi32, #tpu.memory_space<vmem>>
    %dma_start3A_12 = arith.constant 0 : i32
    %dma_start3A_13 = tpu.memref_slice %arg3[%mul3A_2, %dma_start3A_12] : memref<4096x128xi32, #tpu.memory_space<hbm>> -> memref<1x128xi32, #tpu.memory_space<hbm>>
    %dma_start3A_14 = tpu.memref_squeeze %dma_start3A_13 : memref<1x128xi32, #tpu.memory_space<hbm>> -> memref<128xi32, #tpu.memory_space<hbm>>
    tpu.enqueue_dma source(%dma_start3A_14 : memref<128xi32, #tpu.memory_space<hbm>>) target(%dma_start3A_11 : memref<128xi32, #tpu.memory_space<vmem>>) target_semaphore(%arg8 : memref<!tpu.dma_semaphore, #tpu.memory_space<semaphore_mem>>)
    %dma_start3A_15 = arith.constant 0 : i32
    %dma_start3A_16 = arith.constant 128 : i32
    %dma_start3A_17 = tpu.memref_slice %arg6[%dma_start3A_15, %dma_start3A_16] : memref<2x256xi32, #tpu.memory_space<vmem>> -> memref<1x128xi32, #tpu.memory_space<vmem>>
    %dma_start3A_18 = tpu.memref_squeeze %dma_start3A_17 : memref<1x128xi32, #tpu.memory_space<vmem>> -> memref<128xi32, #tpu.memory_space<vmem>>
    %dma_start3A_19 = arith.constant 0 : i32
    %dma_start3A_20 = tpu.memref_slice %arg4[%mul3A_2, %dma_start3A_19] : memref<4096x128xi32, #tpu.memory_space<hbm>> -> memref<1x128xi32, #tpu.memory_space<hbm>>
    %dma_start3A_21 = tpu.memref_squeeze %dma_start3A_20 : memref<1x128xi32, #tpu.memory_space<hbm>> -> memref<128xi32, #tpu.memory_space<hbm>>
    %dma_start3A_22 = arith.constant 128 : i32
    %dma_start3A_23 = tpu.memref_slice %arg6[%dma_start3A_15, %dma_start3A_22] : memref<2x256xi32, #tpu.memory_space<vmem>> -> memref<1x128xi32, #tpu.memory_space<vmem>>
    %dma_start3A_24 = tpu.memref_squeeze %dma_start3A_23 : memref<1x128xi32, #tpu.memory_space<vmem>> -> memref<128xi32, #tpu.memory_space<vmem>>
    %dma_start3A_25 = arith.constant 0 : i32
    %dma_start3A_26 = tpu.memref_slice %arg4[%mul3A_2, %dma_start3A_25] : memref<4096x128xi32, #tpu.memory_space<hbm>> -> memref<1x128xi32, #tpu.memory_space<hbm>>
    %dma_start3A_27 = tpu.memref_squeeze %dma_start3A_26 : memref<1x128xi32, #tpu.memory_space<hbm>> -> memref<128xi32, #tpu.memory_space<hbm>>
    tpu.enqueue_dma source(%dma_start3A_27 : memref<128xi32, #tpu.memory_space<hbm>>) target(%dma_start3A_24 : memref<128xi32, #tpu.memory_space<vmem>>) target_semaphore(%arg8 : memref<!tpu.dma_semaphore, #tpu.memory_space<semaphore_mem>>)
    %scan3A = arith.constant 0 : i32
    %scan3A_28 = arith.constant 0 : i32
    %scan3A_29 = arith.constant 64 : i32
    %scan3A_30 = arith.addi %scan3A_28, %scan3A_29 : i32
    %scan3A_31 = arith.constant 1 : i32
    scf.for %scan3A_67 = %scan3A_28 to %scan3A_30 step %scan3A_31  : i32 {
      %mul3A_68 = arith.constant 2 : i32
      %mul3A_69 = arith.muli %mul3A_68, %scan3A_67 : i32
      %add3A_70 = arith.addi %mul3A_2, %mul3A_69 : i32
      %add3A_71 = arith.constant 0 : i32
      %add3A_72 = arith.addi %add3A_70, %add3A_71 : i32
      %add3A_73 = arith.constant 1 : i32
      %add3A_74 = arith.addi %add3A_72, %add3A_73 : i32
      %add3A_75 = arith.constant 128 : i32
      %add3A_76 = arith.addi %mul3A_2, %add3A_75 : i32
      %lt3A = arith.cmpi slt, %add3A_74, %add3A_76 : i32
      %convert_element_type3A = arith.extui %lt3A : i1 to i32
      %cond3A = arith.constant 0 : i32
      %cond3A_77 = arith.cmpi ne, %convert_element_type3A, %cond3A : i32
      scf.if %cond3A_77 {
        %add3A_429 = arith.constant 1 : i32
        %add3A_430 = arith.addi %add3A_72, %add3A_429 : i32
        %dma_start3A_431 = arith.constant 1 : i32
        %dma_start3A_432 = arith.constant 0 : i32
        %dma_start3A_433 = tpu.memref_slice %arg6[%dma_start3A_431, %dma_start3A_432] : memref<2x256xi32, #tpu.memory_space<vmem>> -> memref<1x128xi32, #tpu.memory_space<vmem>>
        %dma_start3A_434 = tpu.memref_squeeze %dma_start3A_433 : memref<1x128xi32, #tpu.memory_space<vmem>> -> memref<128xi32, #tpu.memory_space<vmem>>
        %dma_start3A_435 = arith.constant 0 : i32
        %dma_start3A_436 = tpu.memref_slice %arg3[%add3A_430, %dma_start3A_435] : memref<4096x128xi32, #tpu.memory_space<hbm>> -> memref<1x128xi32, #tpu.memory_space<hbm>>
        %dma_start3A_437 = tpu.memref_squeeze %dma_start3A_436 : memref<1x128xi32, #tpu.memory_space<hbm>> -> memref<128xi32, #tpu.memory_space<hbm>>
        %dma_start3A_438 = arith.constant 0 : i32
        %dma_start3A_439 = tpu.memref_slice %arg6[%dma_start3A_431, %dma_start3A_438] : memref<2x256xi32, #tpu.memory_space<vmem>> -> memref<1x128xi32, #tpu.memory_space<vmem>>
        %dma_start3A_440 = tpu.memref_squeeze %dma_start3A_439 : memref<1x128xi32, #tpu.memory_space<vmem>> -> memref<128xi32, #tpu.memory_space<vmem>>
        %dma_start3A_441 = arith.constant 0 : i32
        %dma_start3A_442 = tpu.memref_slice %arg3[%add3A_430, %dma_start3A_441] : memref<4096x128xi32, #tpu.memory_space<hbm>> -> memref<1x128xi32, #tpu.memory_space<hbm>>
        %dma_start3A_443 = tpu.memref_squeeze %dma_start3A_442 : memref<1x128xi32, #tpu.memory_space<hbm>> -> memref<128xi32, #tpu.memory_space<hbm>>
        tpu.enqueue_dma source(%dma_start3A_443 : memref<128xi32, #tpu.memory_space<hbm>>) target(%dma_start3A_440 : memref<128xi32, #tpu.memory_space<vmem>>) target_semaphore(%arg9 : memref<!tpu.dma_semaphore, #tpu.memory_space<semaphore_mem>>)
        %dma_start3A_444 = arith.constant 1 : i32
        %dma_start3A_445 = arith.constant 128 : i32
        %dma_start3A_446 = tpu.memref_slice %arg6[%dma_start3A_444, %dma_start3A_445] : memref<2x256xi32, #tpu.memory_space<vmem>> -> memref<1x128xi32, #tpu.memory_space<vmem>>
        %dma_start3A_447 = tpu.memref_squeeze %dma_start3A_446 : memref<1x128xi32, #tpu.memory_space<vmem>> -> memref<128xi32, #tpu.memory_space<vmem>>
        %dma_start3A_448 = arith.constant 0 : i32
        %dma_start3A_449 = tpu.memref_slice %arg4[%add3A_430, %dma_start3A_448] : memref<4096x128xi32, #tpu.memory_space<hbm>> -> memref<1x128xi32, #tpu.memory_space<hbm>>
        %dma_start3A_450 = tpu.memref_squeeze %dma_start3A_449 : memref<1x128xi32, #tpu.memory_space<hbm>> -> memref<128xi32, #tpu.memory_space<hbm>>
        %dma_start3A_451 = arith.constant 128 : i32
        %dma_start3A_452 = tpu.memref_slice %arg6[%dma_start3A_444, %dma_start3A_451] : memref<2x256xi32, #tpu.memory_space<vmem>> -> memref<1x128xi32, #tpu.memory_space<vmem>>
        %dma_start3A_453 = tpu.memref_squeeze %dma_start3A_452 : memref<1x128xi32, #tpu.memory_space<vmem>> -> memref<128xi32, #tpu.memory_space<vmem>>
        %dma_start3A_454 = arith.constant 0 : i32
        %dma_start3A_455 = tpu.memref_slice %arg4[%add3A_430, %dma_start3A_454] : memref<4096x128xi32, #tpu.memory_space<hbm>> -> memref<1x128xi32, #tpu.memory_space<hbm>>
        %dma_start3A_456 = tpu.memref_squeeze %dma_start3A_455 : memref<1x128xi32, #tpu.memory_space<hbm>> -> memref<128xi32, #tpu.memory_space<hbm>>
        tpu.enqueue_dma source(%dma_start3A_456 : memref<128xi32, #tpu.memory_space<hbm>>) target(%dma_start3A_453 : memref<128xi32, #tpu.memory_space<vmem>>) target_semaphore(%arg9 : memref<!tpu.dma_semaphore, #tpu.memory_space<semaphore_mem>>)
      } else {
      }
      %dma_wait3A_78 = arith.constant 0 : i32
      %dma_wait3A_79 = arith.constant 0 : i32
      %dma_wait3A_80 = arith.constant 0 : i32
      %dma_wait3A_81 = tpu.memref_slice %arg6[%dma_wait3A_79, %dma_wait3A_80] : memref<2x256xi32, #tpu.memory_space<vmem>> -> memref<1x128xi32, #tpu.memory_space<vmem>>
      %dma_wait3A_82 = tpu.memref_squeeze %dma_wait3A_81 : memref<1x128xi32, #tpu.memory_space<vmem>> -> memref<128xi32, #tpu.memory_space<vmem>>
      %dma_wait3A_83 = arith.constant 0 : i32
      %dma_wait3A_84 = tpu.memref_slice %arg3[%dma_wait3A_78, %dma_wait3A_83] : memref<4096x128xi32, #tpu.memory_space<hbm>> -> memref<1x128xi32, #tpu.memory_space<hbm>>
      %dma_wait3A_85 = tpu.memref_squeeze %dma_wait3A_84 : memref<1x128xi32, #tpu.memory_space<hbm>> -> memref<128xi32, #tpu.memory_space<hbm>>
      %dma_wait3A_86 = arith.constant 0 : i32
      %dma_wait3A_87 = tpu.memref_slice %arg6[%dma_wait3A_79, %dma_wait3A_86] : memref<2x256xi32, #tpu.memory_space<vmem>> -> memref<1x128xi32, #tpu.memory_space<vmem>>
      %dma_wait3A_88 = tpu.memref_squeeze %dma_wait3A_87 : memref<1x128xi32, #tpu.memory_space<vmem>> -> memref<128xi32, #tpu.memory_space<vmem>>
      %dma_wait3A_89 = arith.constant 0 : i32
      %dma_wait3A_90 = tpu.memref_slice %arg3[%dma_wait3A_78, %dma_wait3A_89] : memref<4096x128xi32, #tpu.memory_space<hbm>> -> memref<1x128xi32, #tpu.memory_space<hbm>>
      %dma_wait3A_91 = tpu.memref_squeeze %dma_wait3A_90 : memref<1x128xi32, #tpu.memory_space<hbm>> -> memref<128xi32, #tpu.memory_space<hbm>>
      tpu.wait_dma2 semaphore(%arg8 : memref<!tpu.dma_semaphore, #tpu.memory_space<semaphore_mem>>) src(%dma_wait3A_91 : memref<128xi32, #tpu.memory_space<hbm>>) dst(%dma_wait3A_88 : memref<128xi32, #tpu.memory_space<vmem>>)
      %dma_wait3A_92 = arith.constant 0 : i32
      %dma_wait3A_93 = arith.constant 0 : i32
      %dma_wait3A_94 = arith.constant 128 : i32
      %dma_wait3A_95 = tpu.memref_slice %arg6[%dma_wait3A_93, %dma_wait3A_94] : memref<2x256xi32, #tpu.memory_space<vmem>> -> memref<1x128xi32, #tpu.memory_space<vmem>>
      %dma_wait3A_96 = tpu.memref_squeeze %dma_wait3A_95 : memref<1x128xi32, #tpu.memory_space<vmem>> -> memref<128xi32, #tpu.memory_space<vmem>>
      %dma_wait3A_97 = arith.constant 0 : i32
      %dma_wait3A_98 = tpu.memref_slice %arg4[%dma_wait3A_92, %dma_wait3A_97] : memref<4096x128xi32, #tpu.memory_space<hbm>> -> memref<1x128xi32, #tpu.memory_space<hbm>>
      %dma_wait3A_99 = tpu.memref_squeeze %dma_wait3A_98 : memref<1x128xi32, #tpu.memory_space<hbm>> -> memref<128xi32, #tpu.memory_space<hbm>>
      %dma_wait3A_100 = arith.constant 128 : i32
      %dma_wait3A_101 = tpu.memref_slice %arg6[%dma_wait3A_93, %dma_wait3A_100] : memref<2x256xi32, #tpu.memory_space<vmem>> -> memref<1x128xi32, #tpu.memory_space<vmem>>
      %dma_wait3A_102 = tpu.memref_squeeze %dma_wait3A_101 : memref<1x128xi32, #tpu.memory_space<vmem>> -> memref<128xi32, #tpu.memory_space<vmem>>
      %dma_wait3A_103 = arith.constant 0 : i32
      %dma_wait3A_104 = tpu.memref_slice %arg4[%dma_wait3A_92, %dma_wait3A_103] : memref<4096x128xi32, #tpu.memory_space<hbm>> -> memref<1x128xi32, #tpu.memory_space<hbm>>
      %dma_wait3A_105 = tpu.memref_squeeze %dma_wait3A_104 : memref<1x128xi32, #tpu.memory_space<hbm>> -> memref<128xi32, #tpu.memory_space<hbm>>
      tpu.wait_dma2 semaphore(%arg8 : memref<!tpu.dma_semaphore, #tpu.memory_space<semaphore_mem>>) src(%dma_wait3A_105 : memref<128xi32, #tpu.memory_space<hbm>>) dst(%dma_wait3A_102 : memref<128xi32, #tpu.memory_space<vmem>>)
      %add3A_106 = arith.constant 2 : i32
      %add3A_107 = arith.addi %mul3A_2, %add3A_106 : i32
      %ge3A = arith.cmpi sge, %add3A_72, %add3A_107 : i32
      %convert_element_type3A_108 = arith.extui %ge3A : i1 to i32
      %cond3A_109 = arith.constant 0 : i32
      %cond3A_110 = arith.cmpi ne, %convert_element_type3A_108, %cond3A_109 : i32
      scf.if %cond3A_110 {
        %dma_wait3A_429 = arith.constant 0 : i32
        %dma_wait3A_430 = arith.constant 0 : i32
        %dma_wait3A_431 = arith.constant 0 : i32
        %dma_wait3A_432 = tpu.memref_slice %arg7[%dma_wait3A_429, %dma_wait3A_430, %dma_wait3A_431] : memref<2x200x64xf32, #tpu.memory_space<vmem>> -> memref<1x200x64xf32, #tpu.memory_space<vmem>>
        %dma_wait3A_433 = tpu.memref_squeeze %dma_wait3A_432 : memref<1x200x64xf32, #tpu.memory_space<vmem>> -> memref<200x64xf32, #tpu.memory_space<vmem>>
        %dma_wait3A_434 = arith.constant 0 : i32
        %dma_wait3A_435 = arith.constant 0 : i32
        %dma_wait3A_436 = tpu.memref_slice %arg2[%dma_wait3A_434, %dma_wait3A_435] : memref<1000000x64xf32, #tpu.memory_space<hbm>> -> memref<200x64xf32, #tpu.memory_space<hbm>>
        %dma_wait3A_437 = arith.constant 0 : i32
        %dma_wait3A_438 = arith.constant 0 : i32
        %dma_wait3A_439 = tpu.memref_slice %arg7[%dma_wait3A_429, %dma_wait3A_437, %dma_wait3A_438] : memref<2x200x64xf32, #tpu.memory_space<vmem>> -> memref<1x200x64xf32, #tpu.memory_space<vmem>>
        %dma_wait3A_440 = tpu.memref_squeeze %dma_wait3A_439 : memref<1x200x64xf32, #tpu.memory_space<vmem>> -> memref<200x64xf32, #tpu.memory_space<vmem>>
        %dma_wait3A_441 = arith.constant 0 : i32
        %dma_wait3A_442 = arith.constant 0 : i32
        %dma_wait3A_443 = tpu.memref_slice %arg2[%dma_wait3A_441, %dma_wait3A_442] : memref<1000000x64xf32, #tpu.memory_space<hbm>> -> memref<200x64xf32, #tpu.memory_space<hbm>>
        tpu.wait_dma2 semaphore(%arg12 : memref<!tpu.dma_semaphore, #tpu.memory_space<semaphore_mem>>) src(%dma_wait3A_443 : memref<200x64xf32, #tpu.memory_space<hbm>>) dst(%dma_wait3A_440 : memref<200x64xf32, #tpu.memory_space<vmem>>)
      } else {
      }
      %scan3A_111 = arith.constant 0 : i32
      %scan3A_112 = arith.constant 0 : i32
      %scan3A_113 = arith.constant 12 : i32
      %scan3A_114 = arith.addi %scan3A_112, %scan3A_113 : i32
      %scan3A_115 = arith.constant 1 : i32
      scf.for %scan3A_429 = %scan3A_112 to %scan3A_114 step %scan3A_115  : i32 {
        %mul3A_430 = arith.constant 16 : i32
        %mul3A_431 = arith.muli %scan3A_429, %mul3A_430 : i32
        %get3A_432 = arith.constant 0 : i32
        %get3A_433 = arith.index_cast %get3A_432 : i32 to index
        %get3A_434 = arith.index_cast %mul3A_431 : i32 to index
        %get3A_435 = tpu.vector_load %arg6[%get3A_433, %get3A_434] {strides = array<i32>} : memref<2x256xi32, #tpu.memory_space<vmem>>, vector<1x16xi32>,
        %get3A_436 = vector.shape_cast %get3A_435 : vector<1x16xi32> to vector<16xi32>
        %slice3A_437 = vector.extract_strided_slice %get3A_436 {offsets = [0], sizes = [1], strides = [1]} : vector<16xi32> to vector<1xi32>
        %squeeze3A_438 = vector.extract %slice3A_437[0] : i32 from vector<1xi32>
        %mul3A_439 = arith.constant 16 : i32
        %mul3A_440 = arith.muli %scan3A_429, %mul3A_439 : i32
        %add3A_441 = arith.constant 0 : i32
        %add3A_442 = arith.addi %mul3A_440, %add3A_441 : i32
        %dma_start3A_443 = arith.constant 0 : i32
        %dma_start3A_444 = arith.constant 0 : i32
        %dma_start3A_445 = tpu.memref_slice %arg7[%dma_start3A_443, %add3A_442, %dma_start3A_444] : memref<2x200x64xf32, #tpu.memory_space<vmem>> -> memref<1x1x64xf32, #tpu.memory_space<vmem>>
        %dma_start3A_446 = tpu.memref_squeeze %dma_start3A_445 : memref<1x1x64xf32, #tpu.memory_space<vmem>> -> memref<1x64xf32, #tpu.memory_space<vmem>>
        %dma_start3A_447 = arith.constant 0 : i32
        %dma_start3A_448 = tpu.memref_slice %arg2[%squeeze3A_438, %dma_start3A_447] : memref<1000000x64xf32, #tpu.memory_space<hbm>> -> memref<1x64xf32, #tpu.memory_space<hbm>>
        %dma_start3A_449 = arith.constant 0 : i32
        %dma_start3A_450 = tpu.memref_slice %arg7[%dma_start3A_443, %add3A_442, %dma_start3A_449] : memref<2x200x64xf32, #tpu.memory_space<vmem>> -> memref<1x1x64xf32, #tpu.memory_space<vmem>>
        %dma_start3A_451 = tpu.memref_squeeze %dma_start3A_450 : memref<1x1x64xf32, #tpu.memory_space<vmem>> -> memref<1x64xf32, #tpu.memory_space<vmem>>
        %dma_start3A_452 = arith.constant 0 : i32
        %dma_start3A_453 = tpu.memref_slice %arg2[%squeeze3A_438, %dma_start3A_452] : memref<1000000x64xf32, #tpu.memory_space<hbm>> -> memref<1x64xf32, #tpu.memory_space<hbm>>
        tpu.enqueue_dma source(%dma_start3A_453 : memref<1x64xf32, #tpu.memory_space<hbm>>) target(%dma_start3A_451 : memref<1x64xf32, #tpu.memory_space<vmem>>) target_semaphore(%arg10 : memref<!tpu.dma_semaphore, #tpu.memory_space<semaphore_mem>>)
        %slice3A_454 = vector.extract_strided_slice %get3A_436 {offsets = [1], sizes = [1], strides = [1]} : vector<16xi32> to vector<1xi32>
        %squeeze3A_455 = vector.extract %slice3A_454[0] : i32 from vector<1xi32>
        %mul3A_456 = arith.constant 16 : i32
        %mul3A_457 = arith.muli %scan3A_429, %mul3A_456 : i32
        %add3A_458 = arith.constant 1 : i32
        %add3A_459 = arith.addi %mul3A_457, %add3A_458 : i32
        %dma_start3A_460 = arith.constant 0 : i32
        %dma_start3A_461 = arith.constant 0 : i32
        %dma_start3A_462 = tpu.memref_slice %arg7[%dma_start3A_460, %add3A_459, %dma_start3A_461] : memref<2x200x64xf32, #tpu.memory_space<vmem>> -> memref<1x1x64xf32, #tpu.memory_space<vmem>>
        %dma_start3A_463 = tpu.memref_squeeze %dma_start3A_462 : memref<1x1x64xf32, #tpu.memory_space<vmem>> -> memref<1x64xf32, #tpu.memory_space<vmem>>
        %dma_start3A_464 = arith.constant 0 : i32
        %dma_start3A_465 = tpu.memref_slice %arg2[%squeeze3A_455, %dma_start3A_464] : memref<1000000x64xf32, #tpu.memory_space<hbm>> -> memref<1x64xf32, #tpu.memory_space<hbm>>
        %dma_start3A_466 = arith.constant 0 : i32
        %dma_start3A_467 = tpu.memref_slice %arg7[%dma_start3A_460, %add3A_459, %dma_start3A_466] : memref<2x200x64xf32, #tpu.memory_space<vmem>> -> memref<1x1x64xf32, #tpu.memory_space<vmem>>
        %dma_start3A_468 = tpu.memref_squeeze %dma_start3A_467 : memref<1x1x64xf32, #tpu.memory_space<vmem>> -> memref<1x64xf32, #tpu.memory_space<vmem>>
        %dma_start3A_469 = arith.constant 0 : i32
        %dma_start3A_470 = tpu.memref_slice %arg2[%squeeze3A_455, %dma_start3A_469] : memref<1000000x64xf32, #tpu.memory_space<hbm>> -> memref<1x64xf32, #tpu.memory_space<hbm>>
        tpu.enqueue_dma source(%dma_start3A_470 : memref<1x64xf32, #tpu.memory_space<hbm>>) target(%dma_start3A_468 : memref<1x64xf32, #tpu.memory_space<vmem>>) target_semaphore(%arg10 : memref<!tpu.dma_semaphore, #tpu.memory_space<semaphore_mem>>)
        %slice3A_471 = vector.extract_strided_slice %get3A_436 {offsets = [2], sizes = [1], strides = [1]} : vector<16xi32> to vector<1xi32>
        %squeeze3A_472 = vector.extract %slice3A_471[0] : i32 from vector<1xi32>
        %mul3A_473 = arith.constant 16 : i32
        %mul3A_474 = arith.muli %scan3A_429, %mul3A_473 : i32
        %add3A_475 = arith.constant 2 : i32
        %add3A_476 = arith.addi %mul3A_474, %add3A_475 : i32
        %dma_start3A_477 = arith.constant 0 : i32
        %dma_start3A_478 = arith.constant 0 : i32
        %dma_start3A_479 = tpu.memref_slice %arg7[%dma_start3A_477, %add3A_476, %dma_start3A_478] : memref<2x200x64xf32, #tpu.memory_space<vmem>> -> memref<1x1x64xf32, #tpu.memory_space<vmem>>
        %dma_start3A_480 = tpu.memref_squeeze %dma_start3A_479 : memref<1x1x64xf32, #tpu.memory_space<vmem>> -> memref<1x64xf32, #tpu.memory_space<vmem>>
        %dma_start3A_481 = arith.constant 0 : i32
        %dma_start3A_482 = tpu.memref_slice %arg2[%squeeze3A_472, %dma_start3A_481] : memref<1000000x64xf32, #tpu.memory_space<hbm>> -> memref<1x64xf32, #tpu.memory_space<hbm>>
        %dma_start3A_483 = arith.constant 0 : i32
        %dma_start3A_484 = tpu.memref_slice %arg7[%dma_start3A_477, %add3A_476, %dma_start3A_483] : memref<2x200x64xf32, #tpu.memory_space<vmem>> -> memref<1x1x64xf32, #tpu.memory_space<vmem>>
        %dma_start3A_485 = tpu.memref_squeeze %dma_start3A_484 : memref<1x1x64xf32, #tpu.memory_space<vmem>> -> memref<1x64xf32, #tpu.memory_space<vmem>>
        %dma_start3A_486 = arith.constant 0 : i32
        %dma_start3A_487 = tpu.memref_slice %arg2[%squeeze3A_472, %dma_start3A_486] : memref<1000000x64xf32, #tpu.memory_space<hbm>> -> memref<1x64xf32, #tpu.memory_space<hbm>>
        tpu.enqueue_dma source(%dma_start3A_487 : memref<1x64xf32, #tpu.memory_space<hbm>>) target(%dma_start3A_485 : memref<1x64xf32, #tpu.memory_space<vmem>>) target_semaphore(%arg10 : memref<!tpu.dma_semaphore, #tpu.memory_space<semaphore_mem>>)
        %slice3A_488 = vector.extract_strided_slice %get3A_436 {offsets = [3], sizes = [1], strides = [1]} : vector<16xi32> to vector<1xi32>
        %squeeze3A_489 = vector.extract %slice3A_488[0] : i32 from vector<1xi32>
        %mul3A_490 = arith.constant 16 : i32
        %mul3A_491 = arith.muli %scan3A_429, %mul3A_490 : i32
        %add3A_492 = arith.constant 3 : i32
        %add3A_493 = arith.addi %mul3A_491, %add3A_492 : i32
        %dma_start3A_494 = arith.constant 0 : i32
        %dma_start3A_495 = arith.constant 0 : i32
        %dma_start3A_496 = tpu.memref_slice %arg7[%dma_start3A_494, %add3A_493, %dma_start3A_495] : memref<2x200x64xf32, #tpu.memory_space<vmem>> -> memref<1x1x64xf32, #tpu.memory_space<vmem>>
        %dma_start3A_497 = tpu.memref_squeeze %dma_start3A_496 : memref<1x1x64xf32, #tpu.memory_space<vmem>> -> memref<1x64xf32, #tpu.memory_space<vmem>>
        %dma_start3A_498 = arith.constant 0 : i32
        %dma_start3A_499 = tpu.memref_slice %arg2[%squeeze3A_489, %dma_start3A_498] : memref<1000000x64xf32, #tpu.memory_space<hbm>> -> memref<1x64xf32, #tpu.memory_space<hbm>>
        %dma_start3A_500 = arith.constant 0 : i32
        %dma_start3A_501 = tpu.memref_slice %arg7[%dma_start3A_494, %add3A_493, %dma_start3A_500] : memref<2x200x64xf32, #tpu.memory_space<vmem>> -> memref<1x1x64xf32, #tpu.memory_space<vmem>>
        %dma_start3A_502 = tpu.memref_squeeze %dma_start3A_501 : memref<1x1x64xf32, #tpu.memory_space<vmem>> -> memref<1x64xf32, #tpu.memory_space<vmem>>
        %dma_start3A_503 = arith.constant 0 : i32
        %dma_start3A_504 = tpu.memref_slice %arg2[%squeeze3A_489, %dma_start3A_503] : memref<1000000x64xf32, #tpu.memory_space<hbm>> -> memref<1x64xf32, #tpu.memory_space<hbm>>
        tpu.enqueue_dma source(%dma_start3A_504 : memref<1x64xf32, #tpu.memory_space<hbm>>) target(%dma_start3A_502 : memref<1x64xf32, #tpu.memory_space<vmem>>) target_semaphore(%arg10 : memref<!tpu.dma_semaphore, #tpu.memory_space<semaphore_mem>>)
        %slice3A_505 = vector.extract_strided_slice %get3A_436 {offsets = [4], sizes = [1], strides = [1]} : vector<16xi32> to vector<1xi32>
        %squeeze3A_506 = vector.extract %slice3A_505[0] : i32 from vector<1xi32>
        %mul3A_507 = arith.constant 16 : i32
        %mul3A_508 = arith.muli %scan3A_429, %mul3A_507 : i32
        %add3A_509 = arith.constant 4 : i32
        %add3A_510 = arith.addi %mul3A_508, %add3A_509 : i32
        %dma_start3A_511 = arith.constant 0 : i32
        %dma_start3A_512 = arith.constant 0 : i32
        %dma_start3A_513 = tpu.memref_slice %arg7[%dma_start3A_511, %add3A_510, %dma_start3A_512] : memref<2x200x64xf32, #tpu.memory_space<vmem>> -> memref<1x1x64xf32, #tpu.memory_space<vmem>>
        %dma_start3A_514 = tpu.memref_squeeze %dma_start3A_513 : memref<1x1x64xf32, #tpu.memory_space<vmem>> -> memref<1x64xf32, #tpu.memory_space<vmem>>
        %dma_start3A_515 = arith.constant 0 : i32
        %dma_start3A_516 = tpu.memref_slice %arg2[%squeeze3A_506, %dma_start3A_515] : memref<1000000x64xf32, #tpu.memory_space<hbm>> -> memref<1x64xf32, #tpu.memory_space<hbm>>
        %dma_start3A_517 = arith.constant 0 : i32
        %dma_start3A_518 = tpu.memref_slice %arg7[%dma_start3A_511, %add3A_510, %dma_start3A_517] : memref<2x200x64xf32, #tpu.memory_space<vmem>> -> memref<1x1x64xf32, #tpu.memory_space<vmem>>
        %dma_start3A_519 = tpu.memref_squeeze %dma_start3A_518 : memref<1x1x64xf32, #tpu.memory_space<vmem>> -> memref<1x64xf32, #tpu.memory_space<vmem>>
        %dma_start3A_520 = arith.constant 0 : i32
        %dma_start3A_521 = tpu.memref_slice %arg2[%squeeze3A_506, %dma_start3A_520] : memref<1000000x64xf32, #tpu.memory_space<hbm>> -> memref<1x64xf32, #tpu.memory_space<hbm>>
        tpu.enqueue_dma source(%dma_start3A_521 : memref<1x64xf32, #tpu.memory_space<hbm>>) target(%dma_start3A_519 : memref<1x64xf32, #tpu.memory_space<vmem>>) target_semaphore(%arg10 : memref<!tpu.dma_semaphore, #tpu.memory_space<semaphore_mem>>)
        %slice3A_522 = vector.extract_strided_slice %get3A_436 {offsets = [5], sizes = [1], strides = [1]} : vector<16xi32> to vector<1xi32>
        %squeeze3A_523 = vector.extract %slice3A_522[0] : i32 from vector<1xi32>
        %mul3A_524 = arith.constant 16 : i32
        %mul3A_525 = arith.muli %scan3A_429, %mul3A_524 : i32
        %add3A_526 = arith.constant 5 : i32
        %add3A_527 = arith.addi %mul3A_525, %add3A_526 : i32
        %dma_start3A_528 = arith.constant 0 : i32
        %dma_start3A_529 = arith.constant 0 : i32
        %dma_start3A_530 = tpu.memref_slice %arg7[%dma_start3A_528, %add3A_527, %dma_start3A_529] : memref<2x200x64xf32, #tpu.memory_space<vmem>> -> memref<1x1x64xf32, #tpu.memory_space<vmem>>
        %dma_start3A_531 = tpu.memref_squeeze %dma_start3A_530 : memref<1x1x64xf32, #tpu.memory_space<vmem>> -> memref<1x64xf32, #tpu.memory_space<vmem>>
        %dma_start3A_532 = arith.constant 0 : i32
        %dma_start3A_533 = tpu.memref_slice %arg2[%squeeze3A_523, %dma_start3A_532] : memref<1000000x64xf32, #tpu.memory_space<hbm>> -> memref<1x64xf32, #tpu.memory_space<hbm>>
        %dma_start3A_534 = arith.constant 0 : i32
        %dma_start3A_535 = tpu.memref_slice %arg7[%dma_start3A_528, %add3A_527, %dma_start3A_534] : memref<2x200x64xf32, #tpu.memory_space<vmem>> -> memref<1x1x64xf32, #tpu.memory_space<vmem>>
        %dma_start3A_536 = tpu.memref_squeeze %dma_start3A_535 : memref<1x1x64xf32, #tpu.memory_space<vmem>> -> memref<1x64xf32, #tpu.memory_space<vmem>>
        %dma_start3A_537 = arith.constant 0 : i32
        %dma_start3A_538 = tpu.memref_slice %arg2[%squeeze3A_523, %dma_start3A_537] : memref<1000000x64xf32, #tpu.memory_space<hbm>> -> memref<1x64xf32, #tpu.memory_space<hbm>>
        tpu.enqueue_dma source(%dma_start3A_538 : memref<1x64xf32, #tpu.memory_space<hbm>>) target(%dma_start3A_536 : memref<1x64xf32, #tpu.memory_space<vmem>>) target_semaphore(%arg10 : memref<!tpu.dma_semaphore, #tpu.memory_space<semaphore_mem>>)
        %slice3A_539 = vector.extract_strided_slice %get3A_436 {offsets = [6], sizes = [1], strides = [1]} : vector<16xi32> to vector<1xi32>
        %squeeze3A_540 = vector.extract %slice3A_539[0] : i32 from vector<1xi32>
        %mul3A_541 = arith.constant 16 : i32
        %mul3A_542 = arith.muli %scan3A_429, %mul3A_541 : i32
        %add3A_543 = arith.constant 6 : i32
        %add3A_544 = arith.addi %mul3A_542, %add3A_543 : i32
        %dma_start3A_545 = arith.constant 0 : i32
        %dma_start3A_546 = arith.constant 0 : i32
        %dma_start3A_547 = tpu.memref_slice %arg7[%dma_start3A_545, %add3A_544, %dma_start3A_546] : memref<2x200x64xf32, #tpu.memory_space<vmem>> -> memref<1x1x64xf32, #tpu.memory_space<vmem>>
        %dma_start3A_548 = tpu.memref_squeeze %dma_start3A_547 : memref<1x1x64xf32, #tpu.memory_space<vmem>> -> memref<1x64xf32, #tpu.memory_space<vmem>>
        %dma_start3A_549 = arith.constant 0 : i32
        %dma_start3A_550 = tpu.memref_slice %arg2[%squeeze3A_540, %dma_start3A_549] : memref<1000000x64xf32, #tpu.memory_space<hbm>> -> memref<1x64xf32, #tpu.memory_space<hbm>>
        %dma_start3A_551 = arith.constant 0 : i32
        %dma_start3A_552 = tpu.memref_slice %arg7[%dma_start3A_545, %add3A_544, %dma_start3A_551] : memref<2x200x64xf32, #tpu.memory_space<vmem>> -> memref<1x1x64xf32, #tpu.memory_space<vmem>>
        %dma_start3A_553 = tpu.memref_squeeze %dma_start3A_552 : memref<1x1x64xf32, #tpu.memory_space<vmem>> -> memref<1x64xf32, #tpu.memory_space<vmem>>
        %dma_start3A_554 = arith.constant 0 : i32
        %dma_start3A_555 = tpu.memref_slice %arg2[%squeeze3A_540, %dma_start3A_554] : memref<1000000x64xf32, #tpu.memory_space<hbm>> -> memref<1x64xf32, #tpu.memory_space<hbm>>
        tpu.enqueue_dma source(%dma_start3A_555 : memref<1x64xf32, #tpu.memory_space<hbm>>) target(%dma_start3A_553 : memref<1x64xf32, #tpu.memory_space<vmem>>) target_semaphore(%arg10 : memref<!tpu.dma_semaphore, #tpu.memory_space<semaphore_mem>>)
        %slice3A_556 = vector.extract_strided_slice %get3A_436 {offsets = [7], sizes = [1], strides = [1]} : vector<16xi32> to vector<1xi32>
        %squeeze3A_557 = vector.extract %slice3A_556[0] : i32 from vector<1xi32>
        %mul3A_558 = arith.constant 16 : i32
        %mul3A_559 = arith.muli %scan3A_429, %mul3A_558 : i32
        %add3A_560 = arith.constant 7 : i32
        %add3A_561 = arith.addi %mul3A_559, %add3A_560 : i32
        %dma_start3A_562 = arith.constant 0 : i32
        %dma_start3A_563 = arith.constant 0 : i32
        %dma_start3A_564 = tpu.memref_slice %arg7[%dma_start3A_562, %add3A_561, %dma_start3A_563] : memref<2x200x64xf32, #tpu.memory_space<vmem>> -> memref<1x1x64xf32, #tpu.memory_space<vmem>>
        %dma_start3A_565 = tpu.memref_squeeze %dma_start3A_564 : memref<1x1x64xf32, #tpu.memory_space<vmem>> -> memref<1x64xf32, #tpu.memory_space<vmem>>
        %dma_start3A_566 = arith.constant 0 : i32
        %dma_start3A_567 = tpu.memref_slice %arg2[%squeeze3A_557, %dma_start3A_566] : memref<1000000x64xf32, #tpu.memory_space<hbm>> -> memref<1x64xf32, #tpu.memory_space<hbm>>
        %dma_start3A_568 = arith.constant 0 : i32
        %dma_start3A_569 = tpu.memref_slice %arg7[%dma_start3A_562, %add3A_561, %dma_start3A_568] : memref<2x200x64xf32, #tpu.memory_space<vmem>> -> memref<1x1x64xf32, #tpu.memory_space<vmem>>
        %dma_start3A_570 = tpu.memref_squeeze %dma_start3A_569 : memref<1x1x64xf32, #tpu.memory_space<vmem>> -> memref<1x64xf32, #tpu.memory_space<vmem>>
        %dma_start3A_571 = arith.constant 0 : i32
        %dma_start3A_572 = tpu.memref_slice %arg2[%squeeze3A_557, %dma_start3A_571] : memref<1000000x64xf32, #tpu.memory_space<hbm>> -> memref<1x64xf32, #tpu.memory_space<hbm>>
        tpu.enqueue_dma source(%dma_start3A_572 : memref<1x64xf32, #tpu.memory_space<hbm>>) target(%dma_start3A_570 : memref<1x64xf32, #tpu.memory_space<vmem>>) target_semaphore(%arg10 : memref<!tpu.dma_semaphore, #tpu.memory_space<semaphore_mem>>)
        %slice3A_573 = vector.extract_strided_slice %get3A_436 {offsets = [8], sizes = [1], strides = [1]} : vector<16xi32> to vector<1xi32>
        %squeeze3A_574 = vector.extract %slice3A_573[0] : i32 from vector<1xi32>
        %mul3A_575 = arith.constant 16 : i32
        %mul3A_576 = arith.muli %scan3A_429, %mul3A_575 : i32
        %add3A_577 = arith.constant 8 : i32
        %add3A_578 = arith.addi %mul3A_576, %add3A_577 : i32
        %dma_start3A_579 = arith.constant 0 : i32
        %dma_start3A_580 = arith.constant 0 : i32
        %dma_start3A_581 = tpu.memref_slice %arg7[%dma_start3A_579, %add3A_578, %dma_start3A_580] : memref<2x200x64xf32, #tpu.memory_space<vmem>> -> memref<1x1x64xf32, #tpu.memory_space<vmem>>
        %dma_start3A_582 = tpu.memref_squeeze %dma_start3A_581 : memref<1x1x64xf32, #tpu.memory_space<vmem>> -> memref<1x64xf32, #tpu.memory_space<vmem>>
        %dma_start3A_583 = arith.constant 0 : i32
        %dma_start3A_584 = tpu.memref_slice %arg2[%squeeze3A_574, %dma_start3A_583] : memref<1000000x64xf32, #tpu.memory_space<hbm>> -> memref<1x64xf32, #tpu.memory_space<hbm>>
        %dma_start3A_585 = arith.constant 0 : i32
        %dma_start3A_586 = tpu.memref_slice %arg7[%dma_start3A_579, %add3A_578, %dma_start3A_585] : memref<2x200x64xf32, #tpu.memory_space<vmem>> -> memref<1x1x64xf32, #tpu.memory_space<vmem>>
        %dma_start3A_587 = tpu.memref_squeeze %dma_start3A_586 : memref<1x1x64xf32, #tpu.memory_space<vmem>> -> memref<1x64xf32, #tpu.memory_space<vmem>>
        %dma_start3A_588 = arith.constant 0 : i32
        %dma_start3A_589 = tpu.memref_slice %arg2[%squeeze3A_574, %dma_start3A_588] : memref<1000000x64xf32, #tpu.memory_space<hbm>> -> memref<1x64xf32, #tpu.memory_space<hbm>>
        tpu.enqueue_dma source(%dma_start3A_589 : memref<1x64xf32, #tpu.memory_space<hbm>>) target(%dma_start3A_587 : memref<1x64xf32, #tpu.memory_space<vmem>>) target_semaphore(%arg10 : memref<!tpu.dma_semaphore, #tpu.memory_space<semaphore_mem>>)
        %slice3A_590 = vector.extract_strided_slice %get3A_436 {offsets = [9], sizes = [1], strides = [1]} : vector<16xi32> to vector<1xi32>
        %squeeze3A_591 = vector.extract %slice3A_590[0] : i32 from vector<1xi32>
        %mul3A_592 = arith.constant 16 : i32
        %mul3A_593 = arith.muli %scan3A_429, %mul3A_592 : i32
        %add3A_594 = arith.constant 9 : i32
        %add3A_595 = arith.addi %mul3A_593, %add3A_594 : i32
        %dma_start3A_596 = arith.constant 0 : i32
        %dma_start3A_597 = arith.constant 0 : i32
        %dma_start3A_598 = tpu.memref_slice %arg7[%dma_start3A_596, %add3A_595, %dma_start3A_597] : memref<2x200x64xf32, #tpu.memory_space<vmem>> -> memref<1x1x64xf32, #tpu.memory_space<vmem>>
        %dma_start3A_599 = tpu.memref_squeeze %dma_start3A_598 : memref<1x1x64xf32, #tpu.memory_space<vmem>> -> memref<1x64xf32, #tpu.memory_space<vmem>>
        %dma_start3A_600 = arith.constant 0 : i32
        %dma_start3A_601 = tpu.memref_slice %arg2[%squeeze3A_591, %dma_start3A_600] : memref<1000000x64xf32, #tpu.memory_space<hbm>> -> memref<1x64xf32, #tpu.memory_space<hbm>>
        %dma_start3A_602 = arith.constant 0 : i32
        %dma_start3A_603 = tpu.memref_slice %arg7[%dma_start3A_596, %add3A_595, %dma_start3A_602] : memref<2x200x64xf32, #tpu.memory_space<vmem>> -> memref<1x1x64xf32, #tpu.memory_space<vmem>>
        %dma_start3A_604 = tpu.memref_squeeze %dma_start3A_603 : memref<1x1x64xf32, #tpu.memory_space<vmem>> -> memref<1x64xf32, #tpu.memory_space<vmem>>
        %dma_start3A_605 = arith.constant 0 : i32
        %dma_start3A_606 = tpu.memref_slice %arg2[%squeeze3A_591, %dma_start3A_605] : memref<1000000x64xf32, #tpu.memory_space<hbm>> -> memref<1x64xf32, #tpu.memory_space<hbm>>
        tpu.enqueue_dma source(%dma_start3A_606 : memref<1x64xf32, #tpu.memory_space<hbm>>) target(%dma_start3A_604 : memref<1x64xf32, #tpu.memory_space<vmem>>) target_semaphore(%arg10 : memref<!tpu.dma_semaphore, #tpu.memory_space<semaphore_mem>>)
        %slice3A_607 = vector.extract_strided_slice %get3A_436 {offsets = [10], sizes = [1], strides = [1]} : vector<16xi32> to vector<1xi32>
        %squeeze3A_608 = vector.extract %slice3A_607[0] : i32 from vector<1xi32>
        %mul3A_609 = arith.constant 16 : i32
        %mul3A_610 = arith.muli %scan3A_429, %mul3A_609 : i32
        %add3A_611 = arith.constant 10 : i32
        %add3A_612 = arith.addi %mul3A_610, %add3A_611 : i32
        %dma_start3A_613 = arith.constant 0 : i32
        %dma_start3A_614 = arith.constant 0 : i32
        %dma_start3A_615 = tpu.memref_slice %arg7[%dma_start3A_613, %add3A_612, %dma_start3A_614] : memref<2x200x64xf32, #tpu.memory_space<vmem>> -> memref<1x1x64xf32, #tpu.memory_space<vmem>>
        %dma_start3A_616 = tpu.memref_squeeze %dma_start3A_615 : memref<1x1x64xf32, #tpu.memory_space<vmem>> -> memref<1x64xf32, #tpu.memory_space<vmem>>
        %dma_start3A_617 = arith.constant 0 : i32
        %dma_start3A_618 = tpu.memref_slice %arg2[%squeeze3A_608, %dma_start3A_617] : memref<1000000x64xf32, #tpu.memory_space<hbm>> -> memref<1x64xf32, #tpu.memory_space<hbm>>
        %dma_start3A_619 = arith.constant 0 : i32
        %dma_start3A_620 = tpu.memref_slice %arg7[%dma_start3A_613, %add3A_612, %dma_start3A_619] : memref<2x200x64xf32, #tpu.memory_space<vmem>> -> memref<1x1x64xf32, #tpu.memory_space<vmem>>
        %dma_start3A_621 = tpu.memref_squeeze %dma_start3A_620 : memref<1x1x64xf32, #tpu.memory_space<vmem>> -> memref<1x64xf32, #tpu.memory_space<vmem>>
        %dma_start3A_622 = arith.constant 0 : i32
        %dma_start3A_623 = tpu.memref_slice %arg2[%squeeze3A_608, %dma_start3A_622] : memref<1000000x64xf32, #tpu.memory_space<hbm>> -> memref<1x64xf32, #tpu.memory_space<hbm>>
        tpu.enqueue_dma source(%dma_start3A_623 : memref<1x64xf32, #tpu.memory_space<hbm>>) target(%dma_start3A_621 : memref<1x64xf32, #tpu.memory_space<vmem>>) target_semaphore(%arg10 : memref<!tpu.dma_semaphore, #tpu.memory_space<semaphore_mem>>)
        %slice3A_624 = vector.extract_strided_slice %get3A_436 {offsets = [11], sizes = [1], strides = [1]} : vector<16xi32> to vector<1xi32>
        %squeeze3A_625 = vector.extract %slice3A_624[0] : i32 from vector<1xi32>
        %mul3A_626 = arith.constant 16 : i32
        %mul3A_627 = arith.muli %scan3A_429, %mul3A_626 : i32
        %add3A_628 = arith.constant 11 : i32
        %add3A_629 = arith.addi %mul3A_627, %add3A_628 : i32
        %dma_start3A_630 = arith.constant 0 : i32
        %dma_start3A_631 = arith.constant 0 : i32
        %dma_start3A_632 = tpu.memref_slice %arg7[%dma_start3A_630, %add3A_629, %dma_start3A_631] : memref<2x200x64xf32, #tpu.memory_space<vmem>> -> memref<1x1x64xf32, #tpu.memory_space<vmem>>
        %dma_start3A_633 = tpu.memref_squeeze %dma_start3A_632 : memref<1x1x64xf32, #tpu.memory_space<vmem>> -> memref<1x64xf32, #tpu.memory_space<vmem>>
        %dma_start3A_634 = arith.constant 0 : i32
        %dma_start3A_635 = tpu.memref_slice %arg2[%squeeze3A_625, %dma_start3A_634] : memref<1000000x64xf32, #tpu.memory_space<hbm>> -> memref<1x64xf32, #tpu.memory_space<hbm>>
        %dma_start3A_636 = arith.constant 0 : i32
        %dma_start3A_637 = tpu.memref_slice %arg7[%dma_start3A_630, %add3A_629, %dma_start3A_636] : memref<2x200x64xf32, #tpu.memory_space<vmem>> -> memref<1x1x64xf32, #tpu.memory_space<vmem>>
        %dma_start3A_638 = tpu.memref_squeeze %dma_start3A_637 : memref<1x1x64xf32, #tpu.memory_space<vmem>> -> memref<1x64xf32, #tpu.memory_space<vmem>>
        %dma_start3A_639 = arith.constant 0 : i32
        %dma_start3A_640 = tpu.memref_slice %arg2[%squeeze3A_625, %dma_start3A_639] : memref<1000000x64xf32, #tpu.memory_space<hbm>> -> memref<1x64xf32, #tpu.memory_space<hbm>>
        tpu.enqueue_dma source(%dma_start3A_640 : memref<1x64xf32, #tpu.memory_space<hbm>>) target(%dma_start3A_638 : memref<1x64xf32, #tpu.memory_space<vmem>>) target_semaphore(%arg10 : memref<!tpu.dma_semaphore, #tpu.memory_space<semaphore_mem>>)
        %slice3A_641 = vector.extract_strided_slice %get3A_436 {offsets = [12], sizes = [1], strides = [1]} : vector<16xi32> to vector<1xi32>
        %squeeze3A_642 = vector.extract %slice3A_641[0] : i32 from vector<1xi32>
        %mul3A_643 = arith.constant 16 : i32
        %mul3A_644 = arith.muli %scan3A_429, %mul3A_643 : i32
        %add3A_645 = arith.constant 12 : i32
        %add3A_646 = arith.addi %mul3A_644, %add3A_645 : i32
        %dma_start3A_647 = arith.constant 0 : i32
        %dma_start3A_648 = arith.constant 0 : i32
        %dma_start3A_649 = tpu.memref_slice %arg7[%dma_start3A_647, %add3A_646, %dma_start3A_648] : memref<2x200x64xf32, #tpu.memory_space<vmem>> -> memref<1x1x64xf32, #tpu.memory_space<vmem>>
        %dma_start3A_650 = tpu.memref_squeeze %dma_start3A_649 : memref<1x1x64xf32, #tpu.memory_space<vmem>> -> memref<1x64xf32, #tpu.memory_space<vmem>>
        %dma_start3A_651 = arith.constant 0 : i32
        %dma_start3A_652 = tpu.memref_slice %arg2[%squeeze3A_642, %dma_start3A_651] : memref<1000000x64xf32, #tpu.memory_space<hbm>> -> memref<1x64xf32, #tpu.memory_space<hbm>>
        %dma_start3A_653 = arith.constant 0 : i32
        %dma_start3A_654 = tpu.memref_slice %arg7[%dma_start3A_647, %add3A_646, %dma_start3A_653] : memref<2x200x64xf32, #tpu.memory_space<vmem>> -> memref<1x1x64xf32, #tpu.memory_space<vmem>>
        %dma_start3A_655 = tpu.memref_squeeze %dma_start3A_654 : memref<1x1x64xf32, #tpu.memory_space<vmem>> -> memref<1x64xf32, #tpu.memory_space<vmem>>
        %dma_start3A_656 = arith.constant 0 : i32
        %dma_start3A_657 = tpu.memref_slice %arg2[%squeeze3A_642, %dma_start3A_656] : memref<1000000x64xf32, #tpu.memory_space<hbm>> -> memref<1x64xf32, #tpu.memory_space<hbm>>
        tpu.enqueue_dma source(%dma_start3A_657 : memref<1x64xf32, #tpu.memory_space<hbm>>) target(%dma_start3A_655 : memref<1x64xf32, #tpu.memory_space<vmem>>) target_semaphore(%arg10 : memref<!tpu.dma_semaphore, #tpu.memory_space<semaphore_mem>>)
        %slice3A_658 = vector.extract_strided_slice %get3A_436 {offsets = [13], sizes = [1], strides = [1]} : vector<16xi32> to vector<1xi32>
        %squeeze3A_659 = vector.extract %slice3A_658[0] : i32 from vector<1xi32>
        %mul3A_660 = arith.constant 16 : i32
        %mul3A_661 = arith.muli %scan3A_429, %mul3A_660 : i32
        %add3A_662 = arith.constant 13 : i32
        %add3A_663 = arith.addi %mul3A_661, %add3A_662 : i32
        %dma_start3A_664 = arith.constant 0 : i32
        %dma_start3A_665 = arith.constant 0 : i32
        %dma_start3A_666 = tpu.memref_slice %arg7[%dma_start3A_664, %add3A_663, %dma_start3A_665] : memref<2x200x64xf32, #tpu.memory_space<vmem>> -> memref<1x1x64xf32, #tpu.memory_space<vmem>>
        %dma_start3A_667 = tpu.memref_squeeze %dma_start3A_666 : memref<1x1x64xf32, #tpu.memory_space<vmem>> -> memref<1x64xf32, #tpu.memory_space<vmem>>
        %dma_start3A_668 = arith.constant 0 : i32
        %dma_start3A_669 = tpu.memref_slice %arg2[%squeeze3A_659, %dma_start3A_668] : memref<1000000x64xf32, #tpu.memory_space<hbm>> -> memref<1x64xf32, #tpu.memory_space<hbm>>
        %dma_start3A_670 = arith.constant 0 : i32
        %dma_start3A_671 = tpu.memref_slice %arg7[%dma_start3A_664, %add3A_663, %dma_start3A_670] : memref<2x200x64xf32, #tpu.memory_space<vmem>> -> memref<1x1x64xf32, #tpu.memory_space<vmem>>
        %dma_start3A_672 = tpu.memref_squeeze %dma_start3A_671 : memref<1x1x64xf32, #tpu.memory_space<vmem>> -> memref<1x64xf32, #tpu.memory_space<vmem>>
        %dma_start3A_673 = arith.constant 0 : i32
        %dma_start3A_674 = tpu.memref_slice %arg2[%squeeze3A_659, %dma_start3A_673] : memref<1000000x64xf32, #tpu.memory_space<hbm>> -> memref<1x64xf32, #tpu.memory_space<hbm>>
        tpu.enqueue_dma source(%dma_start3A_674 : memref<1x64xf32, #tpu.memory_space<hbm>>) target(%dma_start3A_672 : memref<1x64xf32, #tpu.memory_space<vmem>>) target_semaphore(%arg10 : memref<!tpu.dma_semaphore, #tpu.memory_space<semaphore_mem>>)
        %slice3A_675 = vector.extract_strided_slice %get3A_436 {offsets = [14], sizes = [1], strides = [1]} : vector<16xi32> to vector<1xi32>
        %squeeze3A_676 = vector.extract %slice3A_675[0] : i32 from vector<1xi32>
        %mul3A_677 = arith.constant 16 : i32
        %mul3A_678 = arith.muli %scan3A_429, %mul3A_677 : i32
        %add3A_679 = arith.constant 14 : i32
        %add3A_680 = arith.addi %mul3A_678, %add3A_679 : i32
        %dma_start3A_681 = arith.constant 0 : i32
        %dma_start3A_682 = arith.constant 0 : i32
        %dma_start3A_683 = tpu.memref_slice %arg7[%dma_start3A_681, %add3A_680, %dma_start3A_682] : memref<2x200x64xf32, #tpu.memory_space<vmem>> -> memref<1x1x64xf32, #tpu.memory_space<vmem>>
        %dma_start3A_684 = tpu.memref_squeeze %dma_start3A_683 : memref<1x1x64xf32, #tpu.memory_space<vmem>> -> memref<1x64xf32, #tpu.memory_space<vmem>>
        %dma_start3A_685 = arith.constant 0 : i32
        %dma_start3A_686 = tpu.memref_slice %arg2[%squeeze3A_676, %dma_start3A_685] : memref<1000000x64xf32, #tpu.memory_space<hbm>> -> memref<1x64xf32, #tpu.memory_space<hbm>>
        %dma_start3A_687 = arith.constant 0 : i32
        %dma_start3A_688 = tpu.memref_slice %arg7[%dma_start3A_681, %add3A_680, %dma_start3A_687] : memref<2x200x64xf32, #tpu.memory_space<vmem>> -> memref<1x1x64xf32, #tpu.memory_space<vmem>>
        %dma_start3A_689 = tpu.memref_squeeze %dma_start3A_688 : memref<1x1x64xf32, #tpu.memory_space<vmem>> -> memref<1x64xf32, #tpu.memory_space<vmem>>
        %dma_start3A_690 = arith.constant 0 : i32
        %dma_start3A_691 = tpu.memref_slice %arg2[%squeeze3A_676, %dma_start3A_690] : memref<1000000x64xf32, #tpu.memory_space<hbm>> -> memref<1x64xf32, #tpu.memory_space<hbm>>
        tpu.enqueue_dma source(%dma_start3A_691 : memref<1x64xf32, #tpu.memory_space<hbm>>) target(%dma_start3A_689 : memref<1x64xf32, #tpu.memory_space<vmem>>) target_semaphore(%arg10 : memref<!tpu.dma_semaphore, #tpu.memory_space<semaphore_mem>>)
        %slice3A_692 = vector.extract_strided_slice %get3A_436 {offsets = [15], sizes = [1], strides = [1]} : vector<16xi32> to vector<1xi32>
        %squeeze3A_693 = vector.extract %slice3A_692[0] : i32 from vector<1xi32>
        %mul3A_694 = arith.constant 16 : i32
        %mul3A_695 = arith.muli %scan3A_429, %mul3A_694 : i32
        %add3A_696 = arith.constant 15 : i32
        %add3A_697 = arith.addi %mul3A_695, %add3A_696 : i32
        %dma_start3A_698 = arith.constant 0 : i32
        %dma_start3A_699 = arith.constant 0 : i32
        %dma_start3A_700 = tpu.memref_slice %arg7[%dma_start3A_698, %add3A_697, %dma_start3A_699] : memref<2x200x64xf32, #tpu.memory_space<vmem>> -> memref<1x1x64xf32, #tpu.memory_space<vmem>>
        %dma_start3A_701 = tpu.memref_squeeze %dma_start3A_700 : memref<1x1x64xf32, #tpu.memory_space<vmem>> -> memref<1x64xf32, #tpu.memory_space<vmem>>
        %dma_start3A_702 = arith.constant 0 : i32
        %dma_start3A_703 = tpu.memref_slice %arg2[%squeeze3A_693, %dma_start3A_702] : memref<1000000x64xf32, #tpu.memory_space<hbm>> -> memref<1x64xf32, #tpu.memory_space<hbm>>
        %dma_start3A_704 = arith.constant 0 : i32
        %dma_start3A_705 = tpu.memref_slice %arg7[%dma_start3A_698, %add3A_697, %dma_start3A_704] : memref<2x200x64xf32, #tpu.memory_space<vmem>> -> memref<1x1x64xf32, #tpu.memory_space<vmem>>
        %dma_start3A_706 = tpu.memref_squeeze %dma_start3A_705 : memref<1x1x64xf32, #tpu.memory_space<vmem>> -> memref<1x64xf32, #tpu.memory_space<vmem>>
        %dma_start3A_707 = arith.constant 0 : i32
        %dma_start3A_708 = tpu.memref_slice %arg2[%squeeze3A_693, %dma_start3A_707] : memref<1000000x64xf32, #tpu.memory_space<hbm>> -> memref<1x64xf32, #tpu.memory_space<hbm>>
        tpu.enqueue_dma source(%dma_start3A_708 : memref<1x64xf32, #tpu.memory_space<hbm>>) target(%dma_start3A_706 : memref<1x64xf32, #tpu.memory_space<vmem>>) target_semaphore(%arg10 : memref<!tpu.dma_semaphore, #tpu.memory_space<semaphore_mem>>)
      }
      %scan3A_116 = arith.constant 12 : i32
      %get3A = arith.constant 0 : i32
      %get3A_117 = arith.index_cast %get3A : i32 to index
      %get3A_118 = arith.constant 192 : index
      %get3A_119 = tpu.vector_load %arg6[%get3A_117, %get3A_118] {strides = array<i32>} : memref<2x256xi32, #tpu.memory_space<vmem>>, vector<1x16xi32>,
      %get3A_120 = vector.shape_cast %get3A_119 : vector<1x16xi32> to vector<16xi32>
      %slice3A = vector.extract_strided_slice %get3A_120 {offsets = [0], sizes = [1], strides = [1]} : vector<16xi32> to vector<1xi32>
      %squeeze3A = vector.extract %slice3A[0] : i32 from vector<1xi32>
      %dma_start3A_121 = arith.constant 0 : i32
      %dma_start3A_122 = arith.constant 192 : i32
      %dma_start3A_123 = arith.constant 0 : i32
      %dma_start3A_124 = tpu.memref_slice %arg7[%dma_start3A_121, %dma_start3A_122, %dma_start3A_123] : memref<2x200x64xf32, #tpu.memory_space<vmem>> -> memref<1x1x64xf32, #tpu.memory_space<vmem>>
      %dma_start3A_125 = tpu.memref_squeeze %dma_start3A_124 : memref<1x1x64xf32, #tpu.memory_space<vmem>> -> memref<1x64xf32, #tpu.memory_space<vmem>>
      %dma_start3A_126 = arith.constant 0 : i32
      %dma_start3A_127 = tpu.memref_slice %arg2[%squeeze3A, %dma_start3A_126] : memref<1000000x64xf32, #tpu.memory_space<hbm>> -> memref<1x64xf32, #tpu.memory_space<hbm>>
      %dma_start3A_128 = arith.constant 192 : i32
      %dma_start3A_129 = arith.constant 0 : i32
      %dma_start3A_130 = tpu.memref_slice %arg7[%dma_start3A_121, %dma_start3A_128, %dma_start3A_129] : memref<2x200x64xf32, #tpu.memory_space<vmem>> -> memref<1x1x64xf32, #tpu.memory_space<vmem>>
      %dma_start3A_131 = tpu.memref_squeeze %dma_start3A_130 : memref<1x1x64xf32, #tpu.memory_space<vmem>> -> memref<1x64xf32, #tpu.memory_space<vmem>>
      %dma_start3A_132 = arith.constant 0 : i32
      %dma_start3A_133 = tpu.memref_slice %arg2[%squeeze3A, %dma_start3A_132] : memref<1000000x64xf32, #tpu.memory_space<hbm>> -> memref<1x64xf32, #tpu.memory_space<hbm>>
      tpu.enqueue_dma source(%dma_start3A_133 : memref<1x64xf32, #tpu.memory_space<hbm>>) target(%dma_start3A_131 : memref<1x64xf32, #tpu.memory_space<vmem>>) target_semaphore(%arg10 : memref<!tpu.dma_semaphore, #tpu.memory_space<semaphore_mem>>)
      %slice3A_134 = vector.extract_strided_slice %get3A_120 {offsets = [1], sizes = [1], strides = [1]} : vector<16xi32> to vector<1xi32>
      %squeeze3A_135 = vector.extract %slice3A_134[0] : i32 from vector<1xi32>
      %dma_start3A_136 = arith.constant 0 : i32
      %dma_start3A_137 = arith.constant 193 : i32
      %dma_start3A_138 = arith.constant 0 : i32
      %dma_start3A_139 = tpu.memref_slice %arg7[%dma_start3A_136, %dma_start3A_137, %dma_start3A_138] : memref<2x200x64xf32, #tpu.memory_space<vmem>> -> memref<1x1x64xf32, #tpu.memory_space<vmem>>
      %dma_start3A_140 = tpu.memref_squeeze %dma_start3A_139 : memref<1x1x64xf32, #tpu.memory_space<vmem>> -> memref<1x64xf32, #tpu.memory_space<vmem>>
      %dma_start3A_141 = arith.constant 0 : i32
      %dma_start3A_142 = tpu.memref_slice %arg2[%squeeze3A_135, %dma_start3A_141] : memref<1000000x64xf32, #tpu.memory_space<hbm>> -> memref<1x64xf32, #tpu.memory_space<hbm>>
      %dma_start3A_143 = arith.constant 193 : i32
      %dma_start3A_144 = arith.constant 0 : i32
      %dma_start3A_145 = tpu.memref_slice %arg7[%dma_start3A_136, %dma_start3A_143, %dma_start3A_144] : memref<2x200x64xf32, #tpu.memory_space<vmem>> -> memref<1x1x64xf32, #tpu.memory_space<vmem>>
      %dma_start3A_146 = tpu.memref_squeeze %dma_start3A_145 : memref<1x1x64xf32, #tpu.memory_space<vmem>> -> memref<1x64xf32, #tpu.memory_space<vmem>>
      %dma_start3A_147 = arith.constant 0 : i32
      %dma_start3A_148 = tpu.memref_slice %arg2[%squeeze3A_135, %dma_start3A_147] : memref<1000000x64xf32, #tpu.memory_space<hbm>> -> memref<1x64xf32, #tpu.memory_space<hbm>>
      tpu.enqueue_dma source(%dma_start3A_148 : memref<1x64xf32, #tpu.memory_space<hbm>>) target(%dma_start3A_146 : memref<1x64xf32, #tpu.memory_space<vmem>>) target_semaphore(%arg10 : memref<!tpu.dma_semaphore, #tpu.memory_space<semaphore_mem>>)
      %slice3A_149 = vector.extract_strided_slice %get3A_120 {offsets = [2], sizes = [1], strides = [1]} : vector<16xi32> to vector<1xi32>
      %squeeze3A_150 = vector.extract %slice3A_149[0] : i32 from vector<1xi32>
      %dma_start3A_151 = arith.constant 0 : i32
      %dma_start3A_152 = arith.constant 194 : i32
      %dma_start3A_153 = arith.constant 0 : i32
      %dma_start3A_154 = tpu.memref_slice %arg7[%dma_start3A_151, %dma_start3A_152, %dma_start3A_153] : memref<2x200x64xf32, #tpu.memory_space<vmem>> -> memref<1x1x64xf32, #tpu.memory_space<vmem>>
      %dma_start3A_155 = tpu.memref_squeeze %dma_start3A_154 : memref<1x1x64xf32, #tpu.memory_space<vmem>> -> memref<1x64xf32, #tpu.memory_space<vmem>>
      %dma_start3A_156 = arith.constant 0 : i32
      %dma_start3A_157 = tpu.memref_slice %arg2[%squeeze3A_150, %dma_start3A_156] : memref<1000000x64xf32, #tpu.memory_space<hbm>> -> memref<1x64xf32, #tpu.memory_space<hbm>>
      %dma_start3A_158 = arith.constant 194 : i32
      %dma_start3A_159 = arith.constant 0 : i32
      %dma_start3A_160 = tpu.memref_slice %arg7[%dma_start3A_151, %dma_start3A_158, %dma_start3A_159] : memref<2x200x64xf32, #tpu.memory_space<vmem>> -> memref<1x1x64xf32, #tpu.memory_space<vmem>>
      %dma_start3A_161 = tpu.memref_squeeze %dma_start3A_160 : memref<1x1x64xf32, #tpu.memory_space<vmem>> -> memref<1x64xf32, #tpu.memory_space<vmem>>
      %dma_start3A_162 = arith.constant 0 : i32
      %dma_start3A_163 = tpu.memref_slice %arg2[%squeeze3A_150, %dma_start3A_162] : memref<1000000x64xf32, #tpu.memory_space<hbm>> -> memref<1x64xf32, #tpu.memory_space<hbm>>
      tpu.enqueue_dma source(%dma_start3A_163 : memref<1x64xf32, #tpu.memory_space<hbm>>) target(%dma_start3A_161 : memref<1x64xf32, #tpu.memory_space<vmem>>) target_semaphore(%arg10 : memref<!tpu.dma_semaphore, #tpu.memory_space<semaphore_mem>>)
      %slice3A_164 = vector.extract_strided_slice %get3A_120 {offsets = [3], sizes = [1], strides = [1]} : vector<16xi32> to vector<1xi32>
      %squeeze3A_165 = vector.extract %slice3A_164[0] : i32 from vector<1xi32>
      %dma_start3A_166 = arith.constant 0 : i32
      %dma_start3A_167 = arith.constant 195 : i32
      %dma_start3A_168 = arith.constant 0 : i32
      %dma_start3A_169 = tpu.memref_slice %arg7[%dma_start3A_166, %dma_start3A_167, %dma_start3A_168] : memref<2x200x64xf32, #tpu.memory_space<vmem>> -> memref<1x1x64xf32, #tpu.memory_space<vmem>>
      %dma_start3A_170 = tpu.memref_squeeze %dma_start3A_169 : memref<1x1x64xf32, #tpu.memory_space<vmem>> -> memref<1x64xf32, #tpu.memory_space<vmem>>
      %dma_start3A_171 = arith.constant 0 : i32
      %dma_start3A_172 = tpu.memref_slice %arg2[%squeeze3A_165, %dma_start3A_171] : memref<1000000x64xf32, #tpu.memory_space<hbm>> -> memref<1x64xf32, #tpu.memory_space<hbm>>
      %dma_start3A_173 = arith.constant 195 : i32
      %dma_start3A_174 = arith.constant 0 : i32
      %dma_start3A_175 = tpu.memref_slice %arg7[%dma_start3A_166, %dma_start3A_173, %dma_start3A_174] : memref<2x200x64xf32, #tpu.memory_space<vmem>> -> memref<1x1x64xf32, #tpu.memory_space<vmem>>
      %dma_start3A_176 = tpu.memref_squeeze %dma_start3A_175 : memref<1x1x64xf32, #tpu.memory_space<vmem>> -> memref<1x64xf32, #tpu.memory_space<vmem>>
      %dma_start3A_177 = arith.constant 0 : i32
      %dma_start3A_178 = tpu.memref_slice %arg2[%squeeze3A_165, %dma_start3A_177] : memref<1000000x64xf32, #tpu.memory_space<hbm>> -> memref<1x64xf32, #tpu.memory_space<hbm>>
      tpu.enqueue_dma source(%dma_start3A_178 : memref<1x64xf32, #tpu.memory_space<hbm>>) target(%dma_start3A_176 : memref<1x64xf32, #tpu.memory_space<vmem>>) target_semaphore(%arg10 : memref<!tpu.dma_semaphore, #tpu.memory_space<semaphore_mem>>)
      %slice3A_179 = vector.extract_strided_slice %get3A_120 {offsets = [4], sizes = [1], strides = [1]} : vector<16xi32> to vector<1xi32>
      %squeeze3A_180 = vector.extract %slice3A_179[0] : i32 from vector<1xi32>
      %dma_start3A_181 = arith.constant 0 : i32
      %dma_start3A_182 = arith.constant 196 : i32
      %dma_start3A_183 = arith.constant 0 : i32
      %dma_start3A_184 = tpu.memref_slice %arg7[%dma_start3A_181, %dma_start3A_182, %dma_start3A_183] : memref<2x200x64xf32, #tpu.memory_space<vmem>> -> memref<1x1x64xf32, #tpu.memory_space<vmem>>
      %dma_start3A_185 = tpu.memref_squeeze %dma_start3A_184 : memref<1x1x64xf32, #tpu.memory_space<vmem>> -> memref<1x64xf32, #tpu.memory_space<vmem>>
      %dma_start3A_186 = arith.constant 0 : i32
      %dma_start3A_187 = tpu.memref_slice %arg2[%squeeze3A_180, %dma_start3A_186] : memref<1000000x64xf32, #tpu.memory_space<hbm>> -> memref<1x64xf32, #tpu.memory_space<hbm>>
      %dma_start3A_188 = arith.constant 196 : i32
      %dma_start3A_189 = arith.constant 0 : i32
      %dma_start3A_190 = tpu.memref_slice %arg7[%dma_start3A_181, %dma_start3A_188, %dma_start3A_189] : memref<2x200x64xf32, #tpu.memory_space<vmem>> -> memref<1x1x64xf32, #tpu.memory_space<vmem>>
      %dma_start3A_191 = tpu.memref_squeeze %dma_start3A_190 : memref<1x1x64xf32, #tpu.memory_space<vmem>> -> memref<1x64xf32, #tpu.memory_space<vmem>>
      %dma_start3A_192 = arith.constant 0 : i32
      %dma_start3A_193 = tpu.memref_slice %arg2[%squeeze3A_180, %dma_start3A_192] : memref<1000000x64xf32, #tpu.memory_space<hbm>> -> memref<1x64xf32, #tpu.memory_space<hbm>>
      tpu.enqueue_dma source(%dma_start3A_193 : memref<1x64xf32, #tpu.memory_space<hbm>>) target(%dma_start3A_191 : memref<1x64xf32, #tpu.memory_space<vmem>>) target_semaphore(%arg10 : memref<!tpu.dma_semaphore, #tpu.memory_space<semaphore_mem>>)
      %slice3A_194 = vector.extract_strided_slice %get3A_120 {offsets = [5], sizes = [1], strides = [1]} : vector<16xi32> to vector<1xi32>
      %squeeze3A_195 = vector.extract %slice3A_194[0] : i32 from vector<1xi32>
      %dma_start3A_196 = arith.constant 0 : i32
      %dma_start3A_197 = arith.constant 197 : i32
      %dma_start3A_198 = arith.constant 0 : i32
      %dma_start3A_199 = tpu.memref_slice %arg7[%dma_start3A_196, %dma_start3A_197, %dma_start3A_198] : memref<2x200x64xf32, #tpu.memory_space<vmem>> -> memref<1x1x64xf32, #tpu.memory_space<vmem>>
      %dma_start3A_200 = tpu.memref_squeeze %dma_start3A_199 : memref<1x1x64xf32, #tpu.memory_space<vmem>> -> memref<1x64xf32, #tpu.memory_space<vmem>>
      %dma_start3A_201 = arith.constant 0 : i32
      %dma_start3A_202 = tpu.memref_slice %arg2[%squeeze3A_195, %dma_start3A_201] : memref<1000000x64xf32, #tpu.memory_space<hbm>> -> memref<1x64xf32, #tpu.memory_space<hbm>>
      %dma_start3A_203 = arith.constant 197 : i32
      %dma_start3A_204 = arith.constant 0 : i32
      %dma_start3A_205 = tpu.memref_slice %arg7[%dma_start3A_196, %dma_start3A_203, %dma_start3A_204] : memref<2x200x64xf32, #tpu.memory_space<vmem>> -> memref<1x1x64xf32, #tpu.memory_space<vmem>>
      %dma_start3A_206 = tpu.memref_squeeze %dma_start3A_205 : memref<1x1x64xf32, #tpu.memory_space<vmem>> -> memref<1x64xf32, #tpu.memory_space<vmem>>
      %dma_start3A_207 = arith.constant 0 : i32
      %dma_start3A_208 = tpu.memref_slice %arg2[%squeeze3A_195, %dma_start3A_207] : memref<1000000x64xf32, #tpu.memory_space<hbm>> -> memref<1x64xf32, #tpu.memory_space<hbm>>
      tpu.enqueue_dma source(%dma_start3A_208 : memref<1x64xf32, #tpu.memory_space<hbm>>) target(%dma_start3A_206 : memref<1x64xf32, #tpu.memory_space<vmem>>) target_semaphore(%arg10 : memref<!tpu.dma_semaphore, #tpu.memory_space<semaphore_mem>>)
      %slice3A_209 = vector.extract_strided_slice %get3A_120 {offsets = [6], sizes = [1], strides = [1]} : vector<16xi32> to vector<1xi32>
      %squeeze3A_210 = vector.extract %slice3A_209[0] : i32 from vector<1xi32>
      %dma_start3A_211 = arith.constant 0 : i32
      %dma_start3A_212 = arith.constant 198 : i32
      %dma_start3A_213 = arith.constant 0 : i32
      %dma_start3A_214 = tpu.memref_slice %arg7[%dma_start3A_211, %dma_start3A_212, %dma_start3A_213] : memref<2x200x64xf32, #tpu.memory_space<vmem>> -> memref<1x1x64xf32, #tpu.memory_space<vmem>>
      %dma_start3A_215 = tpu.memref_squeeze %dma_start3A_214 : memref<1x1x64xf32, #tpu.memory_space<vmem>> -> memref<1x64xf32, #tpu.memory_space<vmem>>
      %dma_start3A_216 = arith.constant 0 : i32
      %dma_start3A_217 = tpu.memref_slice %arg2[%squeeze3A_210, %dma_start3A_216] : memref<1000000x64xf32, #tpu.memory_space<hbm>> -> memref<1x64xf32, #tpu.memory_space<hbm>>
      %dma_start3A_218 = arith.constant 198 : i32
      %dma_start3A_219 = arith.constant 0 : i32
      %dma_start3A_220 = tpu.memref_slice %arg7[%dma_start3A_211, %dma_start3A_218, %dma_start3A_219] : memref<2x200x64xf32, #tpu.memory_space<vmem>> -> memref<1x1x64xf32, #tpu.memory_space<vmem>>
      %dma_start3A_221 = tpu.memref_squeeze %dma_start3A_220 : memref<1x1x64xf32, #tpu.memory_space<vmem>> -> memref<1x64xf32, #tpu.memory_space<vmem>>
      %dma_start3A_222 = arith.constant 0 : i32
      %dma_start3A_223 = tpu.memref_slice %arg2[%squeeze3A_210, %dma_start3A_222] : memref<1000000x64xf32, #tpu.memory_space<hbm>> -> memref<1x64xf32, #tpu.memory_space<hbm>>
      tpu.enqueue_dma source(%dma_start3A_223 : memref<1x64xf32, #tpu.memory_space<hbm>>) target(%dma_start3A_221 : memref<1x64xf32, #tpu.memory_space<vmem>>) target_semaphore(%arg10 : memref<!tpu.dma_semaphore, #tpu.memory_space<semaphore_mem>>)
      %slice3A_224 = vector.extract_strided_slice %get3A_120 {offsets = [7], sizes = [1], strides = [1]} : vector<16xi32> to vector<1xi32>
      %squeeze3A_225 = vector.extract %slice3A_224[0] : i32 from vector<1xi32>
      %dma_start3A_226 = arith.constant 0 : i32
      %dma_start3A_227 = arith.constant 199 : i32
      %dma_start3A_228 = arith.constant 0 : i32
      %dma_start3A_229 = tpu.memref_slice %arg7[%dma_start3A_226, %dma_start3A_227, %dma_start3A_228] : memref<2x200x64xf32, #tpu.memory_space<vmem>> -> memref<1x1x64xf32, #tpu.memory_space<vmem>>
      %dma_start3A_230 = tpu.memref_squeeze %dma_start3A_229 : memref<1x1x64xf32, #tpu.memory_space<vmem>> -> memref<1x64xf32, #tpu.memory_space<vmem>>
      %dma_start3A_231 = arith.constant 0 : i32
      %dma_start3A_232 = tpu.memref_slice %arg2[%squeeze3A_225, %dma_start3A_231] : memref<1000000x64xf32, #tpu.memory_space<hbm>> -> memref<1x64xf32, #tpu.memory_space<hbm>>
      %dma_start3A_233 = arith.constant 199 : i32
      %dma_start3A_234 = arith.constant 0 : i32
      %dma_start3A_235 = tpu.memref_slice %arg7[%dma_start3A_226, %dma_start3A_233, %dma_start3A_234] : memref<2x200x64xf32, #tpu.memory_space<vmem>> -> memref<1x1x64xf32, #tpu.memory_space<vmem>>
      %dma_start3A_236 = tpu.memref_squeeze %dma_start3A_235 : memref<1x1x64xf32, #tpu.memory_space<vmem>> -> memref<1x64xf32, #tpu.memory_space<vmem>>
      %dma_start3A_237 = arith.constant 0 : i32
      %dma_start3A_238 = tpu.memref_slice %arg2[%squeeze3A_225, %dma_start3A_237] : memref<1000000x64xf32, #tpu.memory_space<hbm>> -> memref<1x64xf32, #tpu.memory_space<hbm>>
      tpu.enqueue_dma source(%dma_start3A_238 : memref<1x64xf32, #tpu.memory_space<hbm>>) target(%dma_start3A_236 : memref<1x64xf32, #tpu.memory_space<vmem>>) target_semaphore(%arg10 : memref<!tpu.dma_semaphore, #tpu.memory_space<semaphore_mem>>)
      %add3A_239 = arith.constant 1 : i32
      %add3A_240 = arith.addi %mul3A_2, %add3A_239 : i32
      %ge3A_241 = arith.cmpi sge, %add3A_72, %add3A_240 : i32
      %convert_element_type3A_242 = arith.extui %ge3A_241 : i1 to i32
      %cond3A_243 = arith.constant 0 : i32
      %cond3A_244 = arith.cmpi ne, %convert_element_type3A_242, %cond3A_243 : i32
      scf.if %cond3A_244 {
        %dma_wait3A_429 = arith.constant 1 : i32
        %dma_wait3A_430 = arith.constant 0 : i32
        %dma_wait3A_431 = arith.constant 0 : i32
        %dma_wait3A_432 = tpu.memref_slice %arg7[%dma_wait3A_429, %dma_wait3A_430, %dma_wait3A_431] : memref<2x200x64xf32, #tpu.memory_space<vmem>> -> memref<1x200x64xf32, #tpu.memory_space<vmem>>
        %dma_wait3A_433 = tpu.memref_squeeze %dma_wait3A_432 : memref<1x200x64xf32, #tpu.memory_space<vmem>> -> memref<200x64xf32, #tpu.memory_space<vmem>>
        %dma_wait3A_434 = arith.constant 0 : i32
        %dma_wait3A_435 = arith.constant 0 : i32
        %dma_wait3A_436 = tpu.memref_slice %arg2[%dma_wait3A_434, %dma_wait3A_435] : memref<1000000x64xf32, #tpu.memory_space<hbm>> -> memref<200x64xf32, #tpu.memory_space<hbm>>
        %dma_wait3A_437 = arith.constant 0 : i32
        %dma_wait3A_438 = arith.constant 0 : i32
        %dma_wait3A_439 = tpu.memref_slice %arg7[%dma_wait3A_429, %dma_wait3A_437, %dma_wait3A_438] : memref<2x200x64xf32, #tpu.memory_space<vmem>> -> memref<1x200x64xf32, #tpu.memory_space<vmem>>
        %dma_wait3A_440 = tpu.memref_squeeze %dma_wait3A_439 : memref<1x200x64xf32, #tpu.memory_space<vmem>> -> memref<200x64xf32, #tpu.memory_space<vmem>>
        %dma_wait3A_441 = arith.constant 0 : i32
        %dma_wait3A_442 = arith.constant 0 : i32
        %dma_wait3A_443 = tpu.memref_slice %arg2[%dma_wait3A_441, %dma_wait3A_442] : memref<1000000x64xf32, #tpu.memory_space<hbm>> -> memref<200x64xf32, #tpu.memory_space<hbm>>
        tpu.wait_dma2 semaphore(%arg11 : memref<!tpu.dma_semaphore, #tpu.memory_space<semaphore_mem>>) src(%dma_wait3A_443 : memref<200x64xf32, #tpu.memory_space<hbm>>) dst(%dma_wait3A_440 : memref<200x64xf32, #tpu.memory_space<vmem>>)
        %sub3A_444 = arith.constant 1 : i32
        %sub3A_445 = arith.subi %add3A_72, %sub3A_444 : i32
        %mul3A_446 = arith.constant 200 : i32
        %mul3A_447 = arith.muli %sub3A_445, %mul3A_446 : i32
        %dma_start3A_448 = arith.constant 1 : i32
        %dma_start3A_449 = arith.constant 0 : i32
        %dma_start3A_450 = arith.constant 0 : i32
        %dma_start3A_451 = tpu.memref_slice %arg7[%dma_start3A_448, %dma_start3A_449, %dma_start3A_450] : memref<2x200x64xf32, #tpu.memory_space<vmem>> -> memref<1x200x64xf32, #tpu.memory_space<vmem>>
        %dma_start3A_452 = tpu.memref_squeeze %dma_start3A_451 : memref<1x200x64xf32, #tpu.memory_space<vmem>> -> memref<200x64xf32, #tpu.memory_space<vmem>>
        %dma_start3A_453 = arith.constant 0 : i32
        %dma_start3A_454 = tpu.memref_slice %arg5[%mul3A_447, %dma_start3A_453] : memref<819200x64xf32, #tpu.memory_space<hbm>> -> memref<200x64xf32, #tpu.memory_space<hbm>>
        %dma_start3A_455 = arith.constant 0 : i32
        %dma_start3A_456 = tpu.memref_slice %arg5[%mul3A_447, %dma_start3A_455] : memref<819200x64xf32, #tpu.memory_space<hbm>> -> memref<200x64xf32, #tpu.memory_space<hbm>>
        %dma_start3A_457 = arith.constant 0 : i32
        %dma_start3A_458 = arith.constant 0 : i32
        %dma_start3A_459 = tpu.memref_slice %arg7[%dma_start3A_448, %dma_start3A_457, %dma_start3A_458] : memref<2x200x64xf32, #tpu.memory_space<vmem>> -> memref<1x200x64xf32, #tpu.memory_space<vmem>>
        %dma_start3A_460 = tpu.memref_squeeze %dma_start3A_459 : memref<1x200x64xf32, #tpu.memory_space<vmem>> -> memref<200x64xf32, #tpu.memory_space<vmem>>
        tpu.enqueue_dma source(%dma_start3A_460 : memref<200x64xf32, #tpu.memory_space<vmem>>) target(%dma_start3A_456 : memref<200x64xf32, #tpu.memory_space<hbm>>) target_semaphore(%arg13 : memref<!tpu.dma_semaphore, #tpu.memory_space<semaphore_mem>>)
      } else {
      }
      %mul3A_245 = arith.constant 2 : i32
      %mul3A_246 = arith.muli %mul3A_245, %scan3A_67 : i32
      %add3A_247 = arith.addi %mul3A_2, %mul3A_246 : i32
      %add3A_248 = arith.constant 1 : i32
      %add3A_249 = arith.addi %add3A_247, %add3A_248 : i32
      %add3A_250 = arith.constant 1 : i32
      %add3A_251 = arith.addi %add3A_249, %add3A_250 : i32
      %add3A_252 = arith.constant 128 : i32
      %add3A_253 = arith.addi %mul3A_2, %add3A_252 : i32
      %lt3A_254 = arith.cmpi slt, %add3A_251, %add3A_253 : i32
      %convert_element_type3A_255 = arith.extui %lt3A_254 : i1 to i32
      %cond3A_256 = arith.constant 0 : i32
      %cond3A_257 = arith.cmpi ne, %convert_element_type3A_255, %cond3A_256 : i32
      scf.if %cond3A_257 {
        %add3A_429 = arith.constant 1 : i32
        %add3A_430 = arith.addi %add3A_249, %add3A_429 : i32
        %dma_start3A_431 = arith.constant 0 : i32
        %dma_start3A_432 = arith.constant 0 : i32
        %dma_start3A_433 = tpu.memref_slice %arg6[%dma_start3A_431, %dma_start3A_432] : memref<2x256xi32, #tpu.memory_space<vmem>> -> memref<1x128xi32, #tpu.memory_space<vmem>>
        %dma_start3A_434 = tpu.memref_squeeze %dma_start3A_433 : memref<1x128xi32, #tpu.memory_space<vmem>> -> memref<128xi32, #tpu.memory_space<vmem>>
        %dma_start3A_435 = arith.constant 0 : i32
        %dma_start3A_436 = tpu.memref_slice %arg3[%add3A_430, %dma_start3A_435] : memref<4096x128xi32, #tpu.memory_space<hbm>> -> memref<1x128xi32, #tpu.memory_space<hbm>>
        %dma_start3A_437 = tpu.memref_squeeze %dma_start3A_436 : memref<1x128xi32, #tpu.memory_space<hbm>> -> memref<128xi32, #tpu.memory_space<hbm>>
        %dma_start3A_438 = arith.constant 0 : i32
        %dma_start3A_439 = tpu.memref_slice %arg6[%dma_start3A_431, %dma_start3A_438] : memref<2x256xi32, #tpu.memory_space<vmem>> -> memref<1x128xi32, #tpu.memory_space<vmem>>
        %dma_start3A_440 = tpu.memref_squeeze %dma_start3A_439 : memref<1x128xi32, #tpu.memory_space<vmem>> -> memref<128xi32, #tpu.memory_space<vmem>>
        %dma_start3A_441 = arith.constant 0 : i32
        %dma_start3A_442 = tpu.memref_slice %arg3[%add3A_430, %dma_start3A_441] : memref<4096x128xi32, #tpu.memory_space<hbm>> -> memref<1x128xi32, #tpu.memory_space<hbm>>
        %dma_start3A_443 = tpu.memref_squeeze %dma_start3A_442 : memref<1x128xi32, #tpu.memory_space<hbm>> -> memref<128xi32, #tpu.memory_space<hbm>>
        tpu.enqueue_dma source(%dma_start3A_443 : memref<128xi32, #tpu.memory_space<hbm>>) target(%dma_start3A_440 : memref<128xi32, #tpu.memory_space<vmem>>) target_semaphore(%arg8 : memref<!tpu.dma_semaphore, #tpu.memory_space<semaphore_mem>>)
        %dma_start3A_444 = arith.constant 0 : i32
        %dma_start3A_445 = arith.constant 128 : i32
        %dma_start3A_446 = tpu.memref_slice %arg6[%dma_start3A_444, %dma_start3A_445] : memref<2x256xi32, #tpu.memory_space<vmem>> -> memref<1x128xi32, #tpu.memory_space<vmem>>
        %dma_start3A_447 = tpu.memref_squeeze %dma_start3A_446 : memref<1x128xi32, #tpu.memory_space<vmem>> -> memref<128xi32, #tpu.memory_space<vmem>>
        %dma_start3A_448 = arith.constant 0 : i32
        %dma_start3A_449 = tpu.memref_slice %arg4[%add3A_430, %dma_start3A_448] : memref<4096x128xi32, #tpu.memory_space<hbm>> -> memref<1x128xi32, #tpu.memory_space<hbm>>
        %dma_start3A_450 = tpu.memref_squeeze %dma_start3A_449 : memref<1x128xi32, #tpu.memory_space<hbm>> -> memref<128xi32, #tpu.memory_space<hbm>>
        %dma_start3A_451 = arith.constant 128 : i32
        %dma_start3A_452 = tpu.memref_slice %arg6[%dma_start3A_444, %dma_start3A_451] : memref<2x256xi32, #tpu.memory_space<vmem>> -> memref<1x128xi32, #tpu.memory_space<vmem>>
        %dma_start3A_453 = tpu.memref_squeeze %dma_start3A_452 : memref<1x128xi32, #tpu.memory_space<vmem>> -> memref<128xi32, #tpu.memory_space<vmem>>
        %dma_start3A_454 = arith.constant 0 : i32
        %dma_start3A_455 = tpu.memref_slice %arg4[%add3A_430, %dma_start3A_454] : memref<4096x128xi32, #tpu.memory_space<hbm>> -> memref<1x128xi32, #tpu.memory_space<hbm>>
        %dma_start3A_456 = tpu.memref_squeeze %dma_start3A_455 : memref<1x128xi32, #tpu.memory_space<hbm>> -> memref<128xi32, #tpu.memory_space<hbm>>
        tpu.enqueue_dma source(%dma_start3A_456 : memref<128xi32, #tpu.memory_space<hbm>>) target(%dma_start3A_453 : memref<128xi32, #tpu.memory_space<vmem>>) target_semaphore(%arg8 : memref<!tpu.dma_semaphore, #tpu.memory_space<semaphore_mem>>)
      } else {
      }
      %dma_wait3A_258 = arith.constant 0 : i32
      %dma_wait3A_259 = arith.constant 1 : i32
      %dma_wait3A_260 = arith.constant 0 : i32
      %dma_wait3A_261 = tpu.memref_slice %arg6[%dma_wait3A_259, %dma_wait3A_260] : memref<2x256xi32, #tpu.memory_space<vmem>> -> memref<1x128xi32, #tpu.memory_space<vmem>>
      %dma_wait3A_262 = tpu.memref_squeeze %dma_wait3A_261 : memref<1x128xi32, #tpu.memory_space<vmem>> -> memref<128xi32, #tpu.memory_space<vmem>>
      %dma_wait3A_263 = arith.constant 0 : i32
      %dma_wait3A_264 = tpu.memref_slice %arg3[%dma_wait3A_258, %dma_wait3A_263] : memref<4096x128xi32, #tpu.memory_space<hbm>> -> memref<1x128xi32, #tpu.memory_space<hbm>>
      %dma_wait3A_265 = tpu.memref_squeeze %dma_wait3A_264 : memref<1x128xi32, #tpu.memory_space<hbm>> -> memref<128xi32, #tpu.memory_space<hbm>>
      %dma_wait3A_266 = arith.constant 0 : i32
      %dma_wait3A_267 = tpu.memref_slice %arg6[%dma_wait3A_259, %dma_wait3A_266] : memref<2x256xi32, #tpu.memory_space<vmem>> -> memref<1x128xi32, #tpu.memory_space<vmem>>
      %dma_wait3A_268 = tpu.memref_squeeze %dma_wait3A_267 : memref<1x128xi32, #tpu.memory_space<vmem>> -> memref<128xi32, #tpu.memory_space<vmem>>
      %dma_wait3A_269 = arith.constant 0 : i32
      %dma_wait3A_270 = tpu.memref_slice %arg3[%dma_wait3A_258, %dma_wait3A_269] : memref<4096x128xi32, #tpu.memory_space<hbm>> -> memref<1x128xi32, #tpu.memory_space<hbm>>
      %dma_wait3A_271 = tpu.memref_squeeze %dma_wait3A_270 : memref<1x128xi32, #tpu.memory_space<hbm>> -> memref<128xi32, #tpu.memory_space<hbm>>
      tpu.wait_dma2 semaphore(%arg9 : memref<!tpu.dma_semaphore, #tpu.memory_space<semaphore_mem>>) src(%dma_wait3A_271 : memref<128xi32, #tpu.memory_space<hbm>>) dst(%dma_wait3A_268 : memref<128xi32, #tpu.memory_space<vmem>>)
      %dma_wait3A_272 = arith.constant 0 : i32
      %dma_wait3A_273 = arith.constant 1 : i32
      %dma_wait3A_274 = arith.constant 128 : i32
      %dma_wait3A_275 = tpu.memref_slice %arg6[%dma_wait3A_273, %dma_wait3A_274] : memref<2x256xi32, #tpu.memory_space<vmem>> -> memref<1x128xi32, #tpu.memory_space<vmem>>
      %dma_wait3A_276 = tpu.memref_squeeze %dma_wait3A_275 : memref<1x128xi32, #tpu.memory_space<vmem>> -> memref<128xi32, #tpu.memory_space<vmem>>
      %dma_wait3A_277 = arith.constant 0 : i32
      %dma_wait3A_278 = tpu.memref_slice %arg4[%dma_wait3A_272, %dma_wait3A_277] : memref<4096x128xi32, #tpu.memory_space<hbm>> -> memref<1x128xi32, #tpu.memory_space<hbm>>
      %dma_wait3A_279 = tpu.memref_squeeze %dma_wait3A_278 : memref<1x128xi32, #tpu.memory_space<hbm>> -> memref<128xi32, #tpu.memory_space<hbm>>
      %dma_wait3A_280 = arith.constant 128 : i32
      %dma_wait3A_281 = tpu.memref_slice %arg6[%dma_wait3A_273, %dma_wait3A_280] : memref<2x256xi32, #tpu.memory_space<vmem>> -> memref<1x128xi32, #tpu.memory_space<vmem>>
      %dma_wait3A_282 = tpu.memref_squeeze %dma_wait3A_281 : memref<1x128xi32, #tpu.memory_space<vmem>> -> memref<128xi32, #tpu.memory_space<vmem>>
      %dma_wait3A_283 = arith.constant 0 : i32
      %dma_wait3A_284 = tpu.memref_slice %arg4[%dma_wait3A_272, %dma_wait3A_283] : memref<4096x128xi32, #tpu.memory_space<hbm>> -> memref<1x128xi32, #tpu.memory_space<hbm>>
      %dma_wait3A_285 = tpu.memref_squeeze %dma_wait3A_284 : memref<1x128xi32, #tpu.memory_space<hbm>> -> memref<128xi32, #tpu.memory_space<hbm>>
      tpu.wait_dma2 semaphore(%arg9 : memref<!tpu.dma_semaphore, #tpu.memory_space<semaphore_mem>>) src(%dma_wait3A_285 : memref<128xi32, #tpu.memory_space<hbm>>) dst(%dma_wait3A_282 : memref<128xi32, #tpu.memory_space<vmem>>)
      %add3A_286 = arith.constant 2 : i32
      %add3A_287 = arith.addi %mul3A_2, %add3A_286 : i32
      %ge3A_288 = arith.cmpi sge, %add3A_249, %add3A_287 : i32
      %convert_element_type3A_289 = arith.extui %ge3A_288 : i1 to i32
      %cond3A_290 = arith.constant 0 : i32
      %cond3A_291 = arith.cmpi ne, %convert_element_type3A_289, %cond3A_290 : i32
      scf.if %cond3A_291 {
        %dma_wait3A_429 = arith.constant 1 : i32
        %dma_wait3A_430 = arith.constant 0 : i32
        %dma_wait3A_431 = arith.constant 0 : i32
        %dma_wait3A_432 = tpu.memref_slice %arg7[%dma_wait3A_429, %dma_wait3A_430, %dma_wait3A_431] : memref<2x200x64xf32, #tpu.memory_space<vmem>> -> memref<1x200x64xf32, #tpu.memory_space<vmem>>
        %dma_wait3A_433 = tpu.memref_squeeze %dma_wait3A_432 : memref<1x200x64xf32, #tpu.memory_space<vmem>> -> memref<200x64xf32, #tpu.memory_space<vmem>>
        %dma_wait3A_434 = arith.constant 0 : i32
        %dma_wait3A_435 = arith.constant 0 : i32
        %dma_wait3A_436 = tpu.memref_slice %arg2[%dma_wait3A_434, %dma_wait3A_435] : memref<1000000x64xf32, #tpu.memory_space<hbm>> -> memref<200x64xf32, #tpu.memory_space<hbm>>
        %dma_wait3A_437 = arith.constant 0 : i32
        %dma_wait3A_438 = arith.constant 0 : i32
        %dma_wait3A_439 = tpu.memref_slice %arg7[%dma_wait3A_429, %dma_wait3A_437, %dma_wait3A_438] : memref<2x200x64xf32, #tpu.memory_space<vmem>> -> memref<1x200x64xf32, #tpu.memory_space<vmem>>
        %dma_wait3A_440 = tpu.memref_squeeze %dma_wait3A_439 : memref<1x200x64xf32, #tpu.memory_space<vmem>> -> memref<200x64xf32, #tpu.memory_space<vmem>>
        %dma_wait3A_441 = arith.constant 0 : i32
        %dma_wait3A_442 = arith.constant 0 : i32
        %dma_wait3A_443 = tpu.memref_slice %arg2[%dma_wait3A_441, %dma_wait3A_442] : memref<1000000x64xf32, #tpu.memory_space<hbm>> -> memref<200x64xf32, #tpu.memory_space<hbm>>
        tpu.wait_dma2 semaphore(%arg13 : memref<!tpu.dma_semaphore, #tpu.memory_space<semaphore_mem>>) src(%dma_wait3A_443 : memref<200x64xf32, #tpu.memory_space<hbm>>) dst(%dma_wait3A_440 : memref<200x64xf32, #tpu.memory_space<vmem>>)
      } else {
      }
      %scan3A_292 = arith.constant 0 : i32
      %scan3A_293 = arith.constant 0 : i32
      %scan3A_294 = arith.constant 12 : i32
      %scan3A_295 = arith.addi %scan3A_293, %scan3A_294 : i32
      %scan3A_296 = arith.constant 1 : i32
      scf.for %scan3A_429 = %scan3A_293 to %scan3A_295 step %scan3A_296  : i32 {
        %mul3A_430 = arith.constant 16 : i32
        %mul3A_431 = arith.muli %scan3A_429, %mul3A_430 : i32
        %get3A_432 = arith.constant 1 : i32
        %get3A_433 = arith.index_cast %get3A_432 : i32 to index
        %get3A_434 = arith.index_cast %mul3A_431 : i32 to index
        %get3A_435 = tpu.vector_load %arg6[%get3A_433, %get3A_434] {strides = array<i32>} : memref<2x256xi32, #tpu.memory_space<vmem>>, vector<1x16xi32>,
        %get3A_436 = vector.shape_cast %get3A_435 : vector<1x16xi32> to vector<16xi32>
        %slice3A_437 = vector.extract_strided_slice %get3A_436 {offsets = [0], sizes = [1], strides = [1]} : vector<16xi32> to vector<1xi32>
        %squeeze3A_438 = vector.extract %slice3A_437[0] : i32 from vector<1xi32>
        %mul3A_439 = arith.constant 16 : i32
        %mul3A_440 = arith.muli %scan3A_429, %mul3A_439 : i32
        %add3A_441 = arith.constant 0 : i32
        %add3A_442 = arith.addi %mul3A_440, %add3A_441 : i32
        %dma_start3A_443 = arith.constant 1 : i32
        %dma_start3A_444 = arith.constant 0 : i32
        %dma_start3A_445 = tpu.memref_slice %arg7[%dma_start3A_443, %add3A_442, %dma_start3A_444] : memref<2x200x64xf32, #tpu.memory_space<vmem>> -> memref<1x1x64xf32, #tpu.memory_space<vmem>>
        %dma_start3A_446 = tpu.memref_squeeze %dma_start3A_445 : memref<1x1x64xf32, #tpu.memory_space<vmem>> -> memref<1x64xf32, #tpu.memory_space<vmem>>
        %dma_start3A_447 = arith.constant 0 : i32
        %dma_start3A_448 = tpu.memref_slice %arg2[%squeeze3A_438, %dma_start3A_447] : memref<1000000x64xf32, #tpu.memory_space<hbm>> -> memref<1x64xf32, #tpu.memory_space<hbm>>
        %dma_start3A_449 = arith.constant 0 : i32
        %dma_start3A_450 = tpu.memref_slice %arg7[%dma_start3A_443, %add3A_442, %dma_start3A_449] : memref<2x200x64xf32, #tpu.memory_space<vmem>> -> memref<1x1x64xf32, #tpu.memory_space<vmem>>
        %dma_start3A_451 = tpu.memref_squeeze %dma_start3A_450 : memref<1x1x64xf32, #tpu.memory_space<vmem>> -> memref<1x64xf32, #tpu.memory_space<vmem>>
        %dma_start3A_452 = arith.constant 0 : i32
        %dma_start3A_453 = tpu.memref_slice %arg2[%squeeze3A_438, %dma_start3A_452] : memref<1000000x64xf32, #tpu.memory_space<hbm>> -> memref<1x64xf32, #tpu.memory_space<hbm>>
        tpu.enqueue_dma source(%dma_start3A_453 : memref<1x64xf32, #tpu.memory_space<hbm>>) target(%dma_start3A_451 : memref<1x64xf32, #tpu.memory_space<vmem>>) target_semaphore(%arg11 : memref<!tpu.dma_semaphore, #tpu.memory_space<semaphore_mem>>)
        %slice3A_454 = vector.extract_strided_slice %get3A_436 {offsets = [1], sizes = [1], strides = [1]} : vector<16xi32> to vector<1xi32>
        %squeeze3A_455 = vector.extract %slice3A_454[0] : i32 from vector<1xi32>
        %mul3A_456 = arith.constant 16 : i32
        %mul3A_457 = arith.muli %scan3A_429, %mul3A_456 : i32
        %add3A_458 = arith.constant 1 : i32
        %add3A_459 = arith.addi %mul3A_457, %add3A_458 : i32
        %dma_start3A_460 = arith.constant 1 : i32
        %dma_start3A_461 = arith.constant 0 : i32
        %dma_start3A_462 = tpu.memref_slice %arg7[%dma_start3A_460, %add3A_459, %dma_start3A_461] : memref<2x200x64xf32, #tpu.memory_space<vmem>> -> memref<1x1x64xf32, #tpu.memory_space<vmem>>
        %dma_start3A_463 = tpu.memref_squeeze %dma_start3A_462 : memref<1x1x64xf32, #tpu.memory_space<vmem>> -> memref<1x64xf32, #tpu.memory_space<vmem>>
        %dma_start3A_464 = arith.constant 0 : i32
        %dma_start3A_465 = tpu.memref_slice %arg2[%squeeze3A_455, %dma_start3A_464] : memref<1000000x64xf32, #tpu.memory_space<hbm>> -> memref<1x64xf32, #tpu.memory_space<hbm>>
        %dma_start3A_466 = arith.constant 0 : i32
        %dma_start3A_467 = tpu.memref_slice %arg7[%dma_start3A_460, %add3A_459, %dma_start3A_466] : memref<2x200x64xf32, #tpu.memory_space<vmem>> -> memref<1x1x64xf32, #tpu.memory_space<vmem>>
        %dma_start3A_468 = tpu.memref_squeeze %dma_start3A_467 : memref<1x1x64xf32, #tpu.memory_space<vmem>> -> memref<1x64xf32, #tpu.memory_space<vmem>>
        %dma_start3A_469 = arith.constant 0 : i32
        %dma_start3A_470 = tpu.memref_slice %arg2[%squeeze3A_455, %dma_start3A_469] : memref<1000000x64xf32, #tpu.memory_space<hbm>> -> memref<1x64xf32, #tpu.memory_space<hbm>>
        tpu.enqueue_dma source(%dma_start3A_470 : memref<1x64xf32, #tpu.memory_space<hbm>>) target(%dma_start3A_468 : memref<1x64xf32, #tpu.memory_space<vmem>>) target_semaphore(%arg11 : memref<!tpu.dma_semaphore, #tpu.memory_space<semaphore_mem>>)
        %slice3A_471 = vector.extract_strided_slice %get3A_436 {offsets = [2], sizes = [1], strides = [1]} : vector<16xi32> to vector<1xi32>
        %squeeze3A_472 = vector.extract %slice3A_471[0] : i32 from vector<1xi32>
        %mul3A_473 = arith.constant 16 : i32
        %mul3A_474 = arith.muli %scan3A_429, %mul3A_473 : i32
        %add3A_475 = arith.constant 2 : i32
        %add3A_476 = arith.addi %mul3A_474, %add3A_475 : i32
        %dma_start3A_477 = arith.constant 1 : i32
        %dma_start3A_478 = arith.constant 0 : i32
        %dma_start3A_479 = tpu.memref_slice %arg7[%dma_start3A_477, %add3A_476, %dma_start3A_478] : memref<2x200x64xf32, #tpu.memory_space<vmem>> -> memref<1x1x64xf32, #tpu.memory_space<vmem>>
        %dma_start3A_480 = tpu.memref_squeeze %dma_start3A_479 : memref<1x1x64xf32, #tpu.memory_space<vmem>> -> memref<1x64xf32, #tpu.memory_space<vmem>>
        %dma_start3A_481 = arith.constant 0 : i32
        %dma_start3A_482 = tpu.memref_slice %arg2[%squeeze3A_472, %dma_start3A_481] : memref<1000000x64xf32, #tpu.memory_space<hbm>> -> memref<1x64xf32, #tpu.memory_space<hbm>>
        %dma_start3A_483 = arith.constant 0 : i32
        %dma_start3A_484 = tpu.memref_slice %arg7[%dma_start3A_477, %add3A_476, %dma_start3A_483] : memref<2x200x64xf32, #tpu.memory_space<vmem>> -> memref<1x1x64xf32, #tpu.memory_space<vmem>>
        %dma_start3A_485 = tpu.memref_squeeze %dma_start3A_484 : memref<1x1x64xf32, #tpu.memory_space<vmem>> -> memref<1x64xf32, #tpu.memory_space<vmem>>
        %dma_start3A_486 = arith.constant 0 : i32
        %dma_start3A_487 = tpu.memref_slice %arg2[%squeeze3A_472, %dma_start3A_486] : memref<1000000x64xf32, #tpu.memory_space<hbm>> -> memref<1x64xf32, #tpu.memory_space<hbm>>
        tpu.enqueue_dma source(%dma_start3A_487 : memref<1x64xf32, #tpu.memory_space<hbm>>) target(%dma_start3A_485 : memref<1x64xf32, #tpu.memory_space<vmem>>) target_semaphore(%arg11 : memref<!tpu.dma_semaphore, #tpu.memory_space<semaphore_mem>>)
        %slice3A_488 = vector.extract_strided_slice %get3A_436 {offsets = [3], sizes = [1], strides = [1]} : vector<16xi32> to vector<1xi32>
        %squeeze3A_489 = vector.extract %slice3A_488[0] : i32 from vector<1xi32>
        %mul3A_490 = arith.constant 16 : i32
        %mul3A_491 = arith.muli %scan3A_429, %mul3A_490 : i32
        %add3A_492 = arith.constant 3 : i32
        %add3A_493 = arith.addi %mul3A_491, %add3A_492 : i32
        %dma_start3A_494 = arith.constant 1 : i32
        %dma_start3A_495 = arith.constant 0 : i32
        %dma_start3A_496 = tpu.memref_slice %arg7[%dma_start3A_494, %add3A_493, %dma_start3A_495] : memref<2x200x64xf32, #tpu.memory_space<vmem>> -> memref<1x1x64xf32, #tpu.memory_space<vmem>>
        %dma_start3A_497 = tpu.memref_squeeze %dma_start3A_496 : memref<1x1x64xf32, #tpu.memory_space<vmem>> -> memref<1x64xf32, #tpu.memory_space<vmem>>
        %dma_start3A_498 = arith.constant 0 : i32
        %dma_start3A_499 = tpu.memref_slice %arg2[%squeeze3A_489, %dma_start3A_498] : memref<1000000x64xf32, #tpu.memory_space<hbm>> -> memref<1x64xf32, #tpu.memory_space<hbm>>
        %dma_start3A_500 = arith.constant 0 : i32
        %dma_start3A_501 = tpu.memref_slice %arg7[%dma_start3A_494, %add3A_493, %dma_start3A_500] : memref<2x200x64xf32, #tpu.memory_space<vmem>> -> memref<1x1x64xf32, #tpu.memory_space<vmem>>
        %dma_start3A_502 = tpu.memref_squeeze %dma_start3A_501 : memref<1x1x64xf32, #tpu.memory_space<vmem>> -> memref<1x64xf32, #tpu.memory_space<vmem>>
        %dma_start3A_503 = arith.constant 0 : i32
        %dma_start3A_504 = tpu.memref_slice %arg2[%squeeze3A_489, %dma_start3A_503] : memref<1000000x64xf32, #tpu.memory_space<hbm>> -> memref<1x64xf32, #tpu.memory_space<hbm>>
        tpu.enqueue_dma source(%dma_start3A_504 : memref<1x64xf32, #tpu.memory_space<hbm>>) target(%dma_start3A_502 : memref<1x64xf32, #tpu.memory_space<vmem>>) target_semaphore(%arg11 : memref<!tpu.dma_semaphore, #tpu.memory_space<semaphore_mem>>)
        %slice3A_505 = vector.extract_strided_slice %get3A_436 {offsets = [4], sizes = [1], strides = [1]} : vector<16xi32> to vector<1xi32>
        %squeeze3A_506 = vector.extract %slice3A_505[0] : i32 from vector<1xi32>
        %mul3A_507 = arith.constant 16 : i32
        %mul3A_508 = arith.muli %scan3A_429, %mul3A_507 : i32
        %add3A_509 = arith.constant 4 : i32
        %add3A_510 = arith.addi %mul3A_508, %add3A_509 : i32
        %dma_start3A_511 = arith.constant 1 : i32
        %dma_start3A_512 = arith.constant 0 : i32
        %dma_start3A_513 = tpu.memref_slice %arg7[%dma_start3A_511, %add3A_510, %dma_start3A_512] : memref<2x200x64xf32, #tpu.memory_space<vmem>> -> memref<1x1x64xf32, #tpu.memory_space<vmem>>
        %dma_start3A_514 = tpu.memref_squeeze %dma_start3A_513 : memref<1x1x64xf32, #tpu.memory_space<vmem>> -> memref<1x64xf32, #tpu.memory_space<vmem>>
        %dma_start3A_515 = arith.constant 0 : i32
        %dma_start3A_516 = tpu.memref_slice %arg2[%squeeze3A_506, %dma_start3A_515] : memref<1000000x64xf32, #tpu.memory_space<hbm>> -> memref<1x64xf32, #tpu.memory_space<hbm>>
        %dma_start3A_517 = arith.constant 0 : i32
        %dma_start3A_518 = tpu.memref_slice %arg7[%dma_start3A_511, %add3A_510, %dma_start3A_517] : memref<2x200x64xf32, #tpu.memory_space<vmem>> -> memref<1x1x64xf32, #tpu.memory_space<vmem>>
        %dma_start3A_519 = tpu.memref_squeeze %dma_start3A_518 : memref<1x1x64xf32, #tpu.memory_space<vmem>> -> memref<1x64xf32, #tpu.memory_space<vmem>>
        %dma_start3A_520 = arith.constant 0 : i32
        %dma_start3A_521 = tpu.memref_slice %arg2[%squeeze3A_506, %dma_start3A_520] : memref<1000000x64xf32, #tpu.memory_space<hbm>> -> memref<1x64xf32, #tpu.memory_space<hbm>>
        tpu.enqueue_dma source(%dma_start3A_521 : memref<1x64xf32, #tpu.memory_space<hbm>>) target(%dma_start3A_519 : memref<1x64xf32, #tpu.memory_space<vmem>>) target_semaphore(%arg11 : memref<!tpu.dma_semaphore, #tpu.memory_space<semaphore_mem>>)
        %slice3A_522 = vector.extract_strided_slice %get3A_436 {offsets = [5], sizes = [1], strides = [1]} : vector<16xi32> to vector<1xi32>
        %squeeze3A_523 = vector.extract %slice3A_522[0] : i32 from vector<1xi32>
        %mul3A_524 = arith.constant 16 : i32
        %mul3A_525 = arith.muli %scan3A_429, %mul3A_524 : i32
        %add3A_526 = arith.constant 5 : i32
        %add3A_527 = arith.addi %mul3A_525, %add3A_526 : i32
        %dma_start3A_528 = arith.constant 1 : i32
        %dma_start3A_529 = arith.constant 0 : i32
        %dma_start3A_530 = tpu.memref_slice %arg7[%dma_start3A_528, %add3A_527, %dma_start3A_529] : memref<2x200x64xf32, #tpu.memory_space<vmem>> -> memref<1x1x64xf32, #tpu.memory_space<vmem>>
        %dma_start3A_531 = tpu.memref_squeeze %dma_start3A_530 : memref<1x1x64xf32, #tpu.memory_space<vmem>> -> memref<1x64xf32, #tpu.memory_space<vmem>>
        %dma_start3A_532 = arith.constant 0 : i32
        %dma_start3A_533 = tpu.memref_slice %arg2[%squeeze3A_523, %dma_start3A_532] : memref<1000000x64xf32, #tpu.memory_space<hbm>> -> memref<1x64xf32, #tpu.memory_space<hbm>>
        %dma_start3A_534 = arith.constant 0 : i32
        %dma_start3A_535 = tpu.memref_slice %arg7[%dma_start3A_528, %add3A_527, %dma_start3A_534] : memref<2x200x64xf32, #tpu.memory_space<vmem>> -> memref<1x1x64xf32, #tpu.memory_space<vmem>>
        %dma_start3A_536 = tpu.memref_squeeze %dma_start3A_535 : memref<1x1x64xf32, #tpu.memory_space<vmem>> -> memref<1x64xf32, #tpu.memory_space<vmem>>
        %dma_start3A_537 = arith.constant 0 : i32
        %dma_start3A_538 = tpu.memref_slice %arg2[%squeeze3A_523, %dma_start3A_537] : memref<1000000x64xf32, #tpu.memory_space<hbm>> -> memref<1x64xf32, #tpu.memory_space<hbm>>
        tpu.enqueue_dma source(%dma_start3A_538 : memref<1x64xf32, #tpu.memory_space<hbm>>) target(%dma_start3A_536 : memref<1x64xf32, #tpu.memory_space<vmem>>) target_semaphore(%arg11 : memref<!tpu.dma_semaphore, #tpu.memory_space<semaphore_mem>>)
        %slice3A_539 = vector.extract_strided_slice %get3A_436 {offsets = [6], sizes = [1], strides = [1]} : vector<16xi32> to vector<1xi32>
        %squeeze3A_540 = vector.extract %slice3A_539[0] : i32 from vector<1xi32>
        %mul3A_541 = arith.constant 16 : i32
        %mul3A_542 = arith.muli %scan3A_429, %mul3A_541 : i32
        %add3A_543 = arith.constant 6 : i32
        %add3A_544 = arith.addi %mul3A_542, %add3A_543 : i32
        %dma_start3A_545 = arith.constant 1 : i32
        %dma_start3A_546 = arith.constant 0 : i32
        %dma_start3A_547 = tpu.memref_slice %arg7[%dma_start3A_545, %add3A_544, %dma_start3A_546] : memref<2x200x64xf32, #tpu.memory_space<vmem>> -> memref<1x1x64xf32, #tpu.memory_space<vmem>>
        %dma_start3A_548 = tpu.memref_squeeze %dma_start3A_547 : memref<1x1x64xf32, #tpu.memory_space<vmem>> -> memref<1x64xf32, #tpu.memory_space<vmem>>
        %dma_start3A_549 = arith.constant 0 : i32
        %dma_start3A_550 = tpu.memref_slice %arg2[%squeeze3A_540, %dma_start3A_549] : memref<1000000x64xf32, #tpu.memory_space<hbm>> -> memref<1x64xf32, #tpu.memory_space<hbm>>
        %dma_start3A_551 = arith.constant 0 : i32
        %dma_start3A_552 = tpu.memref_slice %arg7[%dma_start3A_545, %add3A_544, %dma_start3A_551] : memref<2x200x64xf32, #tpu.memory_space<vmem>> -> memref<1x1x64xf32, #tpu.memory_space<vmem>>
        %dma_start3A_553 = tpu.memref_squeeze %dma_start3A_552 : memref<1x1x64xf32, #tpu.memory_space<vmem>> -> memref<1x64xf32, #tpu.memory_space<vmem>>
        %dma_start3A_554 = arith.constant 0 : i32
        %dma_start3A_555 = tpu.memref_slice %arg2[%squeeze3A_540, %dma_start3A_554] : memref<1000000x64xf32, #tpu.memory_space<hbm>> -> memref<1x64xf32, #tpu.memory_space<hbm>>
        tpu.enqueue_dma source(%dma_start3A_555 : memref<1x64xf32, #tpu.memory_space<hbm>>) target(%dma_start3A_553 : memref<1x64xf32, #tpu.memory_space<vmem>>) target_semaphore(%arg11 : memref<!tpu.dma_semaphore, #tpu.memory_space<semaphore_mem>>)
        %slice3A_556 = vector.extract_strided_slice %get3A_436 {offsets = [7], sizes = [1], strides = [1]} : vector<16xi32> to vector<1xi32>
        %squeeze3A_557 = vector.extract %slice3A_556[0] : i32 from vector<1xi32>
        %mul3A_558 = arith.constant 16 : i32
        %mul3A_559 = arith.muli %scan3A_429, %mul3A_558 : i32
        %add3A_560 = arith.constant 7 : i32
        %add3A_561 = arith.addi %mul3A_559, %add3A_560 : i32
        %dma_start3A_562 = arith.constant 1 : i32
        %dma_start3A_563 = arith.constant 0 : i32
        %dma_start3A_564 = tpu.memref_slice %arg7[%dma_start3A_562, %add3A_561, %dma_start3A_563] : memref<2x200x64xf32, #tpu.memory_space<vmem>> -> memref<1x1x64xf32, #tpu.memory_space<vmem>>
        %dma_start3A_565 = tpu.memref_squeeze %dma_start3A_564 : memref<1x1x64xf32, #tpu.memory_space<vmem>> -> memref<1x64xf32, #tpu.memory_space<vmem>>
        %dma_start3A_566 = arith.constant 0 : i32
        %dma_start3A_567 = tpu.memref_slice %arg2[%squeeze3A_557, %dma_start3A_566] : memref<1000000x64xf32, #tpu.memory_space<hbm>> -> memref<1x64xf32, #tpu.memory_space<hbm>>
        %dma_start3A_568 = arith.constant 0 : i32
        %dma_start3A_569 = tpu.memref_slice %arg7[%dma_start3A_562, %add3A_561, %dma_start3A_568] : memref<2x200x64xf32, #tpu.memory_space<vmem>> -> memref<1x1x64xf32, #tpu.memory_space<vmem>>
        %dma_start3A_570 = tpu.memref_squeeze %dma_start3A_569 : memref<1x1x64xf32, #tpu.memory_space<vmem>> -> memref<1x64xf32, #tpu.memory_space<vmem>>
        %dma_start3A_571 = arith.constant 0 : i32
        %dma_start3A_572 = tpu.memref_slice %arg2[%squeeze3A_557, %dma_start3A_571] : memref<1000000x64xf32, #tpu.memory_space<hbm>> -> memref<1x64xf32, #tpu.memory_space<hbm>>
        tpu.enqueue_dma source(%dma_start3A_572 : memref<1x64xf32, #tpu.memory_space<hbm>>) target(%dma_start3A_570 : memref<1x64xf32, #tpu.memory_space<vmem>>) target_semaphore(%arg11 : memref<!tpu.dma_semaphore, #tpu.memory_space<semaphore_mem>>)
        %slice3A_573 = vector.extract_strided_slice %get3A_436 {offsets = [8], sizes = [1], strides = [1]} : vector<16xi32> to vector<1xi32>
        %squeeze3A_574 = vector.extract %slice3A_573[0] : i32 from vector<1xi32>
        %mul3A_575 = arith.constant 16 : i32
        %mul3A_576 = arith.muli %scan3A_429, %mul3A_575 : i32
        %add3A_577 = arith.constant 8 : i32
        %add3A_578 = arith.addi %mul3A_576, %add3A_577 : i32
        %dma_start3A_579 = arith.constant 1 : i32
        %dma_start3A_580 = arith.constant 0 : i32
        %dma_start3A_581 = tpu.memref_slice %arg7[%dma_start3A_579, %add3A_578, %dma_start3A_580] : memref<2x200x64xf32, #tpu.memory_space<vmem>> -> memref<1x1x64xf32, #tpu.memory_space<vmem>>
        %dma_start3A_582 = tpu.memref_squeeze %dma_start3A_581 : memref<1x1x64xf32, #tpu.memory_space<vmem>> -> memref<1x64xf32, #tpu.memory_space<vmem>>
        %dma_start3A_583 = arith.constant 0 : i32
        %dma_start3A_584 = tpu.memref_slice %arg2[%squeeze3A_574, %dma_start3A_583] : memref<1000000x64xf32, #tpu.memory_space<hbm>> -> memref<1x64xf32, #tpu.memory_space<hbm>>
        %dma_start3A_585 = arith.constant 0 : i32
        %dma_start3A_586 = tpu.memref_slice %arg7[%dma_start3A_579, %add3A_578, %dma_start3A_585] : memref<2x200x64xf32, #tpu.memory_space<vmem>> -> memref<1x1x64xf32, #tpu.memory_space<vmem>>
        %dma_start3A_587 = tpu.memref_squeeze %dma_start3A_586 : memref<1x1x64xf32, #tpu.memory_space<vmem>> -> memref<1x64xf32, #tpu.memory_space<vmem>>
        %dma_start3A_588 = arith.constant 0 : i32
        %dma_start3A_589 = tpu.memref_slice %arg2[%squeeze3A_574, %dma_start3A_588] : memref<1000000x64xf32, #tpu.memory_space<hbm>> -> memref<1x64xf32, #tpu.memory_space<hbm>>
        tpu.enqueue_dma source(%dma_start3A_589 : memref<1x64xf32, #tpu.memory_space<hbm>>) target(%dma_start3A_587 : memref<1x64xf32, #tpu.memory_space<vmem>>) target_semaphore(%arg11 : memref<!tpu.dma_semaphore, #tpu.memory_space<semaphore_mem>>)
        %slice3A_590 = vector.extract_strided_slice %get3A_436 {offsets = [9], sizes = [1], strides = [1]} : vector<16xi32> to vector<1xi32>
        %squeeze3A_591 = vector.extract %slice3A_590[0] : i32 from vector<1xi32>
        %mul3A_592 = arith.constant 16 : i32
        %mul3A_593 = arith.muli %scan3A_429, %mul3A_592 : i32
        %add3A_594 = arith.constant 9 : i32
        %add3A_595 = arith.addi %mul3A_593, %add3A_594 : i32
        %dma_start3A_596 = arith.constant 1 : i32
        %dma_start3A_597 = arith.constant 0 : i32
        %dma_start3A_598 = tpu.memref_slice %arg7[%dma_start3A_596, %add3A_595, %dma_start3A_597] : memref<2x200x64xf32, #tpu.memory_space<vmem>> -> memref<1x1x64xf32, #tpu.memory_space<vmem>>
        %dma_start3A_599 = tpu.memref_squeeze %dma_start3A_598 : memref<1x1x64xf32, #tpu.memory_space<vmem>> -> memref<1x64xf32, #tpu.memory_space<vmem>>
        %dma_start3A_600 = arith.constant 0 : i32
        %dma_start3A_601 = tpu.memref_slice %arg2[%squeeze3A_591, %dma_start3A_600] : memref<1000000x64xf32, #tpu.memory_space<hbm>> -> memref<1x64xf32, #tpu.memory_space<hbm>>
        %dma_start3A_602 = arith.constant 0 : i32
        %dma_start3A_603 = tpu.memref_slice %arg7[%dma_start3A_596, %add3A_595, %dma_start3A_602] : memref<2x200x64xf32, #tpu.memory_space<vmem>> -> memref<1x1x64xf32, #tpu.memory_space<vmem>>
        %dma_start3A_604 = tpu.memref_squeeze %dma_start3A_603 : memref<1x1x64xf32, #tpu.memory_space<vmem>> -> memref<1x64xf32, #tpu.memory_space<vmem>>
        %dma_start3A_605 = arith.constant 0 : i32
        %dma_start3A_606 = tpu.memref_slice %arg2[%squeeze3A_591, %dma_start3A_605] : memref<1000000x64xf32, #tpu.memory_space<hbm>> -> memref<1x64xf32, #tpu.memory_space<hbm>>
        tpu.enqueue_dma source(%dma_start3A_606 : memref<1x64xf32, #tpu.memory_space<hbm>>) target(%dma_start3A_604 : memref<1x64xf32, #tpu.memory_space<vmem>>) target_semaphore(%arg11 : memref<!tpu.dma_semaphore, #tpu.memory_space<semaphore_mem>>)
        %slice3A_607 = vector.extract_strided_slice %get3A_436 {offsets = [10], sizes = [1], strides = [1]} : vector<16xi32> to vector<1xi32>
        %squeeze3A_608 = vector.extract %slice3A_607[0] : i32 from vector<1xi32>
        %mul3A_609 = arith.constant 16 : i32
        %mul3A_610 = arith.muli %scan3A_429, %mul3A_609 : i32
        %add3A_611 = arith.constant 10 : i32
        %add3A_612 = arith.addi %mul3A_610, %add3A_611 : i32
        %dma_start3A_613 = arith.constant 1 : i32
        %dma_start3A_614 = arith.constant 0 : i32
        %dma_start3A_615 = tpu.memref_slice %arg7[%dma_start3A_613, %add3A_612, %dma_start3A_614] : memref<2x200x64xf32, #tpu.memory_space<vmem>> -> memref<1x1x64xf32, #tpu.memory_space<vmem>>
        %dma_start3A_616 = tpu.memref_squeeze %dma_start3A_615 : memref<1x1x64xf32, #tpu.memory_space<vmem>> -> memref<1x64xf32, #tpu.memory_space<vmem>>
        %dma_start3A_617 = arith.constant 0 : i32
        %dma_start3A_618 = tpu.memref_slice %arg2[%squeeze3A_608, %dma_start3A_617] : memref<1000000x64xf32, #tpu.memory_space<hbm>> -> memref<1x64xf32, #tpu.memory_space<hbm>>
        %dma_start3A_619 = arith.constant 0 : i32
        %dma_start3A_620 = tpu.memref_slice %arg7[%dma_start3A_613, %add3A_612, %dma_start3A_619] : memref<2x200x64xf32, #tpu.memory_space<vmem>> -> memref<1x1x64xf32, #tpu.memory_space<vmem>>
        %dma_start3A_621 = tpu.memref_squeeze %dma_start3A_620 : memref<1x1x64xf32, #tpu.memory_space<vmem>> -> memref<1x64xf32, #tpu.memory_space<vmem>>
        %dma_start3A_622 = arith.constant 0 : i32
        %dma_start3A_623 = tpu.memref_slice %arg2[%squeeze3A_608, %dma_start3A_622] : memref<1000000x64xf32, #tpu.memory_space<hbm>> -> memref<1x64xf32, #tpu.memory_space<hbm>>
        tpu.enqueue_dma source(%dma_start3A_623 : memref<1x64xf32, #tpu.memory_space<hbm>>) target(%dma_start3A_621 : memref<1x64xf32, #tpu.memory_space<vmem>>) target_semaphore(%arg11 : memref<!tpu.dma_semaphore, #tpu.memory_space<semaphore_mem>>)
        %slice3A_624 = vector.extract_strided_slice %get3A_436 {offsets = [11], sizes = [1], strides = [1]} : vector<16xi32> to vector<1xi32>
        %squeeze3A_625 = vector.extract %slice3A_624[0] : i32 from vector<1xi32>
        %mul3A_626 = arith.constant 16 : i32
        %mul3A_627 = arith.muli %scan3A_429, %mul3A_626 : i32
        %add3A_628 = arith.constant 11 : i32
        %add3A_629 = arith.addi %mul3A_627, %add3A_628 : i32
        %dma_start3A_630 = arith.constant 1 : i32
        %dma_start3A_631 = arith.constant 0 : i32
        %dma_start3A_632 = tpu.memref_slice %arg7[%dma_start3A_630, %add3A_629, %dma_start3A_631] : memref<2x200x64xf32, #tpu.memory_space<vmem>> -> memref<1x1x64xf32, #tpu.memory_space<vmem>>
        %dma_start3A_633 = tpu.memref_squeeze %dma_start3A_632 : memref<1x1x64xf32, #tpu.memory_space<vmem>> -> memref<1x64xf32, #tpu.memory_space<vmem>>
        %dma_start3A_634 = arith.constant 0 : i32
        %dma_start3A_635 = tpu.memref_slice %arg2[%squeeze3A_625, %dma_start3A_634] : memref<1000000x64xf32, #tpu.memory_space<hbm>> -> memref<1x64xf32, #tpu.memory_space<hbm>>
        %dma_start3A_636 = arith.constant 0 : i32
        %dma_start3A_637 = tpu.memref_slice %arg7[%dma_start3A_630, %add3A_629, %dma_start3A_636] : memref<2x200x64xf32, #tpu.memory_space<vmem>> -> memref<1x1x64xf32, #tpu.memory_space<vmem>>
        %dma_start3A_638 = tpu.memref_squeeze %dma_start3A_637 : memref<1x1x64xf32, #tpu.memory_space<vmem>> -> memref<1x64xf32, #tpu.memory_space<vmem>>
        %dma_start3A_639 = arith.constant 0 : i32
        %dma_start3A_640 = tpu.memref_slice %arg2[%squeeze3A_625, %dma_start3A_639] : memref<1000000x64xf32, #tpu.memory_space<hbm>> -> memref<1x64xf32, #tpu.memory_space<hbm>>
        tpu.enqueue_dma source(%dma_start3A_640 : memref<1x64xf32, #tpu.memory_space<hbm>>) target(%dma_start3A_638 : memref<1x64xf32, #tpu.memory_space<vmem>>) target_semaphore(%arg11 : memref<!tpu.dma_semaphore, #tpu.memory_space<semaphore_mem>>)
        %slice3A_641 = vector.extract_strided_slice %get3A_436 {offsets = [12], sizes = [1], strides = [1]} : vector<16xi32> to vector<1xi32>
        %squeeze3A_642 = vector.extract %slice3A_641[0] : i32 from vector<1xi32>
        %mul3A_643 = arith.constant 16 : i32
        %mul3A_644 = arith.muli %scan3A_429, %mul3A_643 : i32
        %add3A_645 = arith.constant 12 : i32
        %add3A_646 = arith.addi %mul3A_644, %add3A_645 : i32
        %dma_start3A_647 = arith.constant 1 : i32
        %dma_start3A_648 = arith.constant 0 : i32
        %dma_start3A_649 = tpu.memref_slice %arg7[%dma_start3A_647, %add3A_646, %dma_start3A_648] : memref<2x200x64xf32, #tpu.memory_space<vmem>> -> memref<1x1x64xf32, #tpu.memory_space<vmem>>
        %dma_start3A_650 = tpu.memref_squeeze %dma_start3A_649 : memref<1x1x64xf32, #tpu.memory_space<vmem>> -> memref<1x64xf32, #tpu.memory_space<vmem>>
        %dma_start3A_651 = arith.constant 0 : i32
        %dma_start3A_652 = tpu.memref_slice %arg2[%squeeze3A_642, %dma_start3A_651] : memref<1000000x64xf32, #tpu.memory_space<hbm>> -> memref<1x64xf32, #tpu.memory_space<hbm>>
        %dma_start3A_653 = arith.constant 0 : i32
        %dma_start3A_654 = tpu.memref_slice %arg7[%dma_start3A_647, %add3A_646, %dma_start3A_653] : memref<2x200x64xf32, #tpu.memory_space<vmem>> -> memref<1x1x64xf32, #tpu.memory_space<vmem>>
        %dma_start3A_655 = tpu.memref_squeeze %dma_start3A_654 : memref<1x1x64xf32, #tpu.memory_space<vmem>> -> memref<1x64xf32, #tpu.memory_space<vmem>>
        %dma_start3A_656 = arith.constant 0 : i32
        %dma_start3A_657 = tpu.memref_slice %arg2[%squeeze3A_642, %dma_start3A_656] : memref<1000000x64xf32, #tpu.memory_space<hbm>> -> memref<1x64xf32, #tpu.memory_space<hbm>>
        tpu.enqueue_dma source(%dma_start3A_657 : memref<1x64xf32, #tpu.memory_space<hbm>>) target(%dma_start3A_655 : memref<1x64xf32, #tpu.memory_space<vmem>>) target_semaphore(%arg11 : memref<!tpu.dma_semaphore, #tpu.memory_space<semaphore_mem>>)
        %slice3A_658 = vector.extract_strided_slice %get3A_436 {offsets = [13], sizes = [1], strides = [1]} : vector<16xi32> to vector<1xi32>
        %squeeze3A_659 = vector.extract %slice3A_658[0] : i32 from vector<1xi32>
        %mul3A_660 = arith.constant 16 : i32
        %mul3A_661 = arith.muli %scan3A_429, %mul3A_660 : i32
        %add3A_662 = arith.constant 13 : i32
        %add3A_663 = arith.addi %mul3A_661, %add3A_662 : i32
        %dma_start3A_664 = arith.constant 1 : i32
        %dma_start3A_665 = arith.constant 0 : i32
        %dma_start3A_666 = tpu.memref_slice %arg7[%dma_start3A_664, %add3A_663, %dma_start3A_665] : memref<2x200x64xf32, #tpu.memory_space<vmem>> -> memref<1x1x64xf32, #tpu.memory_space<vmem>>
        %dma_start3A_667 = tpu.memref_squeeze %dma_start3A_666 : memref<1x1x64xf32, #tpu.memory_space<vmem>> -> memref<1x64xf32, #tpu.memory_space<vmem>>
        %dma_start3A_668 = arith.constant 0 : i32
        %dma_start3A_669 = tpu.memref_slice %arg2[%squeeze3A_659, %dma_start3A_668] : memref<1000000x64xf32, #tpu.memory_space<hbm>> -> memref<1x64xf32, #tpu.memory_space<hbm>>
        %dma_start3A_670 = arith.constant 0 : i32
        %dma_start3A_671 = tpu.memref_slice %arg7[%dma_start3A_664, %add3A_663, %dma_start3A_670] : memref<2x200x64xf32, #tpu.memory_space<vmem>> -> memref<1x1x64xf32, #tpu.memory_space<vmem>>
        %dma_start3A_672 = tpu.memref_squeeze %dma_start3A_671 : memref<1x1x64xf32, #tpu.memory_space<vmem>> -> memref<1x64xf32, #tpu.memory_space<vmem>>
        %dma_start3A_673 = arith.constant 0 : i32
        %dma_start3A_674 = tpu.memref_slice %arg2[%squeeze3A_659, %dma_start3A_673] : memref<1000000x64xf32, #tpu.memory_space<hbm>> -> memref<1x64xf32, #tpu.memory_space<hbm>>
        tpu.enqueue_dma source(%dma_start3A_674 : memref<1x64xf32, #tpu.memory_space<hbm>>) target(%dma_start3A_672 : memref<1x64xf32, #tpu.memory_space<vmem>>) target_semaphore(%arg11 : memref<!tpu.dma_semaphore, #tpu.memory_space<semaphore_mem>>)
        %slice3A_675 = vector.extract_strided_slice %get3A_436 {offsets = [14], sizes = [1], strides = [1]} : vector<16xi32> to vector<1xi32>
        %squeeze3A_676 = vector.extract %slice3A_675[0] : i32 from vector<1xi32>
        %mul3A_677 = arith.constant 16 : i32
        %mul3A_678 = arith.muli %scan3A_429, %mul3A_677 : i32
        %add3A_679 = arith.constant 14 : i32
        %add3A_680 = arith.addi %mul3A_678, %add3A_679 : i32
        %dma_start3A_681 = arith.constant 1 : i32
        %dma_start3A_682 = arith.constant 0 : i32
        %dma_start3A_683 = tpu.memref_slice %arg7[%dma_start3A_681, %add3A_680, %dma_start3A_682] : memref<2x200x64xf32, #tpu.memory_space<vmem>> -> memref<1x1x64xf32, #tpu.memory_space<vmem>>
        %dma_start3A_684 = tpu.memref_squeeze %dma_start3A_683 : memref<1x1x64xf32, #tpu.memory_space<vmem>> -> memref<1x64xf32, #tpu.memory_space<vmem>>
        %dma_start3A_685 = arith.constant 0 : i32
        %dma_start3A_686 = tpu.memref_slice %arg2[%squeeze3A_676, %dma_start3A_685] : memref<1000000x64xf32, #tpu.memory_space<hbm>> -> memref<1x64xf32, #tpu.memory_space<hbm>>
        %dma_start3A_687 = arith.constant 0 : i32
        %dma_start3A_688 = tpu.memref_slice %arg7[%dma_start3A_681, %add3A_680, %dma_start3A_687] : memref<2x200x64xf32, #tpu.memory_space<vmem>> -> memref<1x1x64xf32, #tpu.memory_space<vmem>>
        %dma_start3A_689 = tpu.memref_squeeze %dma_start3A_688 : memref<1x1x64xf32, #tpu.memory_space<vmem>> -> memref<1x64xf32, #tpu.memory_space<vmem>>
        %dma_start3A_690 = arith.constant 0 : i32
        %dma_start3A_691 = tpu.memref_slice %arg2[%squeeze3A_676, %dma_start3A_690] : memref<1000000x64xf32, #tpu.memory_space<hbm>> -> memref<1x64xf32, #tpu.memory_space<hbm>>
        tpu.enqueue_dma source(%dma_start3A_691 : memref<1x64xf32, #tpu.memory_space<hbm>>) target(%dma_start3A_689 : memref<1x64xf32, #tpu.memory_space<vmem>>) target_semaphore(%arg11 : memref<!tpu.dma_semaphore, #tpu.memory_space<semaphore_mem>>)
        %slice3A_692 = vector.extract_strided_slice %get3A_436 {offsets = [15], sizes = [1], strides = [1]} : vector<16xi32> to vector<1xi32>
        %squeeze3A_693 = vector.extract %slice3A_692[0] : i32 from vector<1xi32>
        %mul3A_694 = arith.constant 16 : i32
        %mul3A_695 = arith.muli %scan3A_429, %mul3A_694 : i32
        %add3A_696 = arith.constant 15 : i32
        %add3A_697 = arith.addi %mul3A_695, %add3A_696 : i32
        %dma_start3A_698 = arith.constant 1 : i32
        %dma_start3A_699 = arith.constant 0 : i32
        %dma_start3A_700 = tpu.memref_slice %arg7[%dma_start3A_698, %add3A_697, %dma_start3A_699] : memref<2x200x64xf32, #tpu.memory_space<vmem>> -> memref<1x1x64xf32, #tpu.memory_space<vmem>>
        %dma_start3A_701 = tpu.memref_squeeze %dma_start3A_700 : memref<1x1x64xf32, #tpu.memory_space<vmem>> -> memref<1x64xf32, #tpu.memory_space<vmem>>
        %dma_start3A_702 = arith.constant 0 : i32
        %dma_start3A_703 = tpu.memref_slice %arg2[%squeeze3A_693, %dma_start3A_702] : memref<1000000x64xf32, #tpu.memory_space<hbm>> -> memref<1x64xf32, #tpu.memory_space<hbm>>
        %dma_start3A_704 = arith.constant 0 : i32
        %dma_start3A_705 = tpu.memref_slice %arg7[%dma_start3A_698, %add3A_697, %dma_start3A_704] : memref<2x200x64xf32, #tpu.memory_space<vmem>> -> memref<1x1x64xf32, #tpu.memory_space<vmem>>
        %dma_start3A_706 = tpu.memref_squeeze %dma_start3A_705 : memref<1x1x64xf32, #tpu.memory_space<vmem>> -> memref<1x64xf32, #tpu.memory_space<vmem>>
        %dma_start3A_707 = arith.constant 0 : i32
        %dma_start3A_708 = tpu.memref_slice %arg2[%squeeze3A_693, %dma_start3A_707] : memref<1000000x64xf32, #tpu.memory_space<hbm>> -> memref<1x64xf32, #tpu.memory_space<hbm>>
        tpu.enqueue_dma source(%dma_start3A_708 : memref<1x64xf32, #tpu.memory_space<hbm>>) target(%dma_start3A_706 : memref<1x64xf32, #tpu.memory_space<vmem>>) target_semaphore(%arg11 : memref<!tpu.dma_semaphore, #tpu.memory_space<semaphore_mem>>)
      }
      %scan3A_297 = arith.constant 12 : i32
      %get3A_298 = arith.constant 1 : i32
      %get3A_299 = arith.index_cast %get3A_298 : i32 to index
      %get3A_300 = arith.constant 192 : index
      %get3A_301 = tpu.vector_load %arg6[%get3A_299, %get3A_300] {strides = array<i32>} : memref<2x256xi32, #tpu.memory_space<vmem>>, vector<1x16xi32>,
      %get3A_302 = vector.shape_cast %get3A_301 : vector<1x16xi32> to vector<16xi32>
      %slice3A_303 = vector.extract_strided_slice %get3A_302 {offsets = [0], sizes = [1], strides = [1]} : vector<16xi32> to vector<1xi32>
      %squeeze3A_304 = vector.extract %slice3A_303[0] : i32 from vector<1xi32>
      %dma_start3A_305 = arith.constant 1 : i32
      %dma_start3A_306 = arith.constant 192 : i32
      %dma_start3A_307 = arith.constant 0 : i32
      %dma_start3A_308 = tpu.memref_slice %arg7[%dma_start3A_305, %dma_start3A_306, %dma_start3A_307] : memref<2x200x64xf32, #tpu.memory_space<vmem>> -> memref<1x1x64xf32, #tpu.memory_space<vmem>>
      %dma_start3A_309 = tpu.memref_squeeze %dma_start3A_308 : memref<1x1x64xf32, #tpu.memory_space<vmem>> -> memref<1x64xf32, #tpu.memory_space<vmem>>
      %dma_start3A_310 = arith.constant 0 : i32
      %dma_start3A_311 = tpu.memref_slice %arg2[%squeeze3A_304, %dma_start3A_310] : memref<1000000x64xf32, #tpu.memory_space<hbm>> -> memref<1x64xf32, #tpu.memory_space<hbm>>
      %dma_start3A_312 = arith.constant 192 : i32
      %dma_start3A_313 = arith.constant 0 : i32
      %dma_start3A_314 = tpu.memref_slice %arg7[%dma_start3A_305, %dma_start3A_312, %dma_start3A_313] : memref<2x200x64xf32, #tpu.memory_space<vmem>> -> memref<1x1x64xf32, #tpu.memory_space<vmem>>
      %dma_start3A_315 = tpu.memref_squeeze %dma_start3A_314 : memref<1x1x64xf32, #tpu.memory_space<vmem>> -> memref<1x64xf32, #tpu.memory_space<vmem>>
      %dma_start3A_316 = arith.constant 0 : i32
      %dma_start3A_317 = tpu.memref_slice %arg2[%squeeze3A_304, %dma_start3A_316] : memref<1000000x64xf32, #tpu.memory_space<hbm>> -> memref<1x64xf32, #tpu.memory_space<hbm>>
      tpu.enqueue_dma source(%dma_start3A_317 : memref<1x64xf32, #tpu.memory_space<hbm>>) target(%dma_start3A_315 : memref<1x64xf32, #tpu.memory_space<vmem>>) target_semaphore(%arg11 : memref<!tpu.dma_semaphore, #tpu.memory_space<semaphore_mem>>)
      %slice3A_318 = vector.extract_strided_slice %get3A_302 {offsets = [1], sizes = [1], strides = [1]} : vector<16xi32> to vector<1xi32>
      %squeeze3A_319 = vector.extract %slice3A_318[0] : i32 from vector<1xi32>
      %dma_start3A_320 = arith.constant 1 : i32
      %dma_start3A_321 = arith.constant 193 : i32
      %dma_start3A_322 = arith.constant 0 : i32
      %dma_start3A_323 = tpu.memref_slice %arg7[%dma_start3A_320, %dma_start3A_321, %dma_start3A_322] : memref<2x200x64xf32, #tpu.memory_space<vmem>> -> memref<1x1x64xf32, #tpu.memory_space<vmem>>
      %dma_start3A_324 = tpu.memref_squeeze %dma_start3A_323 : memref<1x1x64xf32, #tpu.memory_space<vmem>> -> memref<1x64xf32, #tpu.memory_space<vmem>>
      %dma_start3A_325 = arith.constant 0 : i32
      %dma_start3A_326 = tpu.memref_slice %arg2[%squeeze3A_319, %dma_start3A_325] : memref<1000000x64xf32, #tpu.memory_space<hbm>> -> memref<1x64xf32, #tpu.memory_space<hbm>>
      %dma_start3A_327 = arith.constant 193 : i32
      %dma_start3A_328 = arith.constant 0 : i32
      %dma_start3A_329 = tpu.memref_slice %arg7[%dma_start3A_320, %dma_start3A_327, %dma_start3A_328] : memref<2x200x64xf32, #tpu.memory_space<vmem>> -> memref<1x1x64xf32, #tpu.memory_space<vmem>>
      %dma_start3A_330 = tpu.memref_squeeze %dma_start3A_329 : memref<1x1x64xf32, #tpu.memory_space<vmem>> -> memref<1x64xf32, #tpu.memory_space<vmem>>
      %dma_start3A_331 = arith.constant 0 : i32
      %dma_start3A_332 = tpu.memref_slice %arg2[%squeeze3A_319, %dma_start3A_331] : memref<1000000x64xf32, #tpu.memory_space<hbm>> -> memref<1x64xf32, #tpu.memory_space<hbm>>
      tpu.enqueue_dma source(%dma_start3A_332 : memref<1x64xf32, #tpu.memory_space<hbm>>) target(%dma_start3A_330 : memref<1x64xf32, #tpu.memory_space<vmem>>) target_semaphore(%arg11 : memref<!tpu.dma_semaphore, #tpu.memory_space<semaphore_mem>>)
      %slice3A_333 = vector.extract_strided_slice %get3A_302 {offsets = [2], sizes = [1], strides = [1]} : vector<16xi32> to vector<1xi32>
      %squeeze3A_334 = vector.extract %slice3A_333[0] : i32 from vector<1xi32>
      %dma_start3A_335 = arith.constant 1 : i32
      %dma_start3A_336 = arith.constant 194 : i32
      %dma_start3A_337 = arith.constant 0 : i32
      %dma_start3A_338 = tpu.memref_slice %arg7[%dma_start3A_335, %dma_start3A_336, %dma_start3A_337] : memref<2x200x64xf32, #tpu.memory_space<vmem>> -> memref<1x1x64xf32, #tpu.memory_space<vmem>>
      %dma_start3A_339 = tpu.memref_squeeze %dma_start3A_338 : memref<1x1x64xf32, #tpu.memory_space<vmem>> -> memref<1x64xf32, #tpu.memory_space<vmem>>
      %dma_start3A_340 = arith.constant 0 : i32
      %dma_start3A_341 = tpu.memref_slice %arg2[%squeeze3A_334, %dma_start3A_340] : memref<1000000x64xf32, #tpu.memory_space<hbm>> -> memref<1x64xf32, #tpu.memory_space<hbm>>
      %dma_start3A_342 = arith.constant 194 : i32
      %dma_start3A_343 = arith.constant 0 : i32
      %dma_start3A_344 = tpu.memref_slice %arg7[%dma_start3A_335, %dma_start3A_342, %dma_start3A_343] : memref<2x200x64xf32, #tpu.memory_space<vmem>> -> memref<1x1x64xf32, #tpu.memory_space<vmem>>
      %dma_start3A_345 = tpu.memref_squeeze %dma_start3A_344 : memref<1x1x64xf32, #tpu.memory_space<vmem>> -> memref<1x64xf32, #tpu.memory_space<vmem>>
      %dma_start3A_346 = arith.constant 0 : i32
      %dma_start3A_347 = tpu.memref_slice %arg2[%squeeze3A_334, %dma_start3A_346] : memref<1000000x64xf32, #tpu.memory_space<hbm>> -> memref<1x64xf32, #tpu.memory_space<hbm>>
      tpu.enqueue_dma source(%dma_start3A_347 : memref<1x64xf32, #tpu.memory_space<hbm>>) target(%dma_start3A_345 : memref<1x64xf32, #tpu.memory_space<vmem>>) target_semaphore(%arg11 : memref<!tpu.dma_semaphore, #tpu.memory_space<semaphore_mem>>)
      %slice3A_348 = vector.extract_strided_slice %get3A_302 {offsets = [3], sizes = [1], strides = [1]} : vector<16xi32> to vector<1xi32>
      %squeeze3A_349 = vector.extract %slice3A_348[0] : i32 from vector<1xi32>
      %dma_start3A_350 = arith.constant 1 : i32
      %dma_start3A_351 = arith.constant 195 : i32
      %dma_start3A_352 = arith.constant 0 : i32
      %dma_start3A_353 = tpu.memref_slice %arg7[%dma_start3A_350, %dma_start3A_351, %dma_start3A_352] : memref<2x200x64xf32, #tpu.memory_space<vmem>> -> memref<1x1x64xf32, #tpu.memory_space<vmem>>
      %dma_start3A_354 = tpu.memref_squeeze %dma_start3A_353 : memref<1x1x64xf32, #tpu.memory_space<vmem>> -> memref<1x64xf32, #tpu.memory_space<vmem>>
      %dma_start3A_355 = arith.constant 0 : i32
      %dma_start3A_356 = tpu.memref_slice %arg2[%squeeze3A_349, %dma_start3A_355] : memref<1000000x64xf32, #tpu.memory_space<hbm>> -> memref<1x64xf32, #tpu.memory_space<hbm>>
      %dma_start3A_357 = arith.constant 195 : i32
      %dma_start3A_358 = arith.constant 0 : i32
      %dma_start3A_359 = tpu.memref_slice %arg7[%dma_start3A_350, %dma_start3A_357, %dma_start3A_358] : memref<2x200x64xf32, #tpu.memory_space<vmem>> -> memref<1x1x64xf32, #tpu.memory_space<vmem>>
      %dma_start3A_360 = tpu.memref_squeeze %dma_start3A_359 : memref<1x1x64xf32, #tpu.memory_space<vmem>> -> memref<1x64xf32, #tpu.memory_space<vmem>>
      %dma_start3A_361 = arith.constant 0 : i32
      %dma_start3A_362 = tpu.memref_slice %arg2[%squeeze3A_349, %dma_start3A_361] : memref<1000000x64xf32, #tpu.memory_space<hbm>> -> memref<1x64xf32, #tpu.memory_space<hbm>>
      tpu.enqueue_dma source(%dma_start3A_362 : memref<1x64xf32, #tpu.memory_space<hbm>>) target(%dma_start3A_360 : memref<1x64xf32, #tpu.memory_space<vmem>>) target_semaphore(%arg11 : memref<!tpu.dma_semaphore, #tpu.memory_space<semaphore_mem>>)
      %slice3A_363 = vector.extract_strided_slice %get3A_302 {offsets = [4], sizes = [1], strides = [1]} : vector<16xi32> to vector<1xi32>
      %squeeze3A_364 = vector.extract %slice3A_363[0] : i32 from vector<1xi32>
      %dma_start3A_365 = arith.constant 1 : i32
      %dma_start3A_366 = arith.constant 196 : i32
      %dma_start3A_367 = arith.constant 0 : i32
      %dma_start3A_368 = tpu.memref_slice %arg7[%dma_start3A_365, %dma_start3A_366, %dma_start3A_367] : memref<2x200x64xf32, #tpu.memory_space<vmem>> -> memref<1x1x64xf32, #tpu.memory_space<vmem>>
      %dma_start3A_369 = tpu.memref_squeeze %dma_start3A_368 : memref<1x1x64xf32, #tpu.memory_space<vmem>> -> memref<1x64xf32, #tpu.memory_space<vmem>>
      %dma_start3A_370 = arith.constant 0 : i32
      %dma_start3A_371 = tpu.memref_slice %arg2[%squeeze3A_364, %dma_start3A_370] : memref<1000000x64xf32, #tpu.memory_space<hbm>> -> memref<1x64xf32, #tpu.memory_space<hbm>>
      %dma_start3A_372 = arith.constant 196 : i32
      %dma_start3A_373 = arith.constant 0 : i32
      %dma_start3A_374 = tpu.memref_slice %arg7[%dma_start3A_365, %dma_start3A_372, %dma_start3A_373] : memref<2x200x64xf32, #tpu.memory_space<vmem>> -> memref<1x1x64xf32, #tpu.memory_space<vmem>>
      %dma_start3A_375 = tpu.memref_squeeze %dma_start3A_374 : memref<1x1x64xf32, #tpu.memory_space<vmem>> -> memref<1x64xf32, #tpu.memory_space<vmem>>
      %dma_start3A_376 = arith.constant 0 : i32
      %dma_start3A_377 = tpu.memref_slice %arg2[%squeeze3A_364, %dma_start3A_376] : memref<1000000x64xf32, #tpu.memory_space<hbm>> -> memref<1x64xf32, #tpu.memory_space<hbm>>
      tpu.enqueue_dma source(%dma_start3A_377 : memref<1x64xf32, #tpu.memory_space<hbm>>) target(%dma_start3A_375 : memref<1x64xf32, #tpu.memory_space<vmem>>) target_semaphore(%arg11 : memref<!tpu.dma_semaphore, #tpu.memory_space<semaphore_mem>>)
      %slice3A_378 = vector.extract_strided_slice %get3A_302 {offsets = [5], sizes = [1], strides = [1]} : vector<16xi32> to vector<1xi32>
      %squeeze3A_379 = vector.extract %slice3A_378[0] : i32 from vector<1xi32>
      %dma_start3A_380 = arith.constant 1 : i32
      %dma_start3A_381 = arith.constant 197 : i32
      %dma_start3A_382 = arith.constant 0 : i32
      %dma_start3A_383 = tpu.memref_slice %arg7[%dma_start3A_380, %dma_start3A_381, %dma_start3A_382] : memref<2x200x64xf32, #tpu.memory_space<vmem>> -> memref<1x1x64xf32, #tpu.memory_space<vmem>>
      %dma_start3A_384 = tpu.memref_squeeze %dma_start3A_383 : memref<1x1x64xf32, #tpu.memory_space<vmem>> -> memref<1x64xf32, #tpu.memory_space<vmem>>
      %dma_start3A_385 = arith.constant 0 : i32
      %dma_start3A_386 = tpu.memref_slice %arg2[%squeeze3A_379, %dma_start3A_385] : memref<1000000x64xf32, #tpu.memory_space<hbm>> -> memref<1x64xf32, #tpu.memory_space<hbm>>
      %dma_start3A_387 = arith.constant 197 : i32
      %dma_start3A_388 = arith.constant 0 : i32
      %dma_start3A_389 = tpu.memref_slice %arg7[%dma_start3A_380, %dma_start3A_387, %dma_start3A_388] : memref<2x200x64xf32, #tpu.memory_space<vmem>> -> memref<1x1x64xf32, #tpu.memory_space<vmem>>
      %dma_start3A_390 = tpu.memref_squeeze %dma_start3A_389 : memref<1x1x64xf32, #tpu.memory_space<vmem>> -> memref<1x64xf32, #tpu.memory_space<vmem>>
      %dma_start3A_391 = arith.constant 0 : i32
      %dma_start3A_392 = tpu.memref_slice %arg2[%squeeze3A_379, %dma_start3A_391] : memref<1000000x64xf32, #tpu.memory_space<hbm>> -> memref<1x64xf32, #tpu.memory_space<hbm>>
      tpu.enqueue_dma source(%dma_start3A_392 : memref<1x64xf32, #tpu.memory_space<hbm>>) target(%dma_start3A_390 : memref<1x64xf32, #tpu.memory_space<vmem>>) target_semaphore(%arg11 : memref<!tpu.dma_semaphore, #tpu.memory_space<semaphore_mem>>)
      %slice3A_393 = vector.extract_strided_slice %get3A_302 {offsets = [6], sizes = [1], strides = [1]} : vector<16xi32> to vector<1xi32>
      %squeeze3A_394 = vector.extract %slice3A_393[0] : i32 from vector<1xi32>
      %dma_start3A_395 = arith.constant 1 : i32
      %dma_start3A_396 = arith.constant 198 : i32
      %dma_start3A_397 = arith.constant 0 : i32
      %dma_start3A_398 = tpu.memref_slice %arg7[%dma_start3A_395, %dma_start3A_396, %dma_start3A_397] : memref<2x200x64xf32, #tpu.memory_space<vmem>> -> memref<1x1x64xf32, #tpu.memory_space<vmem>>
      %dma_start3A_399 = tpu.memref_squeeze %dma_start3A_398 : memref<1x1x64xf32, #tpu.memory_space<vmem>> -> memref<1x64xf32, #tpu.memory_space<vmem>>
      %dma_start3A_400 = arith.constant 0 : i32
      %dma_start3A_401 = tpu.memref_slice %arg2[%squeeze3A_394, %dma_start3A_400] : memref<1000000x64xf32, #tpu.memory_space<hbm>> -> memref<1x64xf32, #tpu.memory_space<hbm>>
      %dma_start3A_402 = arith.constant 198 : i32
      %dma_start3A_403 = arith.constant 0 : i32
      %dma_start3A_404 = tpu.memref_slice %arg7[%dma_start3A_395, %dma_start3A_402, %dma_start3A_403] : memref<2x200x64xf32, #tpu.memory_space<vmem>> -> memref<1x1x64xf32, #tpu.memory_space<vmem>>
      %dma_start3A_405 = tpu.memref_squeeze %dma_start3A_404 : memref<1x1x64xf32, #tpu.memory_space<vmem>> -> memref<1x64xf32, #tpu.memory_space<vmem>>
      %dma_start3A_406 = arith.constant 0 : i32
      %dma_start3A_407 = tpu.memref_slice %arg2[%squeeze3A_394, %dma_start3A_406] : memref<1000000x64xf32, #tpu.memory_space<hbm>> -> memref<1x64xf32, #tpu.memory_space<hbm>>
      tpu.enqueue_dma source(%dma_start3A_407 : memref<1x64xf32, #tpu.memory_space<hbm>>) target(%dma_start3A_405 : memref<1x64xf32, #tpu.memory_space<vmem>>) target_semaphore(%arg11 : memref<!tpu.dma_semaphore, #tpu.memory_space<semaphore_mem>>)
      %slice3A_408 = vector.extract_strided_slice %get3A_302 {offsets = [7], sizes = [1], strides = [1]} : vector<16xi32> to vector<1xi32>
      %squeeze3A_409 = vector.extract %slice3A_408[0] : i32 from vector<1xi32>
      %dma_start3A_410 = arith.constant 1 : i32
      %dma_start3A_411 = arith.constant 199 : i32
      %dma_start3A_412 = arith.constant 0 : i32
      %dma_start3A_413 = tpu.memref_slice %arg7[%dma_start3A_410, %dma_start3A_411, %dma_start3A_412] : memref<2x200x64xf32, #tpu.memory_space<vmem>> -> memref<1x1x64xf32, #tpu.memory_space<vmem>>
      %dma_start3A_414 = tpu.memref_squeeze %dma_start3A_413 : memref<1x1x64xf32, #tpu.memory_space<vmem>> -> memref<1x64xf32, #tpu.memory_space<vmem>>
      %dma_start3A_415 = arith.constant 0 : i32
      %dma_start3A_416 = tpu.memref_slice %arg2[%squeeze3A_409, %dma_start3A_415] : memref<1000000x64xf32, #tpu.memory_space<hbm>> -> memref<1x64xf32, #tpu.memory_space<hbm>>
      %dma_start3A_417 = arith.constant 199 : i32
      %dma_start3A_418 = arith.constant 0 : i32
      %dma_start3A_419 = tpu.memref_slice %arg7[%dma_start3A_410, %dma_start3A_417, %dma_start3A_418] : memref<2x200x64xf32, #tpu.memory_space<vmem>> -> memref<1x1x64xf32, #tpu.memory_space<vmem>>
      %dma_start3A_420 = tpu.memref_squeeze %dma_start3A_419 : memref<1x1x64xf32, #tpu.memory_space<vmem>> -> memref<1x64xf32, #tpu.memory_space<vmem>>
      %dma_start3A_421 = arith.constant 0 : i32
      %dma_start3A_422 = tpu.memref_slice %arg2[%squeeze3A_409, %dma_start3A_421] : memref<1000000x64xf32, #tpu.memory_space<hbm>> -> memref<1x64xf32, #tpu.memory_space<hbm>>
      tpu.enqueue_dma source(%dma_start3A_422 : memref<1x64xf32, #tpu.memory_space<hbm>>) target(%dma_start3A_420 : memref<1x64xf32, #tpu.memory_space<vmem>>) target_semaphore(%arg11 : memref<!tpu.dma_semaphore, #tpu.memory_space<semaphore_mem>>)
      %add3A_423 = arith.constant 1 : i32
      %add3A_424 = arith.addi %mul3A_2, %add3A_423 : i32
      %ge3A_425 = arith.cmpi sge, %add3A_249, %add3A_424 : i32
      %convert_element_type3A_426 = arith.extui %ge3A_425 : i1 to i32
      %cond3A_427 = arith.constant 0 : i32
      %cond3A_428 = arith.cmpi ne, %convert_element_type3A_426, %cond3A_427 : i32
      scf.if %cond3A_428 {
        %dma_wait3A_429 = arith.constant 0 : i32
        %dma_wait3A_430 = arith.constant 0 : i32
        %dma_wait3A_431 = arith.constant 0 : i32
        %dma_wait3A_432 = tpu.memref_slice %arg7[%dma_wait3A_429, %dma_wait3A_430, %dma_wait3A_431] : memref<2x200x64xf32, #tpu.memory_space<vmem>> -> memref<1x200x64xf32, #tpu.memory_space<vmem>>
        %dma_wait3A_433 = tpu.memref_squeeze %dma_wait3A_432 : memref<1x200x64xf32, #tpu.memory_space<vmem>> -> memref<200x64xf32, #tpu.memory_space<vmem>>
        %dma_wait3A_434 = arith.constant 0 : i32
        %dma_wait3A_435 = arith.constant 0 : i32
        %dma_wait3A_436 = tpu.memref_slice %arg2[%dma_wait3A_434, %dma_wait3A_435] : memref<1000000x64xf32, #tpu.memory_space<hbm>> -> memref<200x64xf32, #tpu.memory_space<hbm>>
        %dma_wait3A_437 = arith.constant 0 : i32
        %dma_wait3A_438 = arith.constant 0 : i32
        %dma_wait3A_439 = tpu.memref_slice %arg7[%dma_wait3A_429, %dma_wait3A_437, %dma_wait3A_438] : memref<2x200x64xf32, #tpu.memory_space<vmem>> -> memref<1x200x64xf32, #tpu.memory_space<vmem>>
        %dma_wait3A_440 = tpu.memref_squeeze %dma_wait3A_439 : memref<1x200x64xf32, #tpu.memory_space<vmem>> -> memref<200x64xf32, #tpu.memory_space<vmem>>
        %dma_wait3A_441 = arith.constant 0 : i32
        %dma_wait3A_442 = arith.constant 0 : i32
        %dma_wait3A_443 = tpu.memref_slice %arg2[%dma_wait3A_441, %dma_wait3A_442] : memref<1000000x64xf32, #tpu.memory_space<hbm>> -> memref<200x64xf32, #tpu.memory_space<hbm>>
        tpu.wait_dma2 semaphore(%arg10 : memref<!tpu.dma_semaphore, #tpu.memory_space<semaphore_mem>>) src(%dma_wait3A_443 : memref<200x64xf32, #tpu.memory_space<hbm>>) dst(%dma_wait3A_440 : memref<200x64xf32, #tpu.memory_space<vmem>>)
        %sub3A_444 = arith.constant 1 : i32
        %sub3A_445 = arith.subi %add3A_249, %sub3A_444 : i32
        %mul3A_446 = arith.constant 200 : i32
        %mul3A_447 = arith.muli %sub3A_445, %mul3A_446 : i32
        %dma_start3A_448 = arith.constant 0 : i32
        %dma_start3A_449 = arith.constant 0 : i32
        %dma_start3A_450 = arith.constant 0 : i32
        %dma_start3A_451 = tpu.memref_slice %arg7[%dma_start3A_448, %dma_start3A_449, %dma_start3A_450] : memref<2x200x64xf32, #tpu.memory_space<vmem>> -> memref<1x200x64xf32, #tpu.memory_space<vmem>>
        %dma_start3A_452 = tpu.memref_squeeze %dma_start3A_451 : memref<1x200x64xf32, #tpu.memory_space<vmem>> -> memref<200x64xf32, #tpu.memory_space<vmem>>
        %dma_start3A_453 = arith.constant 0 : i32
        %dma_start3A_454 = tpu.memref_slice %arg5[%mul3A_447, %dma_start3A_453] : memref<819200x64xf32, #tpu.memory_space<hbm>> -> memref<200x64xf32, #tpu.memory_space<hbm>>
        %dma_start3A_455 = arith.constant 0 : i32
        %dma_start3A_456 = tpu.memref_slice %arg5[%mul3A_447, %dma_start3A_455] : memref<819200x64xf32, #tpu.memory_space<hbm>> -> memref<200x64xf32, #tpu.memory_space<hbm>>
        %dma_start3A_457 = arith.constant 0 : i32
        %dma_start3A_458 = arith.constant 0 : i32
        %dma_start3A_459 = tpu.memref_slice %arg7[%dma_start3A_448, %dma_start3A_457, %dma_start3A_458] : memref<2x200x64xf32, #tpu.memory_space<vmem>> -> memref<1x200x64xf32, #tpu.memory_space<vmem>>
        %dma_start3A_460 = tpu.memref_squeeze %dma_start3A_459 : memref<1x200x64xf32, #tpu.memory_space<vmem>> -> memref<200x64xf32, #tpu.memory_space<vmem>>
        tpu.enqueue_dma source(%dma_start3A_460 : memref<200x64xf32, #tpu.memory_space<vmem>>) target(%dma_start3A_456 : memref<200x64xf32, #tpu.memory_space<hbm>>) target_semaphore(%arg12 : memref<!tpu.dma_semaphore, #tpu.memory_space<semaphore_mem>>)
      } else {
      }
    }
    %scan3A_32 = arith.constant 64 : i32
    %add3A_33 = arith.constant 128 : i32
    %add3A_34 = arith.addi %mul3A_2, %add3A_33 : i32
    %sub3A = arith.constant 1 : i32
    %sub3A_35 = arith.subi %add3A_34, %sub3A : i32
    %dma_wait3A = arith.constant 1 : i32
    %dma_wait3A_36 = arith.constant 0 : i32
    %dma_wait3A_37 = arith.constant 0 : i32
    %dma_wait3A_38 = tpu.memref_slice %arg7[%dma_wait3A, %dma_wait3A_36, %dma_wait3A_37] : memref<2x200x64xf32, #tpu.memory_space<vmem>> -> memref<1x200x64xf32, #tpu.memory_space<vmem>>
    %dma_wait3A_39 = tpu.memref_squeeze %dma_wait3A_38 : memref<1x200x64xf32, #tpu.memory_space<vmem>> -> memref<200x64xf32, #tpu.memory_space<vmem>>
    %dma_wait3A_40 = arith.constant 0 : i32
    %dma_wait3A_41 = arith.constant 0 : i32
    %dma_wait3A_42 = tpu.memref_slice %arg2[%dma_wait3A_40, %dma_wait3A_41] : memref<1000000x64xf32, #tpu.memory_space<hbm>> -> memref<200x64xf32, #tpu.memory_space<hbm>>
    %dma_wait3A_43 = arith.constant 0 : i32
    %dma_wait3A_44 = arith.constant 0 : i32
    %dma_wait3A_45 = tpu.memref_slice %arg7[%dma_wait3A, %dma_wait3A_43, %dma_wait3A_44] : memref<2x200x64xf32, #tpu.memory_space<vmem>> -> memref<1x200x64xf32, #tpu.memory_space<vmem>>
    %dma_wait3A_46 = tpu.memref_squeeze %dma_wait3A_45 : memref<1x200x64xf32, #tpu.memory_space<vmem>> -> memref<200x64xf32, #tpu.memory_space<vmem>>
    %dma_wait3A_47 = arith.constant 0 : i32
    %dma_wait3A_48 = arith.constant 0 : i32
    %dma_wait3A_49 = tpu.memref_slice %arg2[%dma_wait3A_47, %dma_wait3A_48] : memref<1000000x64xf32, #tpu.memory_space<hbm>> -> memref<200x64xf32, #tpu.memory_space<hbm>>
    tpu.wait_dma2 semaphore(%arg11 : memref<!tpu.dma_semaphore, #tpu.memory_space<semaphore_mem>>) src(%dma_wait3A_49 : memref<200x64xf32, #tpu.memory_space<hbm>>) dst(%dma_wait3A_46 : memref<200x64xf32, #tpu.memory_space<vmem>>)
    %mul3A_50 = arith.constant 200 : i32
    %mul3A_51 = arith.muli %sub3A_35, %mul3A_50 : i32
    %run_scoped3A = arith.constant 1 : i32
    "tpu.region"() ({
      %run_scoped3A_67 = tpu.sem_alloc : memref<!tpu.dma_semaphore, #tpu.memory_space<semaphore_mem>>
      %dma_start3A_68 = arith.constant 0 : i32
      %dma_start3A_69 = arith.constant 0 : i32
      %dma_start3A_70 = tpu.memref_slice %arg7[%run_scoped3A, %dma_start3A_68, %dma_start3A_69] : memref<2x200x64xf32, #tpu.memory_space<vmem>> -> memref<1x200x64xf32, #tpu.memory_space<vmem>>
      %dma_start3A_71 = tpu.memref_squeeze %dma_start3A_70 : memref<1x200x64xf32, #tpu.memory_space<vmem>> -> memref<200x64xf32, #tpu.memory_space<vmem>>
      %dma_start3A_72 = arith.constant 0 : i32
      %dma_start3A_73 = tpu.memref_slice %arg5[%mul3A_51, %dma_start3A_72] : memref<819200x64xf32, #tpu.memory_space<hbm>> -> memref<200x64xf32, #tpu.memory_space<hbm>>
      %dma_start3A_74 = arith.constant 0 : i32
      %dma_start3A_75 = tpu.memref_slice %arg5[%mul3A_51, %dma_start3A_74] : memref<819200x64xf32, #tpu.memory_space<hbm>> -> memref<200x64xf32, #tpu.memory_space<hbm>>
      %dma_start3A_76 = arith.constant 0 : i32
      %dma_start3A_77 = arith.constant 0 : i32
      %dma_start3A_78 = tpu.memref_slice %arg7[%run_scoped3A, %dma_start3A_76, %dma_start3A_77] : memref<2x200x64xf32, #tpu.memory_space<vmem>> -> memref<1x200x64xf32, #tpu.memory_space<vmem>>
      %dma_start3A_79 = tpu.memref_squeeze %dma_start3A_78 : memref<1x200x64xf32, #tpu.memory_space<vmem>> -> memref<200x64xf32, #tpu.memory_space<vmem>>
      tpu.enqueue_dma source(%dma_start3A_79 : memref<200x64xf32, #tpu.memory_space<vmem>>) target(%dma_start3A_75 : memref<200x64xf32, #tpu.memory_space<hbm>>) target_semaphore(%run_scoped3A_67 : memref<!tpu.dma_semaphore, #tpu.memory_space<semaphore_mem>>)
      %dma_wait3A_80 = arith.constant 0 : i32
      %dma_wait3A_81 = arith.constant 0 : i32
      %dma_wait3A_82 = tpu.memref_slice %arg7[%run_scoped3A, %dma_wait3A_80, %dma_wait3A_81] : memref<2x200x64xf32, #tpu.memory_space<vmem>> -> memref<1x200x64xf32, #tpu.memory_space<vmem>>
      %dma_wait3A_83 = tpu.memref_squeeze %dma_wait3A_82 : memref<1x200x64xf32, #tpu.memory_space<vmem>> -> memref<200x64xf32, #tpu.memory_space<vmem>>
      %dma_wait3A_84 = arith.constant 0 : i32
      %dma_wait3A_85 = tpu.memref_slice %arg5[%mul3A_51, %dma_wait3A_84] : memref<819200x64xf32, #tpu.memory_space<hbm>> -> memref<200x64xf32, #tpu.memory_space<hbm>>
      %dma_wait3A_86 = arith.constant 0 : i32
      %dma_wait3A_87 = tpu.memref_slice %arg5[%mul3A_51, %dma_wait3A_86] : memref<819200x64xf32, #tpu.memory_space<hbm>> -> memref<200x64xf32, #tpu.memory_space<hbm>>
      %dma_wait3A_88 = arith.constant 0 : i32
      %dma_wait3A_89 = arith.constant 0 : i32
      %dma_wait3A_90 = tpu.memref_slice %arg7[%run_scoped3A, %dma_wait3A_88, %dma_wait3A_89] : memref<2x200x64xf32, #tpu.memory_space<vmem>> -> memref<1x200x64xf32, #tpu.memory_space<vmem>>
      %dma_wait3A_91 = tpu.memref_squeeze %dma_wait3A_90 : memref<1x200x64xf32, #tpu.memory_space<vmem>> -> memref<200x64xf32, #tpu.memory_space<vmem>>
      tpu.wait_dma2 semaphore(%run_scoped3A_67 : memref<!tpu.dma_semaphore, #tpu.memory_space<semaphore_mem>>) src(%dma_wait3A_91 : memref<200x64xf32, #tpu.memory_space<vmem>>) dst(%dma_wait3A_87 : memref<200x64xf32, #tpu.memory_space<hbm>>)
      tpu.yield
    }) : () -> ()
    %dma_wait3A_52 = arith.constant 0 : i32
    %dma_wait3A_53 = arith.constant 0 : i32
    %dma_wait3A_54 = arith.constant 0 : i32
    %dma_wait3A_55 = tpu.memref_slice %arg7[%dma_wait3A_52, %dma_wait3A_53, %dma_wait3A_54] : memref<2x200x64xf32, #tpu.memory_space<vmem>> -> memref<1x200x64xf32, #tpu.memory_space<vmem>>
    %dma_wait3A_56 = tpu.memref_squeeze %dma_wait3A_55 : memref<1x200x64xf32, #tpu.memory_space<vmem>> -> memref<200x64xf32, #tpu.memory_space<vmem>>
    %dma_wait3A_57 = arith.constant 0 : i32
    %dma_wait3A_58 = arith.constant 0 : i32
    %dma_wait3A_59 = tpu.memref_slice %arg2[%dma_wait3A_57, %dma_wait3A_58] : memref<1000000x64xf32, #tpu.memory_space<hbm>> -> memref<200x64xf32, #tpu.memory_space<hbm>>
    %dma_wait3A_60 = arith.constant 0 : i32
    %dma_wait3A_61 = arith.constant 0 : i32
    %dma_wait3A_62 = tpu.memref_slice %arg7[%dma_wait3A_52, %dma_wait3A_60, %dma_wait3A_61] : memref<2x200x64xf32, #tpu.memory_space<vmem>> -> memref<1x200x64xf32, #tpu.memory_space<vmem>>
    %dma_wait3A_63 = tpu.memref_squeeze %dma_wait3A_62 : memref<1x200x64xf32, #tpu.memory_space<vmem>> -> memref<200x64xf32, #tpu.memory_space<vmem>>
    %dma_wait3A_64 = arith.constant 0 : i32
    %dma_wait3A_65 = arith.constant 0 : i32
    %dma_wait3A_66 = tpu.memref_slice %arg2[%dma_wait3A_64, %dma_wait3A_65] : memref<1000000x64xf32, #tpu.memory_space<hbm>> -> memref<200x64xf32, #tpu.memory_space<hbm>>
    tpu.wait_dma2 semaphore(%arg12 : memref<!tpu.dma_semaphore, #tpu.memory_space<semaphore_mem>>) src(%dma_wait3A_66 : memref<200x64xf32, #tpu.memory_space<hbm>>) dst(%dma_wait3A_63 : memref<200x64xf32, #tpu.memory_space<vmem>>)
    return
  }
}

module attributes {stable_mosaic.version = 14 : i64} {
  func.func @_noise_body(%arg0: i32, %arg1: i32, %arg2: memref<25x64x512xf32, #tpu.memory_space<vmem>>, %arg3: memref<25x64x512xf32, #tpu.memory_space<vmem>>) attributes {dimension_semantics = [#tpu.dimension_semantics<arbitrary>, #tpu.dimension_semantics<arbitrary>], iteration_bounds = array<i64: 8, 8>, scalar_prefetch = 0 : i64, scratch_operands = 0 : i64, tpu.core_type = #tpu.core_type<tc>, window_params = [{transform_indices = @transform_0, window_bounds = array<i64: 25, 64, 512>}, {transform_indices = @transform_1, window_bounds = array<i64: 25, 64, 512>}]} {
    %iota3A = tpu.iota {dimensions = array<i32: 0>} : vector<25x64x512xi32>
    %mul3A = arith.constant 25 : i32
    %mul3A_0 = arith.muli %arg0, %mul3A : i32
    %add3A = vector.broadcast %mul3A_0 : i32 to vector<25x64x512xi32>
    %add3A_1 = arith.addi %iota3A, %add3A : vector<25x64x512xi32>
    %iota3A_2 = tpu.iota {dimensions = array<i32: 1>} : vector<25x64x512xi32>
    %iota3A_3 = tpu.iota {dimensions = array<i32: 2>} : vector<25x64x512xi32>
    %mul3A_4 = arith.constant 512 : i32
    %mul3A_5 = arith.muli %arg1, %mul3A_4 : i32
    %add3A_6 = vector.broadcast %mul3A_5 : i32 to vector<25x64x512xi32>
    %add3A_7 = arith.addi %iota3A_3, %add3A_6 : vector<25x64x512xi32>
    %mul3A_8 = arith.constant 12800 : i32
    %mul3A_9 = vector.broadcast %mul3A_8 : i32 to vector<25x64x512xi32>
    %mul3A_10 = arith.muli %add3A_7, %mul3A_9 : vector<25x64x512xi32>
    %mul3A_11 = arith.constant 64 : i32
    %mul3A_12 = vector.broadcast %mul3A_11 : i32 to vector<25x64x512xi32>
    %mul3A_13 = arith.muli %add3A_1, %mul3A_12 : vector<25x64x512xi32>
    %add3A_14 = arith.addi %mul3A_10, %mul3A_13 : vector<25x64x512xi32>
    %add3A_15 = arith.addi %add3A_14, %iota3A_2 : vector<25x64x512xi32>
    %get3A = arith.constant 0 : index
    %get3A_16 = arith.constant 0 : index
    %get3A_17 = arith.constant 0 : index
    %get3A_18 = vector.load %arg2[%get3A, %get3A_16, %get3A_17] : memref<25x64x512xf32, #tpu.memory_space<vmem>>, vector<25x64x512xf32>
    %xor3A = arith.constant 0 : i32
    %xor3A_19 = arith.constant 42 : i32
    %xor3A_20 = arith.xori %xor3A, %xor3A_19 : i32
    %xor3A_21 = arith.constant 466688986 : i32
    %xor3A_22 = arith.xori %xor3A_20, %xor3A_21 : i32
    %broadcast_in_dim3A = arith.constant 0 : i32
    %broadcast_in_dim3A_23 = vector.broadcast %broadcast_in_dim3A : i32 to vector<25x64x512xi32>
    %add3A_24 = arith.constant 42 : i32
    %add3A_25 = vector.broadcast %add3A_24 : i32 to vector<25x64x512xi32>
    %add3A_26 = arith.addi %add3A_15, %add3A_25 : vector<25x64x512xi32>
    %add3A_27 = arith.addi %broadcast_in_dim3A_23, %add3A_26 : vector<25x64x512xi32>
    %shift_left3A = arith.constant 13 : i32
    %shift_left3A_28 = vector.broadcast %shift_left3A : i32 to vector<25x64x512xi32>
    %shift_left3A_29 = arith.shli %add3A_26, %shift_left3A_28 : vector<25x64x512xi32>
    %shift_right_logical3A = arith.constant 19 : i32
    %shift_right_logical3A_30 = vector.broadcast %shift_right_logical3A : i32 to vector<25x64x512xi32>
    %shift_right_logical3A_31 = arith.shrui %add3A_26, %shift_right_logical3A_30 : vector<25x64x512xi32>
    %or3A = arith.ori %shift_left3A_29, %shift_right_logical3A_31 : vector<25x64x512xi32>
    %xor3A_32 = arith.xori %or3A, %add3A_27 : vector<25x64x512xi32>
    %add3A_33 = arith.addi %add3A_27, %xor3A_32 : vector<25x64x512xi32>
    %shift_left3A_34 = arith.constant 15 : i32
    %shift_left3A_35 = vector.broadcast %shift_left3A_34 : i32 to vector<25x64x512xi32>
    %shift_left3A_36 = arith.shli %xor3A_32, %shift_left3A_35 : vector<25x64x512xi32>
    %shift_right_logical3A_37 = arith.constant 17 : i32
    %shift_right_logical3A_38 = vector.broadcast %shift_right_logical3A_37 : i32 to vector<25x64x512xi32>
    %shift_right_logical3A_39 = arith.shrui %xor3A_32, %shift_right_logical3A_38 : vector<25x64x512xi32>
    %or3A_40 = arith.ori %shift_left3A_36, %shift_right_logical3A_39 : vector<25x64x512xi32>
    %xor3A_41 = arith.xori %or3A_40, %add3A_33 : vector<25x64x512xi32>
    %add3A_42 = arith.addi %add3A_33, %xor3A_41 : vector<25x64x512xi32>
    %shift_left3A_43 = arith.constant 26 : i32
    %shift_left3A_44 = vector.broadcast %shift_left3A_43 : i32 to vector<25x64x512xi32>
    %shift_left3A_45 = arith.shli %xor3A_41, %shift_left3A_44 : vector<25x64x512xi32>
    %shift_right_logical3A_46 = arith.constant 6 : i32
    %shift_right_logical3A_47 = vector.broadcast %shift_right_logical3A_46 : i32 to vector<25x64x512xi32>
    %shift_right_logical3A_48 = arith.shrui %xor3A_41, %shift_right_logical3A_47 : vector<25x64x512xi32>
    %or3A_49 = arith.ori %shift_left3A_45, %shift_right_logical3A_48 : vector<25x64x512xi32>
    %xor3A_50 = arith.xori %or3A_49, %add3A_42 : vector<25x64x512xi32>
    %add3A_51 = arith.addi %add3A_42, %xor3A_50 : vector<25x64x512xi32>
    %shift_left3A_52 = arith.constant 6 : i32
    %shift_left3A_53 = vector.broadcast %shift_left3A_52 : i32 to vector<25x64x512xi32>
    %shift_left3A_54 = arith.shli %xor3A_50, %shift_left3A_53 : vector<25x64x512xi32>
    %shift_right_logical3A_55 = arith.constant 26 : i32
    %shift_right_logical3A_56 = vector.broadcast %shift_right_logical3A_55 : i32 to vector<25x64x512xi32>
    %shift_right_logical3A_57 = arith.shrui %xor3A_50, %shift_right_logical3A_56 : vector<25x64x512xi32>
    %or3A_58 = arith.ori %shift_left3A_54, %shift_right_logical3A_57 : vector<25x64x512xi32>
    %xor3A_59 = arith.xori %or3A_58, %add3A_51 : vector<25x64x512xi32>
    %add3A_60 = arith.constant 42 : i32
    %add3A_61 = vector.broadcast %add3A_60 : i32 to vector<25x64x512xi32>
    %add3A_62 = arith.addi %add3A_51, %add3A_61 : vector<25x64x512xi32>
    %add3A_63 = vector.broadcast %xor3A_22 : i32 to vector<25x64x512xi32>
    %add3A_64 = arith.addi %xor3A_59, %add3A_63 : vector<25x64x512xi32>
    %add3A_65 = arith.constant 1 : i32
    %add3A_66 = vector.broadcast %add3A_65 : i32 to vector<25x64x512xi32>
    %add3A_67 = arith.addi %add3A_64, %add3A_66 : vector<25x64x512xi32>
    %add3A_68 = arith.addi %add3A_62, %add3A_67 : vector<25x64x512xi32>
    %shift_left3A_69 = arith.constant 17 : i32
    %shift_left3A_70 = vector.broadcast %shift_left3A_69 : i32 to vector<25x64x512xi32>
    %shift_left3A_71 = arith.shli %add3A_67, %shift_left3A_70 : vector<25x64x512xi32>
    %shift_right_logical3A_72 = arith.constant 15 : i32
    %shift_right_logical3A_73 = vector.broadcast %shift_right_logical3A_72 : i32 to vector<25x64x512xi32>
    %shift_right_logical3A_74 = arith.shrui %add3A_67, %shift_right_logical3A_73 : vector<25x64x512xi32>
    %or3A_75 = arith.ori %shift_left3A_71, %shift_right_logical3A_74 : vector<25x64x512xi32>
    %xor3A_76 = arith.xori %or3A_75, %add3A_68 : vector<25x64x512xi32>
    %add3A_77 = arith.addi %add3A_68, %xor3A_76 : vector<25x64x512xi32>
    %shift_left3A_78 = arith.constant 29 : i32
    %shift_left3A_79 = vector.broadcast %shift_left3A_78 : i32 to vector<25x64x512xi32>
    %shift_left3A_80 = arith.shli %xor3A_76, %shift_left3A_79 : vector<25x64x512xi32>
    %shift_right_logical3A_81 = arith.constant 3 : i32
    %shift_right_logical3A_82 = vector.broadcast %shift_right_logical3A_81 : i32 to vector<25x64x512xi32>
    %shift_right_logical3A_83 = arith.shrui %xor3A_76, %shift_right_logical3A_82 : vector<25x64x512xi32>
    %or3A_84 = arith.ori %shift_left3A_80, %shift_right_logical3A_83 : vector<25x64x512xi32>
    %xor3A_85 = arith.xori %or3A_84, %add3A_77 : vector<25x64x512xi32>
    %add3A_86 = arith.addi %add3A_77, %xor3A_85 : vector<25x64x512xi32>
    %shift_left3A_87 = arith.constant 16 : i32
    %shift_left3A_88 = vector.broadcast %shift_left3A_87 : i32 to vector<25x64x512xi32>
    %shift_left3A_89 = arith.shli %xor3A_85, %shift_left3A_88 : vector<25x64x512xi32>
    %shift_right_logical3A_90 = arith.constant 16 : i32
    %shift_right_logical3A_91 = vector.broadcast %shift_right_logical3A_90 : i32 to vector<25x64x512xi32>
    %shift_right_logical3A_92 = arith.shrui %xor3A_85, %shift_right_logical3A_91 : vector<25x64x512xi32>
    %or3A_93 = arith.ori %shift_left3A_89, %shift_right_logical3A_92 : vector<25x64x512xi32>
    %xor3A_94 = arith.xori %or3A_93, %add3A_86 : vector<25x64x512xi32>
    %add3A_95 = arith.addi %add3A_86, %xor3A_94 : vector<25x64x512xi32>
    %shift_left3A_96 = arith.constant 24 : i32
    %shift_left3A_97 = vector.broadcast %shift_left3A_96 : i32 to vector<25x64x512xi32>
    %shift_left3A_98 = arith.shli %xor3A_94, %shift_left3A_97 : vector<25x64x512xi32>
    %shift_right_logical3A_99 = arith.constant 8 : i32
    %shift_right_logical3A_100 = vector.broadcast %shift_right_logical3A_99 : i32 to vector<25x64x512xi32>
    %shift_right_logical3A_101 = arith.shrui %xor3A_94, %shift_right_logical3A_100 : vector<25x64x512xi32>
    %or3A_102 = arith.ori %shift_left3A_98, %shift_right_logical3A_101 : vector<25x64x512xi32>
    %xor3A_103 = arith.xori %or3A_102, %add3A_95 : vector<25x64x512xi32>
    %add3A_104 = vector.broadcast %xor3A_22 : i32 to vector<25x64x512xi32>
    %add3A_105 = arith.addi %add3A_95, %add3A_104 : vector<25x64x512xi32>
    %add3A_106 = arith.constant 0 : i32
    %add3A_107 = vector.broadcast %add3A_106 : i32 to vector<25x64x512xi32>
    %add3A_108 = arith.addi %xor3A_103, %add3A_107 : vector<25x64x512xi32>
    %add3A_109 = arith.constant 2 : i32
    %add3A_110 = vector.broadcast %add3A_109 : i32 to vector<25x64x512xi32>
    %add3A_111 = arith.addi %add3A_108, %add3A_110 : vector<25x64x512xi32>
    %add3A_112 = arith.addi %add3A_105, %add3A_111 : vector<25x64x512xi32>
    %shift_left3A_113 = arith.constant 13 : i32
    %shift_left3A_114 = vector.broadcast %shift_left3A_113 : i32 to vector<25x64x512xi32>
    %shift_left3A_115 = arith.shli %add3A_111, %shift_left3A_114 : vector<25x64x512xi32>
    %shift_right_logical3A_116 = arith.constant 19 : i32
    %shift_right_logical3A_117 = vector.broadcast %shift_right_logical3A_116 : i32 to vector<25x64x512xi32>
    %shift_right_logical3A_118 = arith.shrui %add3A_111, %shift_right_logical3A_117 : vector<25x64x512xi32>
    %or3A_119 = arith.ori %shift_left3A_115, %shift_right_logical3A_118 : vector<25x64x512xi32>
    %xor3A_120 = arith.xori %or3A_119, %add3A_112 : vector<25x64x512xi32>
    %add3A_121 = arith.addi %add3A_112, %xor3A_120 : vector<25x64x512xi32>
    %shift_left3A_122 = arith.constant 15 : i32
    %shift_left3A_123 = vector.broadcast %shift_left3A_122 : i32 to vector<25x64x512xi32>
    %shift_left3A_124 = arith.shli %xor3A_120, %shift_left3A_123 : vector<25x64x512xi32>
    %shift_right_logical3A_125 = arith.constant 17 : i32
    %shift_right_logical3A_126 = vector.broadcast %shift_right_logical3A_125 : i32 to vector<25x64x512xi32>
    %shift_right_logical3A_127 = arith.shrui %xor3A_120, %shift_right_logical3A_126 : vector<25x64x512xi32>
    %or3A_128 = arith.ori %shift_left3A_124, %shift_right_logical3A_127 : vector<25x64x512xi32>
    %xor3A_129 = arith.xori %or3A_128, %add3A_121 : vector<25x64x512xi32>
    %add3A_130 = arith.addi %add3A_121, %xor3A_129 : vector<25x64x512xi32>
    %shift_left3A_131 = arith.constant 26 : i32
    %shift_left3A_132 = vector.broadcast %shift_left3A_131 : i32 to vector<25x64x512xi32>
    %shift_left3A_133 = arith.shli %xor3A_129, %shift_left3A_132 : vector<25x64x512xi32>
    %shift_right_logical3A_134 = arith.constant 6 : i32
    %shift_right_logical3A_135 = vector.broadcast %shift_right_logical3A_134 : i32 to vector<25x64x512xi32>
    %shift_right_logical3A_136 = arith.shrui %xor3A_129, %shift_right_logical3A_135 : vector<25x64x512xi32>
    %or3A_137 = arith.ori %shift_left3A_133, %shift_right_logical3A_136 : vector<25x64x512xi32>
    %xor3A_138 = arith.xori %or3A_137, %add3A_130 : vector<25x64x512xi32>
    %add3A_139 = arith.addi %add3A_130, %xor3A_138 : vector<25x64x512xi32>
    %shift_left3A_140 = arith.constant 6 : i32
    %shift_left3A_141 = vector.broadcast %shift_left3A_140 : i32 to vector<25x64x512xi32>
    %shift_left3A_142 = arith.shli %xor3A_138, %shift_left3A_141 : vector<25x64x512xi32>
    %shift_right_logical3A_143 = arith.constant 26 : i32
    %shift_right_logical3A_144 = vector.broadcast %shift_right_logical3A_143 : i32 to vector<25x64x512xi32>
    %shift_right_logical3A_145 = arith.shrui %xor3A_138, %shift_right_logical3A_144 : vector<25x64x512xi32>
    %or3A_146 = arith.ori %shift_left3A_142, %shift_right_logical3A_145 : vector<25x64x512xi32>
    %xor3A_147 = arith.xori %or3A_146, %add3A_139 : vector<25x64x512xi32>
    %add3A_148 = arith.constant 0 : i32
    %add3A_149 = vector.broadcast %add3A_148 : i32 to vector<25x64x512xi32>
    %add3A_150 = arith.addi %add3A_139, %add3A_149 : vector<25x64x512xi32>
    %add3A_151 = arith.constant 42 : i32
    %add3A_152 = vector.broadcast %add3A_151 : i32 to vector<25x64x512xi32>
    %add3A_153 = arith.addi %xor3A_147, %add3A_152 : vector<25x64x512xi32>
    %add3A_154 = arith.constant 3 : i32
    %add3A_155 = vector.broadcast %add3A_154 : i32 to vector<25x64x512xi32>
    %add3A_156 = arith.addi %add3A_153, %add3A_155 : vector<25x64x512xi32>
    %add3A_157 = arith.addi %add3A_150, %add3A_156 : vector<25x64x512xi32>
    %shift_left3A_158 = arith.constant 17 : i32
    %shift_left3A_159 = vector.broadcast %shift_left3A_158 : i32 to vector<25x64x512xi32>
    %shift_left3A_160 = arith.shli %add3A_156, %shift_left3A_159 : vector<25x64x512xi32>
    %shift_right_logical3A_161 = arith.constant 15 : i32
    %shift_right_logical3A_162 = vector.broadcast %shift_right_logical3A_161 : i32 to vector<25x64x512xi32>
    %shift_right_logical3A_163 = arith.shrui %add3A_156, %shift_right_logical3A_162 : vector<25x64x512xi32>
    %or3A_164 = arith.ori %shift_left3A_160, %shift_right_logical3A_163 : vector<25x64x512xi32>
    %xor3A_165 = arith.xori %or3A_164, %add3A_157 : vector<25x64x512xi32>
    %add3A_166 = arith.addi %add3A_157, %xor3A_165 : vector<25x64x512xi32>
    %shift_left3A_167 = arith.constant 29 : i32
    %shift_left3A_168 = vector.broadcast %shift_left3A_167 : i32 to vector<25x64x512xi32>
    %shift_left3A_169 = arith.shli %xor3A_165, %shift_left3A_168 : vector<25x64x512xi32>
    %shift_right_logical3A_170 = arith.constant 3 : i32
    %shift_right_logical3A_171 = vector.broadcast %shift_right_logical3A_170 : i32 to vector<25x64x512xi32>
    %shift_right_logical3A_172 = arith.shrui %xor3A_165, %shift_right_logical3A_171 : vector<25x64x512xi32>
    %or3A_173 = arith.ori %shift_left3A_169, %shift_right_logical3A_172 : vector<25x64x512xi32>
    %xor3A_174 = arith.xori %or3A_173, %add3A_166 : vector<25x64x512xi32>
    %add3A_175 = arith.addi %add3A_166, %xor3A_174 : vector<25x64x512xi32>
    %shift_left3A_176 = arith.constant 16 : i32
    %shift_left3A_177 = vector.broadcast %shift_left3A_176 : i32 to vector<25x64x512xi32>
    %shift_left3A_178 = arith.shli %xor3A_174, %shift_left3A_177 : vector<25x64x512xi32>
    %shift_right_logical3A_179 = arith.constant 16 : i32
    %shift_right_logical3A_180 = vector.broadcast %shift_right_logical3A_179 : i32 to vector<25x64x512xi32>
    %shift_right_logical3A_181 = arith.shrui %xor3A_174, %shift_right_logical3A_180 : vector<25x64x512xi32>
    %or3A_182 = arith.ori %shift_left3A_178, %shift_right_logical3A_181 : vector<25x64x512xi32>
    %xor3A_183 = arith.xori %or3A_182, %add3A_175 : vector<25x64x512xi32>
    %add3A_184 = arith.addi %add3A_175, %xor3A_183 : vector<25x64x512xi32>
    %shift_left3A_185 = arith.constant 24 : i32
    %shift_left3A_186 = vector.broadcast %shift_left3A_185 : i32 to vector<25x64x512xi32>
    %shift_left3A_187 = arith.shli %xor3A_183, %shift_left3A_186 : vector<25x64x512xi32>
    %shift_right_logical3A_188 = arith.constant 8 : i32
    %shift_right_logical3A_189 = vector.broadcast %shift_right_logical3A_188 : i32 to vector<25x64x512xi32>
    %shift_right_logical3A_190 = arith.shrui %xor3A_183, %shift_right_logical3A_189 : vector<25x64x512xi32>
    %or3A_191 = arith.ori %shift_left3A_187, %shift_right_logical3A_190 : vector<25x64x512xi32>
    %xor3A_192 = arith.xori %or3A_191, %add3A_184 : vector<25x64x512xi32>
    %add3A_193 = arith.constant 42 : i32
    %add3A_194 = vector.broadcast %add3A_193 : i32 to vector<25x64x512xi32>
    %add3A_195 = arith.addi %add3A_184, %add3A_194 : vector<25x64x512xi32>
    %add3A_196 = vector.broadcast %xor3A_22 : i32 to vector<25x64x512xi32>
    %add3A_197 = arith.addi %xor3A_192, %add3A_196 : vector<25x64x512xi32>
    %add3A_198 = arith.constant 4 : i32
    %add3A_199 = vector.broadcast %add3A_198 : i32 to vector<25x64x512xi32>
    %add3A_200 = arith.addi %add3A_197, %add3A_199 : vector<25x64x512xi32>
    %add3A_201 = arith.addi %add3A_195, %add3A_200 : vector<25x64x512xi32>
    %shift_left3A_202 = arith.constant 13 : i32
    %shift_left3A_203 = vector.broadcast %shift_left3A_202 : i32 to vector<25x64x512xi32>
    %shift_left3A_204 = arith.shli %add3A_200, %shift_left3A_203 : vector<25x64x512xi32>
    %shift_right_logical3A_205 = arith.constant 19 : i32
    %shift_right_logical3A_206 = vector.broadcast %shift_right_logical3A_205 : i32 to vector<25x64x512xi32>
    %shift_right_logical3A_207 = arith.shrui %add3A_200, %shift_right_logical3A_206 : vector<25x64x512xi32>
    %or3A_208 = arith.ori %shift_left3A_204, %shift_right_logical3A_207 : vector<25x64x512xi32>
    %xor3A_209 = arith.xori %or3A_208, %add3A_201 : vector<25x64x512xi32>
    %add3A_210 = arith.addi %add3A_201, %xor3A_209 : vector<25x64x512xi32>
    %shift_left3A_211 = arith.constant 15 : i32
    %shift_left3A_212 = vector.broadcast %shift_left3A_211 : i32 to vector<25x64x512xi32>
    %shift_left3A_213 = arith.shli %xor3A_209, %shift_left3A_212 : vector<25x64x512xi32>
    %shift_right_logical3A_214 = arith.constant 17 : i32
    %shift_right_logical3A_215 = vector.broadcast %shift_right_logical3A_214 : i32 to vector<25x64x512xi32>
    %shift_right_logical3A_216 = arith.shrui %xor3A_209, %shift_right_logical3A_215 : vector<25x64x512xi32>
    %or3A_217 = arith.ori %shift_left3A_213, %shift_right_logical3A_216 : vector<25x64x512xi32>
    %xor3A_218 = arith.xori %or3A_217, %add3A_210 : vector<25x64x512xi32>
    %add3A_219 = arith.addi %add3A_210, %xor3A_218 : vector<25x64x512xi32>
    %shift_left3A_220 = arith.constant 26 : i32
    %shift_left3A_221 = vector.broadcast %shift_left3A_220 : i32 to vector<25x64x512xi32>
    %shift_left3A_222 = arith.shli %xor3A_218, %shift_left3A_221 : vector<25x64x512xi32>
    %shift_right_logical3A_223 = arith.constant 6 : i32
    %shift_right_logical3A_224 = vector.broadcast %shift_right_logical3A_223 : i32 to vector<25x64x512xi32>
    %shift_right_logical3A_225 = arith.shrui %xor3A_218, %shift_right_logical3A_224 : vector<25x64x512xi32>
    %or3A_226 = arith.ori %shift_left3A_222, %shift_right_logical3A_225 : vector<25x64x512xi32>
    %xor3A_227 = arith.xori %or3A_226, %add3A_219 : vector<25x64x512xi32>
    %add3A_228 = arith.addi %add3A_219, %xor3A_227 : vector<25x64x512xi32>
    %shift_left3A_229 = arith.constant 6 : i32
    %shift_left3A_230 = vector.broadcast %shift_left3A_229 : i32 to vector<25x64x512xi32>
    %shift_left3A_231 = arith.shli %xor3A_227, %shift_left3A_230 : vector<25x64x512xi32>
    %shift_right_logical3A_232 = arith.constant 26 : i32
    %shift_right_logical3A_233 = vector.broadcast %shift_right_logical3A_232 : i32 to vector<25x64x512xi32>
    %shift_right_logical3A_234 = arith.shrui %xor3A_227, %shift_right_logical3A_233 : vector<25x64x512xi32>
    %or3A_235 = arith.ori %shift_left3A_231, %shift_right_logical3A_234 : vector<25x64x512xi32>
    %xor3A_236 = arith.xori %or3A_235, %add3A_228 : vector<25x64x512xi32>
    %add3A_237 = vector.broadcast %xor3A_22 : i32 to vector<25x64x512xi32>
    %add3A_238 = arith.addi %add3A_228, %add3A_237 : vector<25x64x512xi32>
    %add3A_239 = arith.constant 0 : i32
    %add3A_240 = vector.broadcast %add3A_239 : i32 to vector<25x64x512xi32>
    %add3A_241 = arith.addi %xor3A_236, %add3A_240 : vector<25x64x512xi32>
    %add3A_242 = arith.constant 5 : i32
    %add3A_243 = vector.broadcast %add3A_242 : i32 to vector<25x64x512xi32>
    %add3A_244 = arith.addi %add3A_241, %add3A_243 : vector<25x64x512xi32>
    %xor3A_245 = arith.xori %add3A_238, %add3A_244 : vector<25x64x512xi32>
    %shift_right_logical3A_246 = arith.constant 9 : i32
    %shift_right_logical3A_247 = vector.broadcast %shift_right_logical3A_246 : i32 to vector<25x64x512xi32>
    %shift_right_logical3A_248 = arith.shrui %xor3A_245, %shift_right_logical3A_247 : vector<25x64x512xi32>
    %or3A_249 = arith.constant 1065353216 : i32
    %or3A_250 = vector.broadcast %or3A_249 : i32 to vector<25x64x512xi32>
    %or3A_251 = arith.ori %shift_right_logical3A_248, %or3A_250 : vector<25x64x512xi32>
    %bitcast_convert_type3A = tpu.bitcast %or3A_251 : vector<25x64x512xi32> -> vector<25x64x512xf32>
    %sub3A = arith.constant 1.000000e+00 : f32
    %sub3A_252 = vector.broadcast %sub3A : f32 to vector<25x64x512xf32>
    %sub3A_253 = arith.subf %bitcast_convert_type3A, %sub3A_252 : vector<25x64x512xf32>
    %mul3A_254 = arith.constant 0.0883883461 : f32
    %mul3A_255 = vector.broadcast %mul3A_254 : f32 to vector<25x64x512xf32>
    %mul3A_256 = arith.mulf %sub3A_253, %mul3A_255 : vector<25x64x512xf32>
    %add3A_257 = arith.constant -0.0441941731 : f32
    %add3A_258 = vector.broadcast %add3A_257 : f32 to vector<25x64x512xf32>
    %add3A_259 = arith.addf %mul3A_256, %add3A_258 : vector<25x64x512xf32>
    %max3A = arith.constant -0.0441941731 : f32
    %max3A_260 = vector.broadcast %max3A : f32 to vector<25x64x512xf32>
    %max3A_261 = arith.maximumf %max3A_260, %add3A_259 : vector<25x64x512xf32>
    %add3A_262 = arith.addf %get3A_18, %max3A_261 : vector<25x64x512xf32>
    %swap3A = arith.constant 0 : index
    %swap3A_263 = arith.constant 0 : index
    %swap3A_264 = arith.constant 0 : index
    %swap3A_265 = vector.load %arg3[%swap3A, %swap3A_263, %swap3A_264] : memref<25x64x512xf32, #tpu.memory_space<vmem>>, vector<25x64x512xf32>
    tpu.vector_store %arg3[%swap3A, %swap3A_263, %swap3A_264], %add3A_262 {strides = array<i32>} : memref<25x64x512xf32, #tpu.memory_space<vmem>>, vector<25x64x512xf32>,
    return
  }
  func.func @transform_0(%arg0: i32, %arg1: i32) -> (i32, i32, i32) {
    %c0_i32 = arith.constant 0 : i32
    %c0_i32_0 = arith.constant 0 : i32
    return %arg0, %c0_i32, %arg1 : i32, i32, i32
  }
  func.func @transform_1(%arg0: i32, %arg1: i32) -> (i32, i32, i32) {
    %c0_i32 = arith.constant 0 : i32
    %c0_i32_0 = arith.constant 0 : i32
    return %arg0, %c0_i32, %arg1 : i32, i32, i32
  }
}

</mosaic_0001>

<sc_bundles>
// kernel: kernel.4.cloned.1.call-start
scs
__scs_entry_jumppad:
0x0: {  	(pc) =	sbr.rel $0x88, $3  }
0x1: {  	(tag) =	ssettag $0x0;
	lr =	simm.s32 $0x1  }
0x2: {  	[smem:$0x3F9F] =	sst lr;
	_ =	strace $0xD0000000  }
0x3: {  	_ = 	snop  }
0x4: {  	_ = 	snop  }
0x5: {  	_ = 	snop  }
0x6: {  	_ = 	snop  }
0x7: {  	_ = 	snop  }
__scs_overlays_trampoline_lowered:
0x8: {  	[smem:$0x3FAE] =	sst s0  }
0x9: {  	[smem:$0x3FAF] =	sst s1  }
0xa: {  	[smem:$0x3FB0] =	sst s2  }
0xb: {  	[smem:$0x3FB1] =	sst s3  }
0xc: {  	[smem:$0x3FB2] =	sst s4  }
0xd: {  	[smem:$0x3FB3] =	sst s5  }
0xe: {  	[smem:$0x3FB4] =	sst s6  }
0xf: {  	[smem:$0x3FB5] =	sst s7  }
0x10: {  	[smem:$0x3FB6] =	sst s8  }
0x11: {  	[smem:$0x3FB7] =	sst s9;
	s0 =	simm.s32 @!p0 $0x0  }
0x12: {  	s1 =	sld [smem:$0x3F9D];
	s0 =	simm.s32 @p0 $0x1  }
0x13: {  	[smem:$0x3FB8] =	sst s0;
	s0 =	simm.s32 @!p1 $0x0  }
0x14: {  	s2 =	sld [smem:$0x3F9C];
	s0 =	simm.s32 @p1 $0x1  }
0x15: {  	[smem:$0x3FB9] =	sst s0;
	s0 =	simm.s32 @!p2 $0x0  }
0x16: {  	s3 =	sld [smem:$0x3FDB];
	s0 =	simm.s32 @p2 $0x1  }
0x17: {  	s4 =	simm.s32 $0x1BF5;
	[smem:$0x3FBB] =	sst s0  }
0x18: {  	s0 =	sld [smem:$0x3F9E];
	_ =	swait.ge [sflag:s4], $0x0  }
0x19: {  	s7 =	sld [smem:$0x3F9F]  }
0x1a: {  	s8 =	sadd.s32 $0xFFFFE003, lr  }
0x1b: {  	s9 =	sadd.s32 $0xFFFFFEF7, lr;
	s5 =	simm.s32 $0xFFFFFFFF;
	p2 =	slt.u32 s8, $0xFFFFF086  }
0x1c: {  	p1 =	slt.u32 s9, $0xF7A;
	s5 =	simm.s32 @!p2 $0x0  }
0x1d: {  	s5 =	simm.s32 @p1 $0x1;
	p0 =	seq.s32 s7, s2  }
0x1e: {  	s7 =	smul.u32 @!p0 $0xF7A, s2;
	p2 =	seq.s32 @!p0 s5, $0x0  }
0x1f: {  	s9 =	smul.u32 $0xF7A, s1;
	s8 =	simm.s32 @!p0 $0x1BF5;
	p2 =	por !p2, p0  }
0x20: {  	[sflag:s8] =	ssyncset.s32 @!p0 $0xFFFFF086;
	s6 =	sadd.s32 @!p0 s3, s7;
	s7 =	simm.s32 @!p0 $0x108  }
0x21: {  	s3 =	sadd.s32 s3, s9;
	s6 =	sadd.s32 @!p0 $0x88, s6;
	s7 =	simm.s32 @p2 $0x1082  }
0x22: {  	[simem:s7], [sflag:s8] =	dma.local @!p0 [hbm:s6], $0xF7A  }
0x23: {  	s9 =	sor.u32 $0xD0000000, s2;
	s6 =	simm.s32 $0x108;
	_ =	swait.ge @!p0 [sflag:s8], $0x0  }
0x24: {  	s3 =	sadd.s32 $0x88, s3;
	s6 =	simm.s32 @!p1 $0x1082;
	[sflag:s4] =	ssyncset.s32 $0xFFFFF086  }
0x25: {  	[simem:s6], [sflag:s4] =	dma.local [hbm:s3], $0xF7A  }
0x26: {  	[smem:$0x3F9F] =	sst s1;
	(tag) =	ssettag s2;
	_ =	strace s9  }
0x27: {  	s1 =	sld [smem:$0x3FAF]  }
0x28: {  	s2 =	sld [smem:$0x3FB0]  }
0x29: {  	s4 =	sld [smem:$0x3FB2]  }
0x2a: {  	p0 =	seq.s32 s5, $0x0;
	s5 =	sld [smem:$0x3FB3]  }
0x2b: {  	s6 =	sld [smem:$0x3FB4]  }
0x2c: {  	s7 =	sld [smem:$0x3FB5]  }
0x2d: {  	s3 =	simm.s32 $0x108;
	s8 =	sld [smem:$0x3FB6]  }
0x2e: {  	s3 =	simm.s32 @!p0 $0x1082;
	s9 =	sld [smem:$0x3FB7]  }
0x2f: {  	lr =	sadd.s32 s0, s3;
	s0 =	sld [smem:$0x3FAE]  }
0x30: {  	s3 =	sld [smem:$0x3FB1]  }
0x31: {  	[smem:$0x3FBA] =	sst s10  }
0x32: {  	s10 =	sld [smem:$0x3FB8];
	_ =	sdelay $0x3  }
0x33: {  	p0 =	seq.s32 s10, $0x1;
	s10 =	sld [smem:$0x3FBA];
	_ =	sdelay $0x3  }
0x34: {  	[smem:$0x3FBA] =	sst s10  }
0x35: {  	s10 =	sld [smem:$0x3FB9];
	_ =	sdelay $0x3  }
0x36: {  	p1 =	seq.s32 s10, $0x1;
	s10 =	sld [smem:$0x3FBA];
	_ =	sdelay $0x3  }
0x37: {  	[smem:$0x3FBA] =	sst s10  }
0x38: {  	s10 =	sld [smem:$0x3FBB]  }
0x39: {  	_ = 	snop;
	(pc) =	sbr.ind lr, $3  }
0x3a: {  	_ = 	snop  }
0x3b: {  	_ = 	snop  }
0x3c: {  	p2 =	seq.s32 s10, $0x1;
	s10 =	sld [smem:$0x3FBA]  }
0x3d: {  	_ =	shalt  }
0x3e: {  	_ =	shalt  }
0x3f: {  	_ =	shalt  }
0x40: {  	_ =	shalt  }
0x41: {  	_ =	shalt  }
0x42: {  	_ =	shalt  }
0x43: {  	_ =	shalt  }
0x44: {  	_ =	shalt  }
0x45: {  	_ =	shalt  }
0x46: {  	_ =	shalt  }
0x47: {  	_ =	shalt  }
0x48: {  	_ =	shalt  }
0x49: {  	_ =	shalt  }
0x4a: {  	_ =	shalt  }
0x4b: {  	_ =	shalt  }
0x4c: {  	_ =	shalt  }
0x4d: {  	_ =	shalt  }
0x4e: {  	_ =	shalt  }
0x4f: {  	_ =	shalt  }
0x50: {  	_ =	shalt  }
0x51: {  	_ =	shalt  }
0x52: {  	_ =	shalt  }
0x53: {  	_ =	shalt  }
0x54: {  	_ =	shalt  }
0x55: {  	_ =	shalt  }
0x56: {  	_ =	shalt  }
0x57: {  	_ =	shalt  }
0x58: {  	_ =	shalt  }
0x59: {  	_ =	shalt  }
0x5a: {  	_ =	shalt  }
0x5b: {  	_ =	shalt  }
0x5c: {  	_ =	shalt  }
0x5d: {  	_ =	shalt  }
0x5e: {  	_ =	shalt  }
0x5f: {  	_ =	shalt  }
0x60: {  	_ =	shalt  }
0x61: {  	_ =	shalt  }
0x62: {  	_ =	shalt  }
0x63: {  	_ =	shalt  }
0x64: {  	_ =	shalt  }
0x65: {  	_ =	shalt  }
0x66: {  	_ =	shalt  }
0x67: {  	_ =	shalt  }
0x68: {  	_ =	shalt  }
0x69: {  	_ =	shalt  }
0x6a: {  	_ =	shalt  }
0x6b: {  	_ =	shalt  }
0x6c: {  	_ =	shalt  }
0x6d: {  	_ =	shalt  }
0x6e: {  	_ =	shalt  }
0x6f: {  	_ =	shalt  }
0x70: {  	_ =	shalt  }
0x71: {  	_ =	shalt  }
0x72: {  	_ =	shalt  }
0x73: {  	_ =	shalt  }
0x74: {  	_ =	shalt  }
0x75: {  	_ =	shalt  }
0x76: {  	_ =	shalt  }
0x77: {  	_ =	shalt  }
0x78: {  	_ =	shalt  }
0x79: {  	_ =	shalt  }
0x7a: {  	_ =	shalt  }
0x7b: {  	_ =	shalt  }
0x7c: {  	_ =	shalt  }
0x7d: {  	_ =	shalt  }
0x7e: {  	_ =	shalt  }
0x7f: {  	_ =	shalt  }
0x80: {  	_ =	shalt  }
0x81: {  	_ =	shalt  }
0x82: {  	_ =	shalt  }
0x83: {  	_ =	shalt  }
0x84: {  	_ =	shalt  }
0x85: {  	_ =	shalt  }
0x86: {  	_ =	shalt  }
0x87: {  	_ =	shalt  }
.Lfunc_end0:
.L_simem_size_0:
called_computation.1_lowered:
.L_overlay_start_0:
0x88: {  	s2 =	sld [smem:$0x3FD9]  }
0x89: {  	s3 =	sld [smem:$0x3FFE];
	_ =	sdelay $0x1  }
0x8a: {  	s1 =	srdreg.scid  }
0x8b: {  	s0 =	sand.u32 $0x1, s1  }
0x8c: {  	s17 =	sshll.u32 s0, $0xA;
	s2 =	sadd.s32 s3, s2  }
0x8d: {  	s2 =	sadd.s32 s2, s17  }
0x8e: {  	[smem:$0x3FC6] =	sst s2  }
0x8f: {  	_ = 	snop  }
0x90: {  	s2 =	sld [smem:$0x3FD0];
	(tm) =	ssettm $0x1  }
0x91: {  	s18 =	sld [smem:$0x3FFB];
	_ =	sdelay $0x3  }
0x92: {  	_ =	strace s18  }
0x93: {  	s3 =	sld [smem:$0x3FFC];
	_ =	sdelay $0x3  }
0x94: {  	_ =	strace s3  }
0x95: {  	s3 =	sld [smem:$0x3FFD];
	_ =	sdelay $0x3  }
0x96: {  	_ =	strace s3  }
0x97: {  	_ =	strace $0x8FFFFFFF  }
0x98: {  	s19 =	sld [smem:$0x3FDB];
	_ =	sdelay $0x1  }
0x99: {  	s4 =	simm.s32 $_scs_section_size  }
0x9a: {  	s5 =	simm.s32 $_size__tile_overlayer_lowered;
	s6 =	simm.s32 $_tile_overlayer_lowered  }
0x9b: {  	s22 =	simm.s32 $0x1BFF;
	s21 =	sshll.u32 s6, $0x1;
	s3 =	sadd.s32 s4, s19  }
0x9c: {  	s7 =	simm.s32 $0x0;
	s20 =	sshll.u32 s5, $0x1;
	s5 =	sadd.s32 s21, s3  }
0x9d: {  	[timem:s7], [sflag:s22] =	dma.local [hbm:s5], s20  }
0x9e: {  	_ =	swait.ge [sflag:s22], s20  }
0x9f: {  	s4 =	ssub.s32 $0x0, s20;
	[sflag:s22] =	ssyncset.done $0x0  }
0xa0: {  	[sflag:s22] =	ssyncadd.s32 s4;
	_ =	sdelay $0x1  }
0xa1: {  	s23 =	simm.s32 $0x1B8B  }
0xa2: {  	_ =	swait.ge [sflag:s23], $0x1  }
0xa3: {  	[sflag:s23] =	ssyncset.done $0x0  }
0xa4: {  	s25 =	simm.s32 $0x1B8E;
	s24 =	sld [smem:$0x3FFE];
	[sflag:s23] =	ssyncadd.s32 $0xFFFFFFFF  }
0xa5: {  	s26 =	simm.s32 $execute0_lowered;
	[smem:$0x3FD2] =	sst s25  }
0xa6: {  	s5 =	sshll.u32 s26, $0x1;
	_ =	strace $0x80000046;
	[dreg:$0x1] =	wrdreg $0xFFFFFFFF  }
0xa7: {  	s28 =	simm.s32 $_size_execute0_lowered;
	s3 =	sadd.s32 s3, s5;
	[dreg:$0x0] =	wrdreg $0x0  }
0xa8: {  	s5 =	sshll.u32 s28, $0x1;
	[dreg:$0x2] =	wrdreg s3  }
0xa9: {  	[dreg:$0x3] =	wrdreg s5  }
0xaa: {  	[dreg:$0x4] =	wrdreg $0xC0  }
0xab: {  	_ =	task [dreg:s7], $0x5FFFF  }
0xac: {  	[dreg:$0x1] =	wrdreg $0xFFFFFFFF  }
0xad: {  	[dreg:$0x0] =	wrdreg $0x60  }
0xae: {  	[dreg:$0x2] =	wrdreg s24  }
0xaf: {  	[dreg:$0x3] =	wrdreg s2  }
0xb0: {  	[dreg:$0x4] =	wrdreg $0x9  }
0xb1: {  	_ =	task.clear_ibuf [dreg:s7], $0x5FFFF;
	_ =	strace $0x90000046  }
0xb2: {  	s29 =	simm.s32 $0x9;
	_ =	strace $0x80000048  }
0xb3: {  	_ =	swait.ge [sflag:s29], $0x1  }
0xb4: {  	[sflag:s29] =	ssyncadd.s32 $0xFFFFFFFF  }
0xb5: {  	_ =	strace $0x90000048  }
0xb6: {  	_ =	sfence  }
0xb7: {  	s30 =	sld [smem:$0x0];
	_ =	sdelay $0x2  }
0xb8: {  	s31 =	sshll.u32 s1, $0xD;
	s1 =	sshrl.u32 s1, $0x2  }
0xb9: {  	s3 =	sand.u32 $0x4000, s31;
	s1 =	sadd.s32 s1, s30  }
0xba: {  	s0 =	sor.u32 s3, s0;
	s1 =	sshll.u32 s1, $0x11  }
0xbb: {  	s0 =	sor.u32 s1, s0  }
0xbc: {  	s0 =	sadd.s32 $0x8F2B, s0  }
0xbd: {  	[sflag:s0] =	ssyncadd.remote.s32 $0x1  }
0xbe: {  	_ =	sfence.sel $0xFFFF  }
0xbf: {  	[dreg:$0x0] =	wrdreg $0xFFFFFFFF;
	(pc) =	sbr.abs _section_cstart, $3  }
0xc0: {  	[dreg:$0x1] =	wrdreg $0xFFFFFFFF  }
0xc1: {  	_ =	task.clear_ibuf [dreg:s7], $0x2FFFF;
	_ =	strace $0x9FFFFFFF  }
0xc2: {  	(tm) =	ssettm $0x7FFFFFFF  }
0xc3: {  	_ =	shalt  }
tec
execute0_lowered:
.L_overlay_start_1:
0x0: {  	(tag) =	ssettag $0x1  }
0x1: {  	s0 =	rddreg [dreg:$0x0]  }
0x2: {  	s7 =	rddreg [dreg:$0x1];
	s1 =	srdreg.scid;
	s3 =	simm.s32 $0x0  }
0x3: {  	s2 =	stileid.u32;
	s1 =	sand.u32 $0x1, s1;
	[smem:$0x7FF] =	sst s3  }
0x4: {  	s5 =	sshll.u32 s2, $0x8;
	s4 =	sadd.s32 $0x11200, s0;
	s26 =	sadd.s32 $0x1200, s0  }
0x5: {  	s28 =	sadd.s32 $0xF53600, s0;
	s6 =	sshll.u32 s1, $0x7;
	_ =	strace $0x80000047  }
0x6: {  	s1 =	ssub.s32 $0x2, s1;
	[dreg:$0x4] =	wrdreg s26;
	s2 =	sor.u32 s6, s5  }
0x7: {  	[dreg:$0x5] =	wrdreg s28;
	s29 =	sshrl.u32 s1, $0x1;
	s8 =	smul.u32 $0x6400, s2  }
0x8: {  	s9 =	sshll.u32 s2, $0x4;
	[dreg:$0x3] =	wrdreg s2;
	s2 =	sadd.s32 $0x80, s2  }
0x9: {  	s0 =	ssub.s32 s1, s29;
	s30 =	sadd.s32 s7, s9;
	[dreg:$0x8] =	wrdreg s2  }
0xa: {  	s5 =	sadd.s32 s26, s9;
	[dreg:$0x6] =	wrdreg s30;
	s31 =	sshrl.u32 s8, $0x3  }
0xb: {  	s0 =	smax.u32 s0, $0x1;
	[dreg:$0x7] =	wrdreg s5;
	s1 =	sadd.s32 s28, s31  }
0xc: {  	s16 =	simm.s32 $0x1;
	[dreg:$0xa] =	wrdreg s0;
	s1 =	sadd.s32 $0x63380, s1  }
0xd: {  	s25 =	simm.s32 $0x2;
	s2 =	simm.s32 $0x0;
	[dreg:$0x9] =	wrdreg s1  }
.LBB2_1:
0xe: {  	[dreg:$0xb] =	wrdreg s2  }
0xf: {  	s0 =	rddreg [dreg:$0x6]  }
0x10: {  	[tilespmem:s3], [sflag:$0x1] =	stream.linear.gather [hbm4b:s0+s3], $0x80, $0x38;
	[tilespmem:$0xCA00] =	vst v63  }
0x11: {  	s31 =	rddreg [dreg:$0x7];
	s1 =	simm.s32 $0x100;
	s11 =	simm.s32 $0x0  }
0x12: {  	[tilespmem:s1], [sflag:$0x1] =	stream.linear.gather [hbm4b:s31+s3], $0x80, $0x38;
	[tilespmem:$0xCA00] =	vst v63  }
.LBB2_2:
0x13: {  	s0 =	sshll.u32 s11, $0x1;
	s1 =	rddreg [dreg:$0x3]  }
0x14: {  	s12 =	sadd.s32 s1, s0  }
0x15: {  	s24 =	sshll.u32 s11, $0x5;
	s0 =	sshll.u32 s12, $0x4  }
0x16: {  	s1 =	sand.u32 $0x60, s24;
	s0 =	sand.u32 $0xFF80, s0  }
0x17: {  	s0 =	sor.u32 s0, s1  }
0x18: {  	s26 =	rddreg [dreg:$0x1];
	s0 =	sor.u32 $0x10, s0  }
0x19: {  	s2 =	simm.s32 $0x80;
	s1 =	sadd.s32 s26, s0  }
0x1a: {  	[tilespmem:s2], [sflag:$0x2] =	stream.linear.gather [hbm4b:s1+s3], $0x80, $0x38;
	[tilespmem:$0xCA00] =	vst v63  }
0x1b: {  	s2 =	rddreg [dreg:$0x4]  }
0x1c: {  	s5 =	simm.s32 $0x180;
	s0 =	sadd.s32 s2, s0  }
0x1d: {  	[tilespmem:s5], [sflag:$0x2] =	stream.linear.gather [hbm4b:s0+s3], $0x80, $0x38;
	[tilespmem:$0xCA00] =	vst v63  }
0x1e: {  	_ =	swait.ge [sflag:s16], $0x80  }
0x1f: {  	[sflag:s16] =	ssyncset.done $0x0  }
0x20: {  	[sflag:s16] =	ssyncadd.s32 $0xFFFFFF80  }
0x21: {  	_ =	swait.ge [sflag:s16], $0x80  }
0x22: {  	p0 =	seq.s32 s11, $0x0;
	[sflag:s16] =	ssyncset.done $0x0  }
0x23: {  	s0 =	simm.s32 @!p0 $0x5;
	[sflag:s16] =	ssyncadd.s32 $0xFFFFFF80  }
0x24: {  	s6 =	simm.s32 $0x0;
	_ =	swait.ge @!p0 [sflag:s0], $0x6400  }
0x25: {  	s9 =	sand.u32 $0x70, s6;
	s1 =	sand.u32 $0x100, s6;
	[sflag:s0] =	ssyncset.done @!p0 $0x0  }
0x26: {  	s7 =	sor.u32 s9, s1;
	[sflag:s0] =	ssyncadd.s32 @!p0 $0xFFFF9C00  }
0x27: {  	v0 =	vld [tilespmem:s7+$0x0];
	_ =	sdelay $0x4  }
0x28: {  	v0 =	vshll.u32 v0, $0x4  }
0x29: {  	(v2sf) =	vpush v0, $0x0  }
0x2a: {  	(v2sf) =	vpush v0, $0x1  }
0x2b: {  	(v2sf) =	vpush v0, $0x2;
	_ =	sdelay $0x1  }
0x2c: {  	(v2sf) =	vpush v0, $0x3  }
0x2d: {  	(v2sf) =	vpush v0, $0x4;
	_ =	sdelay $0x5  }
0x2e: {  	(v2sf) =	vpush v0, $0x5;
	_ =	sdelay $0x1  }
0x2f: {  	s14 =	simm.s32 $0x2000  }
0x30: {  	s15 =	simm.s32 $0x10;
	s17 =	simm.s32 $0x20;
	s19 =	simm.s32 $0x4000  }
0x31: {  	s20 =	simm.s32 $0x20;
	s18 =	simm.s32 $0x0;
	(v2sf) =	vpush v0, $0x6;
	s2 =	spop (v2sf)  }
0x32: {  	s21 =	simm.s32 $0x40;
	s9 =	sand.u32 $0x1FFFFFF0, s2;
	s26 =	spop (v2sf)  }
0x33: {  	s10 =	simm.s32 $0x200;
	(v2sf) =	vpush v0, $0x7;
	s9 =	sadd.s32 s4, s9;
	s6 =	spop (v2sf)  }
0x34: {  	[tilespmem:s10], [sflag:$0x3] =	stream.linear.gather [hbm4b:s9+s3], $0x80, $0x38;
	[tilespmem:$0xCA00] =	vst v63  }
0x35: {  	s8 =	simm.s32 $0x280;
	s22 =	simm.s32 $0x880;
	s30 =	spop (v2sf)  }
0x36: {  	s23 =	simm.s32 $0x800;
	s29 =	simm.s32 $0x600;
	s10 =	spop (v2sf);
	(v2sf) =	vpush v0, $0x8  }
0x37: {  	s28 =	simm.s32 $0x680;
	s13 =	simm.s32 $0x300;
	s31 =	simm.s32 $0x580  }
0x38: {  	s24 =	simm.s32 $0x780;
	s1 =	simm.s32 $0x380;
	s5 =	sand.u32 $0x1FFFFFF0, s26;
	(v2sf) =	vpush v0, $0x9  }
0x39: {  	s0 =	simm.s32 $0x500;
	s9 =	sadd.s32 s4, s5;
	s26 =	sand.u32 $0x1FFFFFF0, s6  }
0x3a: {  	[tilespmem:s8], [sflag:$0x3] =	stream.linear.gather [hbm4b:s9+s3], $0x80, $0x38;
	(v2sf) =	vpush v0, $0xA;
	[tilespmem:$0xCA00] =	vst v63  }
0x3b: {  	s5 =	simm.s32 $0x400;
	s7 =	sadd.s32 s4, s26;
	s8 =	sand.u32 $0x1FFFFFF0, s30  }
0x3c: {  	s26 =	sand.u32 $0x1FFFFFF0, s10;
	s2 =	spop (v2sf);
	s30 =	simm.s32 $0x700;
	(v2sf) =	vpush v0, $0xB  }
0x3d: {  	[tilespmem:s13], [sflag:$0x3] =	stream.linear.gather [hbm4b:s7+s3], $0x80, $0x38;
	[tilespmem:$0xCA00] =	vst v63  }
0x3e: {  	s6 =	sadd.s32 s4, s26;
	s26 =	simm.s32 $0x980;
	s13 =	sadd.s32 s4, s8;
	(v2sf) =	vpush v0, $0xC  }
0x3f: {  	[tilespmem:s1], [sflag:$0x3] =	stream.linear.gather [hbm4b:s13+s3], $0x80, $0x38;
	[tilespmem:$0xCA00] =	vst v63  }
0x40: {  	s7 =	sand.u32 $0x1FFFFFF0, s2;
	s8 =	simm.s32 $0x480;
	(v2sf) =	vpush v0, $0xD;
	s13 =	spop (v2sf)  }
0x41: {  	[tilespmem:s5], [sflag:$0x3] =	stream.linear.gather [hbm4b:s6+s3], $0x80, $0x38;
	[tilespmem:$0xCA00] =	vst v63  }
0x42: {  	s10 =	sadd.s32 s4, s7;
	(v2sf) =	vpush v0, $0xE;
	s13 =	sand.u32 $0x1FFFFFF0, s13;
	s9 =	spop (v2sf)  }
0x43: {  	(v2sf) =	vpush v0, $0xF;
	[tilespmem:s8], [sflag:$0x3] =	stream.linear.gather [hbm4b:s10+s3], $0x80, $0x38;
	[tilespmem:$0xCA00] =	vst v63  }
.LBB2_3:
0x44: {  	s13 =	sadd.s32 s4, s13  }
0x45: {  	s9 =	sand.u32 $0x1FFFFFF0, s9;
	s2 =	spop (v2sf);
	s1 =	smov.u32 s19  }
0x46: {  	[tilespmem:s0], [sflag:$0x3] =	stream.linear.gather [hbm4b:s13+s3], $0x80, $0x38;
	[tilespmem:$0xCA00] =	vst v63  }
0x47: {  	s0 =	sadd.s32 s4, s9;
	s2 =	sand.u32 $0x1FFFFFF0, s2;
	s9 =	spop (v2sf)  }
0x48: {  	[tilespmem:s31], [sflag:$0x3] =	stream.linear.gather [hbm4b:s0+s3], $0x80, $0x38;
	[tilespmem:$0xCA00] =	vst v63  }
0x49: {  	s0 =	sadd.s32 s4, s2;
	s2 =	sand.u32 $0x1FFFFFF0, s9;
	s9 =	spop (v2sf)  }
0x4a: {  	[tilespmem:s29], [sflag:$0x3] =	stream.linear.gather [hbm4b:s0+s3], $0x80, $0x38;
	[tilespmem:$0xCA00] =	vst v63  }
0x4b: {  	s0 =	sadd.s32 s4, s2;
	s2 =	sand.u32 $0x1FFFFFF0, s9;
	s9 =	spop (v2sf)  }
0x4c: {  	[tilespmem:s28], [sflag:$0x3] =	stream.linear.gather [hbm4b:s0+s3], $0x80, $0x38;
	[tilespmem:$0xCA00] =	vst v63  }
0x4d: {  	s0 =	sadd.s32 s4, s2;
	s2 =	sand.u32 $0x1FFFFFF0, s9;
	s9 =	spop (v2sf)  }
0x4e: {  	[tilespmem:s30], [sflag:$0x3] =	stream.linear.gather [hbm4b:s0+s3], $0x80, $0x38;
	[tilespmem:$0xCA00] =	vst v63  }
0x4f: {  	s0 =	sadd.s32 s4, s2;
	s2 =	sand.u32 $0x1FFFFFF0, s9;
	s9 =	spop (v2sf)  }
0x50: {  	[tilespmem:s24], [sflag:$0x3] =	stream.linear.gather [hbm4b:s0+s3], $0x80, $0x38;
	[tilespmem:$0xCA00] =	vst v63  }
0x51: {  	s0 =	sadd.s32 s4, s2;
	s2 =	sand.u32 $0x1FFFFFF0, s9;
	s9 =	spop (v2sf)  }
0x52: {  	[tilespmem:s23], [sflag:$0x3] =	stream.linear.gather [hbm4b:s0+s3], $0x80, $0x38;
	[tilespmem:$0xCA00] =	vst v63  }
0x53: {  	s0 =	sadd.s32 s4, s2;
	s2 =	sand.u32 $0x1FFFFFF0, s9;
	s9 =	spop (v2sf)  }
0x54: {  	[tilespmem:s22], [sflag:$0x3] =	stream.linear.gather [hbm4b:s0+s3], $0x80, $0x38;
	[tilespmem:$0xCA00] =	vst v63  }
0x55: {  	s2 =	sadd.s32 s4, s2;
	s0 =	sadd.s32 $0x900, s18;
	s9 =	sand.u32 $0x1FFFFFF0, s9  }
0x56: {  	[tilespmem:s0], [sflag:$0x3] =	stream.linear.gather [hbm4b:s2+s3], $0x80, $0x38;
	[tilespmem:$0xCA00] =	vst v63  }
0x57: {  	s9 =	sadd.s32 s4, s9;
	s0 =	sand.u32 $0x70, s15;
	s2 =	sand.u32 $0x100, s17  }
0x58: {  	[tilespmem:s26], [sflag:$0x3] =	stream.linear.gather [hbm4b:s9+s3], $0x80, $0x38;
	[tilespmem:$0xCA00] =	vst v63  }
0x59: {  	p1 =	sne.s32 s19, $0x16000;
	s19 =	sadd.s32 $0x2000, s19;
	s0 =	sor.u32 s0, s2  }
0x5a: {  	s15 =	smov.u32 s20;
	s17 =	smov.u32 s21;
	v0 =	vld [tilespmem:s0+$0x0];
	_ =	sdelay $0x4  }
0x5b: {  	s18 =	sshra.s32 s14, $0x2;
	s14 =	smov.u32 s1;
	s20 =	sadd.s32 $0x10, s20;
	v0 =	vshll.u32 v0, $0x4  }
0x5c: {  	s22 =	sadd.s32 $0x880, s18;
	s21 =	sadd.s32 $0x20, s21;
	s2 =	sadd.s32 $0x280, s18;
	(v2sf) =	vpush v0, $0x0  }
0x5d: {  	s24 =	sadd.s32 $0x780, s18;
	s23 =	sadd.s32 $0x800, s18;
	s9 =	sadd.s32 $0x200, s18;
	(v2sf) =	vpush v0, $0x1  }
0x5e: {  	s29 =	sadd.s32 $0x600, s18;
	s28 =	sadd.s32 $0x680, s18;
	s30 =	sadd.s32 $0x700, s18;
	(v2sf) =	vpush v0, $0x2  }
0x5f: {  	s31 =	sadd.s32 $0x580, s18;
	s0 =	sadd.s32 $0x500, s18  }
0x60: {  	s1 =	sadd.s32 $0x480, s18;
	(v2sf) =	vpush v0, $0x3  }
0x61: {  	s13 =	sadd.s32 $0x400, s18  }
0x62: {  	(v2sf) =	vpush v0, $0x4  }
0x63: {  	s26 =	sadd.s32 $0x980, s18  }
0x64: {  	(v2sf) =	vpush v0, $0x5;
	_ =	sdelay $0x1  }
0x65: {  	s5 =	sadd.s32 $0x300, s18;
	(v2sf) =	vpush v0, $0x6;
	_ =	sdelay $0x1  }
0x66: {  	s10 =	sadd.s32 $0x380, s18;
	(v2sf) =	vpush v0, $0x7;
	_ =	sdelay $0x1  }
0x67: {  	(v2sf) =	vpush v0, $0x8  }
0x68: {  	s8 =	spop (v2sf)  }
0x69: {  	s8 =	sand.u32 $0x1FFFFFF0, s8;
	s6 =	spop (v2sf);
	(v2sf) =	vpush v0, $0x9  }
0x6a: {  	s8 =	sadd.s32 s4, s8;
	s6 =	sand.u32 $0x1FFFFFF0, s6;
	s7 =	spop (v2sf)  }
0x6b: {  	[tilespmem:s9], [sflag:$0x3] =	stream.linear.gather [hbm4b:s8+s3], $0x80, $0x38;
	(v2sf) =	vpush v0, $0xA;
	[tilespmem:$0xCA00] =	vst v63  }
0x6c: {  	s6 =	sadd.s32 s4, s6;
	s7 =	sand.u32 $0x1FFFFFF0, s7;
	s8 =	spop (v2sf)  }
0x6d: {  	[tilespmem:s2], [sflag:$0x3] =	stream.linear.gather [hbm4b:s6+s3], $0x80, $0x38;
	(v2sf) =	vpush v0, $0xB;
	[tilespmem:$0xCA00] =	vst v63  }
0x6e: {  	s2 =	sadd.s32 s4, s7;
	s6 =	sand.u32 $0x1FFFFFF0, s8;
	s7 =	spop (v2sf)  }
0x6f: {  	[tilespmem:s5], [sflag:$0x3] =	stream.linear.gather [hbm4b:s2+s3], $0x80, $0x38;
	(v2sf) =	vpush v0, $0xC;
	[tilespmem:$0xCA00] =	vst v63  }
0x70: {  	s2 =	sadd.s32 s4, s6;
	s5 =	sand.u32 $0x1FFFFFF0, s7;
	s6 =	spop (v2sf)  }
0x71: {  	[tilespmem:s10], [sflag:$0x3] =	stream.linear.gather [hbm4b:s2+s3], $0x80, $0x38;
	[tilespmem:$0xCA00] =	vst v63  }
.Ltmp0:
0x72: {  	(v2sf) =	vpush v0, $0xD;
	(pc) =	sbr.rel @p1 .LBB2_3-.Ltmp0, $4  }
0x73: {  	s2 =	sadd.s32 s4, s5;
	s5 =	sand.u32 $0x1FFFFFF0, s6;
	s6 =	spop (v2sf)  }
0x74: {  	[tilespmem:s13], [sflag:$0x3] =	stream.linear.gather [hbm4b:s2+s3], $0x80, $0x38;
	(v2sf) =	vpush v0, $0xE;
	[tilespmem:$0xCA00] =	vst v63  }
0x75: {  	s2 =	sadd.s32 s4, s5;
	s13 =	sand.u32 $0x1FFFFFF0, s6;
	s9 =	spop (v2sf)  }
0x76: {  	[tilespmem:s1], [sflag:$0x3] =	stream.linear.gather [hbm4b:s2+s3], $0x80, $0x38;
	(v2sf) =	vpush v0, $0xF;
	[tilespmem:$0xCA00] =	vst v63  }
0x77: {  	s1 =	sadd.s32 s4, s13;
	s2 =	sand.u32 $0x1FFFFFF0, s9;
	s5 =	spop (v2sf)  }
0x78: {  	[tilespmem:s0], [sflag:$0x3] =	stream.linear.gather [hbm4b:s1+s3], $0x80, $0x38;
	[tilespmem:$0xCA00] =	vst v63  }
0x79: {  	s1 =	sadd.s32 s4, s2;
	s2 =	sand.u32 $0x1FFFFFF0, s5;
	s5 =	spop (v2sf)  }
0x7a: {  	[tilespmem:s31], [sflag:$0x3] =	stream.linear.gather [hbm4b:s1+s3], $0x80, $0x38;
	[tilespmem:$0xCA00] =	vst v63  }
0x7b: {  	s6 =	sadd.s32 s4, s2;
	s7 =	sand.u32 $0x1FFFFFF0, s5;
	s8 =	spop (v2sf)  }
0x7c: {  	[tilespmem:s29], [sflag:$0x3] =	stream.linear.gather [hbm4b:s6+s3], $0x80, $0x38;
	[tilespmem:$0xCA00] =	vst v63  }
0x7d: {  	s9 =	sadd.s32 s4, s7;
	s10 =	sand.u32 $0x1FFFFFF0, s8;
	s13 =	spop (v2sf)  }
0x7e: {  	[tilespmem:s28], [sflag:$0x3] =	stream.linear.gather [hbm4b:s9+s3], $0x80, $0x38;
	[tilespmem:$0xCA00] =	vst v63  }
0x7f: {  	s19 =	sadd.s32 s4, s10;
	s20 =	sand.u32 $0x1FFFFFF0, s13;
	s21 =	spop (v2sf)  }
0x80: {  	[tilespmem:s30], [sflag:$0x3] =	stream.linear.gather [hbm4b:s19+s3], $0x80, $0x38;
	[tilespmem:$0xCA00] =	vst v63  }
0x81: {  	s5 =	sadd.s32 s4, s20;
	s7 =	spop (v2sf)  }
0x82: {  	[tilespmem:s24], [sflag:$0x3] =	stream.linear.gather [hbm4b:s5+s3], $0x80, $0x38;
	[tilespmem:$0xCA00] =	vst v63  }
0x83: {  	s6 =	sand.u32 $0x1FFFFFF0, s21;
	s21 =	sadd.s32 $0x900, s18;
	s9 =	sand.u32 $0x1FFFFFF0, s7  }
0x84: {  	s8 =	sadd.s32 s4, s6;
	s10 =	spop (v2sf);
	s13 =	sadd.s32 s4, s9  }
0x85: {  	[tilespmem:s23], [sflag:$0x3] =	stream.linear.gather [hbm4b:s8+s3], $0x80, $0x38;
	[tilespmem:$0xCA00] =	vst v63  }
0x86: {  	s19 =	sand.u32 $0x1FFFFFF0, s10;
	s23 =	sand.u32 $0x100, s17;
	s20 =	spop (v2sf)  }
0x87: {  	[tilespmem:s22], [sflag:$0x3] =	stream.linear.gather [hbm4b:s13+s3], $0x80, $0x38;
	[tilespmem:$0xCA00] =	vst v63  }
0x88: {  	s1 =	sadd.s32 s4, s19;
	s2 =	sand.u32 $0x1FFFFFF0, s20;
	s22 =	sand.u32 $0x70, s15  }
0x89: {  	[tilespmem:s21], [sflag:$0x3] =	stream.linear.gather [hbm4b:s1+s3], $0x80, $0x38;
	[tilespmem:$0xCA00] =	vst v63  }
0x8a: {  	s2 =	sadd.s32 s4, s2;
	s0 =	sor.u32 s22, s23  }
0x8b: {  	[tilespmem:s26], [sflag:$0x3] =	stream.linear.gather [hbm4b:s2+s3], $0x80, $0x38;
	[tilespmem:$0xCA00] =	vst v63  }
0x8c: {  	v0 =	vld [tilespmem:s0+$0x0];
	_ =	sdelay $0x4  }
0x8d: {  	v0 =	vshll.u32 v0, $0x4  }
0x8e: {  	(v2sf) =	vpush v0, $0x0  }
0x8f: {  	(v2sf) =	vpush v0, $0x1  }
0x90: {  	(v2sf) =	vpush v0, $0x2;
	_ =	sdelay $0x1  }
0x91: {  	(v2sf) =	vpush v0, $0x3;
	_ =	sdelay $0x1  }
0x92: {  	(v2sf) =	vpush v0, $0x4;
	_ =	sdelay $0x1  }
0x93: {  	(v2sf) =	vpush v0, $0x5;
	_ =	sdelay $0x1  }
0x94: {  	s0 =	sshra.s32 s14, $0x2;
	(v2sf) =	vpush v0, $0x6  }
0x95: {  	s2 =	sadd.s32 $0x280, s0;
	s14 =	sadd.s32 $0x880, s0  }
0x96: {  	s24 =	sadd.s32 $0x200, s0;
	s15 =	sadd.s32 $0x780, s0;
	s1 =	sadd.s32 $0x800, s0;
	(v2sf) =	vpush v0, $0x7  }
0x97: {  	s6 =	sadd.s32 $0x600, s0;
	s7 =	sadd.s32 $0x680, s0;
	s8 =	sadd.s32 $0x700, s0  }
0x98: {  	s9 =	sadd.s32 $0x500, s0;
	s10 =	sadd.s32 $0x580, s0;
	s13 =	sadd.s32 $0x480, s0;
	(v2sf) =	vpush v0, $0x8  }
0x99: {  	s17 =	sadd.s32 $0x400, s0;
	s18 =	sadd.s32 $0x300, s0;
	s19 =	spop (v2sf)  }
0x9a: {  	s20 =	sadd.s32 $0x380, s0;
	s19 =	sand.u32 $0x1FFFFFF0, s19;
	s21 =	spop (v2sf);
	(v2sf) =	vpush v0, $0x9  }
0x9b: {  	s19 =	sadd.s32 s4, s19;
	s21 =	sand.u32 $0x1FFFFFF0, s21;
	s26 =	spop (v2sf)  }
0x9c: {  	(v2sf) =	vpush v0, $0xA;
	[tilespmem:s24], [sflag:$0x3] =	stream.linear.gather [hbm4b:s19+s3], $0x80, $0x38;
	[tilespmem:$0xCA00] =	vst v63  }
0x9d: {  	s23 =	sadd.s32 s4, s21;
	s24 =	sand.u32 $0x1FFFFFF0, s26;
	s26 =	spop (v2sf)  }
0x9e: {  	(v2sf) =	vpush v0, $0xB;
	[tilespmem:s2], [sflag:$0x3] =	stream.linear.gather [hbm4b:s23+s3], $0x80, $0x38;
	[tilespmem:$0xCA00] =	vst v63  }
0x9f: {  	s19 =	sadd.s32 s4, s24;
	s21 =	sand.u32 $0x1FFFFFF0, s26;
	s22 =	spop (v2sf)  }
0xa0: {  	(v2sf) =	vpush v0, $0xC;
	[tilespmem:s18], [sflag:$0x3] =	stream.linear.gather [hbm4b:s19+s3], $0x80, $0x38;
	[tilespmem:$0xCA00] =	vst v63  }
0xa1: {  	s23 =	sadd.s32 s4, s21;
	s24 =	sand.u32 $0x1FFFFFF0, s22;
	s26 =	spop (v2sf)  }
0xa2: {  	(v2sf) =	vpush v0, $0xD;
	[tilespmem:s20], [sflag:$0x3] =	stream.linear.gather [hbm4b:s23+s3], $0x80, $0x38;
	[tilespmem:$0xCA00] =	vst v63  }
0xa3: {  	s5 =	sadd.s32 s4, s24;
	s18 =	sand.u32 $0x1FFFFFF0, s26;
	s19 =	spop (v2sf)  }
0xa4: {  	(v2sf) =	vpush v0, $0xE;
	[tilespmem:s17], [sflag:$0x3] =	stream.linear.gather [hbm4b:s5+s3], $0x80, $0x38;
	[tilespmem:$0xCA00] =	vst v63  }
0xa5: {  	s21 =	sand.u32 $0x1FFFFFF0, s19;
	s22 =	spop (v2sf);
	s20 =	sadd.s32 s4, s18  }
0xa6: {  	(v2sf) =	vpush v0, $0xF;
	[tilespmem:s13], [sflag:$0x3] =	stream.linear.gather [hbm4b:s20+s3], $0x80, $0x38;
	[tilespmem:$0xCA00] =	vst v63  }
0xa7: {  	s23 =	sadd.s32 s4, s21;
	s24 =	sand.u32 $0x1FFFFFF0, s22;
	s26 =	spop (v2sf)  }
0xa8: {  	[tilespmem:s9], [sflag:$0x3] =	stream.linear.gather [hbm4b:s23+s3], $0x80, $0x38;
	[tilespmem:$0xCA00] =	vst v63  }
0xa9: {  	s18 =	sand.u32 $0x1FFFFFF0, s26;
	s17 =	sadd.s32 s4, s24;
	s19 =	spop (v2sf)  }
0xaa: {  	[tilespmem:s10], [sflag:$0x3] =	stream.linear.gather [hbm4b:s17+s3], $0x80, $0x38;
	[tilespmem:$0xCA00] =	vst v63  }
0xab: {  	s20 =	sadd.s32 s4, s18;
	s21 =	sand.u32 $0x1FFFFFF0, s19;
	s22 =	spop (v2sf)  }
0xac: {  	[tilespmem:s6], [sflag:$0x3] =	stream.linear.gather [hbm4b:s20+s3], $0x80, $0x38;
	[tilespmem:$0xCA00] =	vst v63  }
0xad: {  	s23 =	sadd.s32 s4, s21;
	s24 =	sand.u32 $0x1FFFFFF0, s22;
	s26 =	spop (v2sf)  }
0xae: {  	[tilespmem:s7], [sflag:$0x3] =	stream.linear.gather [hbm4b:s23+s3], $0x80, $0x38;
	[tilespmem:$0xCA00] =	vst v63  }
0xaf: {  	s9 =	sand.u32 $0x1FFFFFF0, s26;
	s10 =	spop (v2sf);
	s7 =	sadd.s32 s4, s24  }
0xb0: {  	[tilespmem:s8], [sflag:$0x3] =	stream.linear.gather [hbm4b:s7+s3], $0x80, $0x38;
	[tilespmem:$0xCA00] =	vst v63  }
0xb1: {  	s13 =	sadd.s32 s4, s9;
	s17 =	sand.u32 $0x1FFFFFF0, s10;
	s18 =	spop (v2sf)  }
0xb2: {  	[tilespmem:s15], [sflag:$0x3] =	stream.linear.gather [hbm4b:s13+s3], $0x80, $0x38;
	[tilespmem:$0xCA00] =	vst v63  }
0xb3: {  	s19 =	sadd.s32 s4, s17;
	s20 =	sand.u32 $0x1FFFFFF0, s18;
	s21 =	spop (v2sf)  }
0xb4: {  	[tilespmem:s1], [sflag:$0x3] =	stream.linear.gather [hbm4b:s19+s3], $0x80, $0x38;
	[tilespmem:$0xCA00] =	vst v63  }
0xb5: {  	s22 =	sadd.s32 s4, s20;
	s23 =	sand.u32 $0x1FFFFFF0, s21;
	s24 =	spop (v2sf)  }
0xb6: {  	[tilespmem:s14], [sflag:$0x3] =	stream.linear.gather [hbm4b:s22+s3], $0x80, $0x38;
	[tilespmem:$0xCA00] =	vst v63  }
0xb7: {  	s26 =	sadd.s32 $0x900, s0;
	s2 =	sadd.s32 s4, s23;
	s5 =	sand.u32 $0x1FFFFFF0, s24  }
0xb8: {  	[tilespmem:s26], [sflag:$0x3] =	stream.linear.gather [hbm4b:s2+s3], $0x80, $0x38;
	[tilespmem:$0xCA00] =	vst v63  }
0xb9: {  	s0 =	sadd.s32 $0x980, s0;
	s5 =	sadd.s32 s4, s5  }
0xba: {  	[tilespmem:s0], [sflag:$0x3] =	stream.linear.gather [hbm4b:s5+s3], $0x80, $0x38;
	[tilespmem:$0xCA00] =	vst v63  }
0xbb: {  	v62 =	vld [tilespmem:$0x140];
	_ =	sdelay $0x4  }
0xbc: {  	v0 =	vshll.u32 v62, $0x4  }
0xbd: {  	(v2sf) =	vpush v0, $0x0  }
0xbe: {  	(v2sf) =	vpush v0, $0x1  }
0xbf: {  	(v2sf) =	vpush v0, $0x2;
	_ =	sdelay $0x2  }
0xc0: {  	(v2sf) =	vpush v0, $0x3;
	_ =	sdelay $0x5  }
0xc1: {  	(v2sf) =	vpush v0, $0x4;
	_ =	sdelay $0x3  }
0xc2: {  	s6 =	spop (v2sf)  }
0xc3: {  	s0 =	sand.u32 $0x1FFFFFF0, s6;
	s8 =	spop (v2sf);
	(v2sf) =	vpush v0, $0x5  }
0xc4: {  	s7 =	simm.s32 $0x6200;
	s0 =	sadd.s32 s4, s0;
	s10 =	spop (v2sf)  }
0xc5: {  	(v2sf) =	vpush v0, $0x6;
	[tilespmem:s7], [sflag:$0x3] =	stream.linear.gather [hbm4b:s0+s3], $0x80, $0x38;
	[tilespmem:$0xCA00] =	vst v63  }
0xc6: {  	s0 =	sand.u32 $0x1FFFFFF0, s8  }
0xc7: {  	s9 =	simm.s32 $0x6280;
	s14 =	spop (v2sf);
	s0 =	sadd.s32 s4, s0  }
0xc8: {  	(v2sf) =	vpush v0, $0x7;
	[tilespmem:s9], [sflag:$0x3] =	stream.linear.gather [hbm4b:s0+s3], $0x80, $0x38;
	[tilespmem:$0xCA00] =	vst v63  }
0xc9: {  	s0 =	sand.u32 $0x1FFFFFF0, s10  }
0xca: {  	s13 =	simm.s32 $0x6300;
	s0 =	sadd.s32 s4, s0  }
0xcb: {  	[tilespmem:s13], [sflag:$0x3] =	stream.linear.gather [hbm4b:s0+s3], $0x80, $0x38;
	[tilespmem:$0xCA00] =	vst v63  }
0xcc: {  	s0 =	sand.u32 $0x1FFFFFF0, s14  }
0xcd: {  	s15 =	simm.s32 $0x6380;
	s17 =	spop (v2sf);
	s0 =	sadd.s32 s4, s0  }
0xce: {  	[tilespmem:s15], [sflag:$0x3] =	stream.linear.gather [hbm4b:s0+s3], $0x80, $0x38;
	[tilespmem:$0xCA00] =	vst v63  }
0xcf: {  	s0 =	sand.u32 $0x1FFFFFF0, s17  }
0xd0: {  	s18 =	simm.s32 $0x6400;
	s0 =	sadd.s32 s4, s0  }
0xd1: {  	[tilespmem:s18], [sflag:$0x3] =	stream.linear.gather [hbm4b:s0+s3], $0x80, $0x38;
	[tilespmem:$0xCA00] =	vst v63  }
0xd2: {  	s19 =	spop (v2sf)  }
0xd3: {  	s0 =	sand.u32 $0x1FFFFFF0, s19  }
0xd4: {  	s20 =	simm.s32 $0x6480;
	s21 =	spop (v2sf);
	s0 =	sadd.s32 s4, s0  }
0xd5: {  	[tilespmem:s20], [sflag:$0x3] =	stream.linear.gather [hbm4b:s0+s3], $0x80, $0x38;
	[tilespmem:$0xCA00] =	vst v63  }
0xd6: {  	s0 =	sand.u32 $0x1FFFFFF0, s21  }
0xd7: {  	s22 =	simm.s32 $0x6500;
	s23 =	spop (v2sf);
	s0 =	sadd.s32 s4, s0  }
0xd8: {  	[tilespmem:s22], [sflag:$0x3] =	stream.linear.gather [hbm4b:s0+s3], $0x80, $0x38;
	[tilespmem:$0xCA00] =	vst v63  }
0xd9: {  	s0 =	sand.u32 $0x1FFFFFF0, s23  }
0xda: {  	s24 =	simm.s32 $0x6580;
	s0 =	sadd.s32 s4, s0  }
0xdb: {  	[tilespmem:s24], [sflag:$0x3] =	stream.linear.gather [hbm4b:s0+s3], $0x80, $0x38;
	[tilespmem:$0xCA00] =	vst v63  }
0xdc: {  	s1 =	smul.u32 @!p0 $0x6400, s12;
	s0 =	simm.s32 @!p0 $0x4  }
0xdd: {  	_ =	swait.ge @!p0 [sflag:s0], $0x6400  }
0xde: {  	s1 =	sadd.s32 @!p0 $0xFFFF9C00, s1;
	[sflag:s0] =	ssyncset.done @!p0 $0x0  }
0xdf: {  	[sflag:s0] =	ssyncadd.s32 @!p0 $0xFFFF9C00;
	s0 =	sshrl.u32 @!p0 s1, $0x3;
	s1 =	rddreg [dreg:$0x5]  }
0xe0: {  	s2 =	simm.s32 @!p0 $0x6600;
	s0 =	sadd.s32 @!p0 s1, s0;
	s1 =	simm.s32 @!p0 $0x0  }
0xe1: {  	[hbm4b:s0+s1] =	stream.linear.scatter @!p0 [tilespmem:s2], [sflag:$0x6], $0x6400, $0x38;
	[tilespmem:$0xCA00] =	vst v63  }
0xe2: {  	s26 =	rddreg [dreg:$0x8];
	s0 =	sadd.s32 $0x2, s12  }
0xe3: {  	p1 =	sge.u32 s0, s26  }
0xe4: {  	s0 =	sshll.u32 @!p1 s0, $0x4  }
0xe5: {  	s1 =	rddreg [dreg:$0x1];
	s0 =	sand.u32 @!p1 $0xFFFFFE0, s0  }
0xe6: {  	s2 =	simm.s32 @!p1 $0x0;
	s1 =	sadd.s32 @!p1 s1, s0  }
0xe7: {  	[tilespmem:s2], [sflag:$0x1] =	stream.linear.gather @!p1 [hbm4b:s1+s2], $0x80, $0x38;
	[tilespmem:$0xCA00] =	vst v63  }
0xe8: {  	s1 =	rddreg [dreg:$0x4]  }
0xe9: {  	s0 =	sadd.s32 @!p1 s1, s0;
	s1 =	simm.s32 @!p1 $0x100  }
0xea: {  	[tilespmem:s1], [sflag:$0x1] =	stream.linear.gather @!p1 [hbm4b:s0+s2], $0x80, $0x38;
	[tilespmem:$0xCA00] =	vst v63  }
0xeb: {  	_ =	swait.ge [sflag:s25], $0x80  }
0xec: {  	[sflag:s25] =	ssyncset.done $0x0  }
0xed: {  	[sflag:s25] =	ssyncadd.s32 $0xFFFFFF80  }
0xee: {  	_ =	swait.ge [sflag:s25], $0x80  }
0xef: {  	[sflag:s25] =	ssyncset.done $0x0  }
0xf0: {  	s0 =	simm.s32 @!p0 $0x6;
	[sflag:s25] =	ssyncadd.s32 $0xFFFFFF80  }
0xf1: {  	s2 =	simm.s32 $0x0;
	_ =	swait.ge @!p0 [sflag:s0], $0x6400  }
0xf2: {  	s5 =	sand.u32 $0x70, s2;
	s1 =	sand.u32 $0x100, s2;
	[sflag:s0] =	ssyncset.done @!p0 $0x0  }
0xf3: {  	s6 =	sor.u32 s5, s1;
	[sflag:s0] =	ssyncadd.s32 @!p0 $0xFFFF9C00  }
0xf4: {  	v63 =	vld [tilespmem:s6+$0x80];
	_ =	sdelay $0x4  }
0xf5: {  	v0 =	vshll.u32 v63, $0x4  }
0xf6: {  	(v2sf) =	vpush v0, $0x0  }
0xf7: {  	(v2sf) =	vpush v0, $0x1  }
0xf8: {  	(v2sf) =	vpush v0, $0x2  }
0xf9: {  	(v2sf) =	vpush v0, $0x3  }
0xfa: {  	(v2sf) =	vpush v0, $0x4;
	_ =	sdelay $0x6  }
0xfb: {  	(v2sf) =	vpush v0, $0x5  }
0xfc: {  	s31 =	simm.s32 $0x6980  }
0xfd: {  	s29 =	simm.s32 $0x6A00;
	s28 =	simm.s32 $0x6A80;
	s30 =	simm.s32 $0x6B00  }
0xfe: {  	s7 =	simm.s32 $0x6600;
	s14 =	simm.s32 $0x2000;
	s15 =	simm.s32 $0x10  }
0xff: {  	s17 =	simm.s32 $0x20;
	s18 =	simm.s32 $0x0;
	(v2sf) =	vpush v0, $0x6;
	s8 =	spop (v2sf)  }
0x100: {  	s19 =	simm.s32 $0x4000;
	s20 =	simm.s32 $0x20;
	s9 =	spop (v2sf)  }
0x101: {  	s21 =	simm.s32 $0x40;
	s22 =	simm.s32 $0x6C80;
	(v2sf) =	vpush v0, $0x7;
	s13 =	spop (v2sf)  }
0x102: {  	s23 =	simm.s32 $0x6C00;
	s24 =	simm.s32 $0x6B80;
	s26 =	spop (v2sf)  }
0x103: {  	s2 =	sand.u32 $0x1FFFFFF0, s8;
	s10 =	sand.u32 $0x1FFFFFF0, s9;
	s9 =	spop (v2sf);
	(v2sf) =	vpush v0, $0x8  }
0x104: {  	s5 =	simm.s32 $0x6700;
	s0 =	simm.s32 $0x6680;
	s2 =	sadd.s32 s4, s2  }
0x105: {  	[tilespmem:s7], [sflag:$0x4] =	stream.linear.gather [hbm4b:s2+s3], $0x80, $0x38;
	(v2sf) =	vpush v0, $0x9;
	[tilespmem:$0xCA00] =	vst v63  }
0x106: {  	s2 =	sadd.s32 s4, s10;
	s6 =	sand.u32 $0x1FFFFFF0, s13;
	s8 =	sand.u32 $0x1FFFFFF0, s26  }
0x107: {  	[tilespmem:s0], [sflag:$0x4] =	stream.linear.gather [hbm4b:s2+s3], $0x80, $0x38;
	(v2sf) =	vpush v0, $0xA;
	[tilespmem:$0xCA00] =	vst v63  }
0x108: {  	s1 =	simm.s32 $0x6780;
	s6 =	sadd.s32 s4, s6;
	s10 =	sadd.s32 s4, s8  }
0x109: {  	[tilespmem:s5], [sflag:$0x4] =	stream.linear.gather [hbm4b:s6+s3], $0x80, $0x38;
	(v2sf) =	vpush v0, $0xB;
	[tilespmem:$0xCA00] =	vst v63  }
0x10a: {  	s13 =	sand.u32 $0x1FFFFFF0, s9;
	s26 =	spop (v2sf);
	s9 =	simm.s32 $0x6880  }
0x10b: {  	(v2sf) =	vpush v0, $0xC;
	[tilespmem:s1], [sflag:$0x4] =	stream.linear.gather [hbm4b:s10+s3], $0x80, $0x38;
	[tilespmem:$0xCA00] =	vst v63  }
0x10c: {  	s7 =	sadd.s32 s4, s13;
	s8 =	sand.u32 $0x1FFFFFF0, s26;
	s6 =	simm.s32 $0x6800  }
0x10d: {  	(v2sf) =	vpush v0, $0xD;
	[tilespmem:s6], [sflag:$0x4] =	stream.linear.gather [hbm4b:s7+s3], $0x80, $0x38;
	[tilespmem:$0xCA00] =	vst v63  }
0x10e: {  	s0 =	simm.s32 $0x6900;
	s13 =	spop (v2sf);
	s10 =	sadd.s32 s4, s8  }
0x10f: {  	(v2sf) =	vpush v0, $0xE;
	[tilespmem:s9], [sflag:$0x4] =	stream.linear.gather [hbm4b:s10+s3], $0x80, $0x38;
	[tilespmem:$0xCA00] =	vst v63  }
0x110: {  	s26 =	simm.s32 $0x6D80;
	s9 =	sand.u32 $0x1FFFFFF0, s13;
	s13 =	spop (v2sf);
	(v2sf) =	vpush v0, $0xF  }
.LBB2_5:
0x111: {  	s2 =	sadd.s32 s4, s9  }
0x112: {  	s5 =	sand.u32 $0x1FFFFFF0, s13;
	s6 =	spop (v2sf);
	s1 =	smov.u32 s19  }
0x113: {  	[tilespmem:s0], [sflag:$0x4] =	stream.linear.gather [hbm4b:s2+s3], $0x80, $0x38;
	[tilespmem:$0xCA00] =	vst v63  }
0x114: {  	s0 =	sadd.s32 s4, s5;
	s2 =	sand.u32 $0x1FFFFFF0, s6;
	s5 =	spop (v2sf)  }
0x115: {  	[tilespmem:s31], [sflag:$0x4] =	stream.linear.gather [hbm4b:s0+s3], $0x80, $0x38;
	[tilespmem:$0xCA00] =	vst v63  }
0x116: {  	s0 =	sadd.s32 s4, s2;
	s2 =	sand.u32 $0x1FFFFFF0, s5;
	s5 =	spop (v2sf)  }
0x117: {  	[tilespmem:s29], [sflag:$0x4] =	stream.linear.gather [hbm4b:s0+s3], $0x80, $0x38;
	[tilespmem:$0xCA00] =	vst v63  }
0x118: {  	s0 =	sadd.s32 s4, s2;
	s2 =	sand.u32 $0x1FFFFFF0, s5;
	s5 =	spop (v2sf)  }
0x119: {  	[tilespmem:s28], [sflag:$0x4] =	stream.linear.gather [hbm4b:s0+s3], $0x80, $0x38;
	[tilespmem:$0xCA00] =	vst v63  }
0x11a: {  	s0 =	sadd.s32 s4, s2;
	s2 =	sand.u32 $0x1FFFFFF0, s5;
	s5 =	spop (v2sf)  }
0x11b: {  	[tilespmem:s30], [sflag:$0x4] =	stream.linear.gather [hbm4b:s0+s3], $0x80, $0x38;
	[tilespmem:$0xCA00] =	vst v63  }
0x11c: {  	s0 =	sadd.s32 s4, s2;
	s2 =	sand.u32 $0x1FFFFFF0, s5;
	s5 =	spop (v2sf)  }
0x11d: {  	[tilespmem:s24], [sflag:$0x4] =	stream.linear.gather [hbm4b:s0+s3], $0x80, $0x38;
	[tilespmem:$0xCA00] =	vst v63  }
0x11e: {  	s0 =	sadd.s32 s4, s2;
	s2 =	sand.u32 $0x1FFFFFF0, s5;
	s5 =	spop (v2sf)  }
0x11f: {  	[tilespmem:s23], [sflag:$0x4] =	stream.linear.gather [hbm4b:s0+s3], $0x80, $0x38;
	[tilespmem:$0xCA00] =	vst v63  }
0x120: {  	s0 =	sadd.s32 s4, s2;
	s2 =	sand.u32 $0x1FFFFFF0, s5;
	s5 =	spop (v2sf)  }
0x121: {  	[tilespmem:s22], [sflag:$0x4] =	stream.linear.gather [hbm4b:s0+s3], $0x80, $0x38;
	[tilespmem:$0xCA00] =	vst v63  }
0x122: {  	s2 =	sadd.s32 s4, s2;
	s0 =	sadd.s32 $0x6D00, s18;
	s5 =	sand.u32 $0x1FFFFFF0, s5  }
0x123: {  	[tilespmem:s0], [sflag:$0x4] =	stream.linear.gather [hbm4b:s2+s3], $0x80, $0x38;
	[tilespmem:$0xCA00] =	vst v63  }
0x124: {  	s5 =	sadd.s32 s4, s5;
	s0 =	sand.u32 $0x70, s15;
	s2 =	sand.u32 $0x100, s17  }
0x125: {  	[tilespmem:s26], [sflag:$0x4] =	stream.linear.gather [hbm4b:s5+s3], $0x80, $0x38;
	[tilespmem:$0xCA00] =	vst v63  }
0x126: {  	p0 =	sne.s32 s19, $0x16000;
	s19 =	sadd.s32 $0x2000, s19;
	s0 =	sor.u32 s0, s2  }
0x127: {  	s15 =	smov.u32 s20;
	s17 =	smov.u32 s21;
	v0 =	vld [tilespmem:s0+$0x80];
	_ =	sdelay $0x4  }
0x128: {  	s18 =	sshra.s32 s14, $0x2;
	s14 =	smov.u32 s1;
	s20 =	sadd.s32 $0x10, s20;
	v0 =	vshll.u32 v0, $0x4  }
0x129: {  	s22 =	sadd.s32 $0x6C80, s18;
	s21 =	sadd.s32 $0x20, s21;
	s2 =	sadd.s32 $0x6680, s18;
	(v2sf) =	vpush v0, $0x0  }
0x12a: {  	s24 =	sadd.s32 $0x6B80, s18;
	s23 =	sadd.s32 $0x6C00, s18;
	s5 =	sadd.s32 $0x6600, s18;
	(v2sf) =	vpush v0, $0x1  }
0x12b: {  	s29 =	sadd.s32 $0x6A00, s18;
	s28 =	sadd.s32 $0x6A80, s18;
	s30 =	sadd.s32 $0x6B00, s18;
	(v2sf) =	vpush v0, $0x2  }
0x12c: {  	s31 =	sadd.s32 $0x6980, s18;
	s0 =	sadd.s32 $0x6900, s18  }
0x12d: {  	s1 =	sadd.s32 $0x6880, s18;
	(v2sf) =	vpush v0, $0x3  }
0x12e: {  	s6 =	sadd.s32 $0x6800, s18  }
0x12f: {  	(v2sf) =	vpush v0, $0x4  }
0x130: {  	s26 =	sadd.s32 $0x6D80, s18  }
0x131: {  	(v2sf) =	vpush v0, $0x5;
	_ =	sdelay $0x1  }
0x132: {  	s7 =	sadd.s32 $0x6700, s18;
	(v2sf) =	vpush v0, $0x6;
	_ =	sdelay $0x1  }
0x133: {  	s8 =	sadd.s32 $0x6780, s18;
	(v2sf) =	vpush v0, $0x7;
	_ =	sdelay $0x1  }
0x134: {  	(v2sf) =	vpush v0, $0x8  }
0x135: {  	s9 =	spop (v2sf)  }
0x136: {  	s9 =	sand.u32 $0x1FFFFFF0, s9;
	s10 =	spop (v2sf);
	(v2sf) =	vpush v0, $0x9  }
0x137: {  	s9 =	sadd.s32 s4, s9;
	s10 =	sand.u32 $0x1FFFFFF0, s10;
	s13 =	spop (v2sf)  }
0x138: {  	[tilespmem:s5], [sflag:$0x4] =	stream.linear.gather [hbm4b:s9+s3], $0x80, $0x38;
	(v2sf) =	vpush v0, $0xA;
	[tilespmem:$0xCA00] =	vst v63  }
0x139: {  	s5 =	sadd.s32 s4, s10;
	s9 =	sand.u32 $0x1FFFFFF0, s13;
	s10 =	spop (v2sf)  }
0x13a: {  	[tilespmem:s2], [sflag:$0x4] =	stream.linear.gather [hbm4b:s5+s3], $0x80, $0x38;
	(v2sf) =	vpush v0, $0xB;
	[tilespmem:$0xCA00] =	vst v63  }
0x13b: {  	s2 =	sadd.s32 s4, s9;
	s5 =	sand.u32 $0x1FFFFFF0, s10;
	s9 =	spop (v2sf)  }
0x13c: {  	[tilespmem:s7], [sflag:$0x4] =	stream.linear.gather [hbm4b:s2+s3], $0x80, $0x38;
	(v2sf) =	vpush v0, $0xC;
	[tilespmem:$0xCA00] =	vst v63  }
0x13d: {  	s2 =	sadd.s32 s4, s5;
	s5 =	sand.u32 $0x1FFFFFF0, s9;
	s7 =	spop (v2sf)  }
0x13e: {  	[tilespmem:s8], [sflag:$0x4] =	stream.linear.gather [hbm4b:s2+s3], $0x80, $0x38;
	[tilespmem:$0xCA00] =	vst v63  }
.Ltmp1:
0x13f: {  	(v2sf) =	vpush v0, $0xD;
	(pc) =	sbr.rel @p0 .LBB2_5-.Ltmp1, $4  }
0x140: {  	s2 =	sadd.s32 s4, s5;
	s5 =	sand.u32 $0x1FFFFFF0, s7;
	s7 =	spop (v2sf)  }
0x141: {  	[tilespmem:s6], [sflag:$0x4] =	stream.linear.gather [hbm4b:s2+s3], $0x80, $0x38;
	(v2sf) =	vpush v0, $0xE;
	[tilespmem:$0xCA00] =	vst v63  }
0x142: {  	s2 =	sadd.s32 s4, s5;
	s9 =	sand.u32 $0x1FFFFFF0, s7;
	s13 =	spop (v2sf)  }
0x143: {  	[tilespmem:s1], [sflag:$0x4] =	stream.linear.gather [hbm4b:s2+s3], $0x80, $0x38;
	(v2sf) =	vpush v0, $0xF;
	[tilespmem:$0xCA00] =	vst v63  }
0x144: {  	s1 =	sadd.s32 s4, s9;
	s6 =	sand.u32 $0x1FFFFFF0, s13  }
0x145: {  	[tilespmem:s0], [sflag:$0x4] =	stream.linear.gather [hbm4b:s1+s3], $0x80, $0x38;
	[tilespmem:$0xCA00] =	vst v63  }
0x146: {  	s7 =	spop (v2sf);
	s0 =	sadd.s32 s4, s6  }
0x147: {  	[tilespmem:s31], [sflag:$0x4] =	stream.linear.gather [hbm4b:s0+s3], $0x80, $0x38;
	[tilespmem:$0xCA00] =	vst v63  }
0x148: {  	s0 =	sand.u32 $0x1FFFFFF0, s7  }
0x149: {  	s8 =	spop (v2sf);
	s0 =	sadd.s32 s4, s0  }
0x14a: {  	[tilespmem:s29], [sflag:$0x4] =	stream.linear.gather [hbm4b:s0+s3], $0x80, $0x38;
	[tilespmem:$0xCA00] =	vst v63  }
0x14b: {  	s0 =	sand.u32 $0x1FFFFFF0, s8  }
0x14c: {  	s9 =	spop (v2sf);
	s0 =	sadd.s32 s4, s0  }
0x14d: {  	[tilespmem:s28], [sflag:$0x4] =	stream.linear.gather [hbm4b:s0+s3], $0x80, $0x38;
	[tilespmem:$0xCA00] =	vst v63  }
0x14e: {  	s0 =	sand.u32 $0x1FFFFFF0, s9  }
0x14f: {  	s10 =	spop (v2sf);
	s0 =	sadd.s32 s4, s0  }
0x150: {  	[tilespmem:s30], [sflag:$0x4] =	stream.linear.gather [hbm4b:s0+s3], $0x80, $0x38;
	[tilespmem:$0xCA00] =	vst v63  }
0x151: {  	s0 =	sand.u32 $0x1FFFFFF0, s10  }
0x152: {  	s13 =	spop (v2sf);
	s0 =	sadd.s32 s4, s0  }
0x153: {  	[tilespmem:s24], [sflag:$0x4] =	stream.linear.gather [hbm4b:s0+s3], $0x80, $0x38;
	[tilespmem:$0xCA00] =	vst v63  }
0x154: {  	s0 =	sand.u32 $0x1FFFFFF0, s13  }
0x155: {  	s19 =	spop (v2sf);
	s0 =	sadd.s32 s4, s0  }
0x156: {  	[tilespmem:s23], [sflag:$0x4] =	stream.linear.gather [hbm4b:s0+s3], $0x80, $0x38;
	[tilespmem:$0xCA00] =	vst v63  }
0x157: {  	s0 =	sand.u32 $0x1FFFFFF0, s19  }
0x158: {  	s20 =	spop (v2sf);
	s0 =	sadd.s32 s4, s0  }
0x159: {  	[tilespmem:s22], [sflag:$0x4] =	stream.linear.gather [hbm4b:s0+s3], $0x80, $0x38;
	[tilespmem:$0xCA00] =	vst v63  }
0x15a: {  	s0 =	sand.u32 $0x1FFFFFF0, s20  }
0x15b: {  	s21 =	sadd.s32 $0x6D00, s18;
	s22 =	spop (v2sf);
	s0 =	sadd.s32 s4, s0  }
0x15c: {  	[tilespmem:s21], [sflag:$0x4] =	stream.linear.gather [hbm4b:s0+s3], $0x80, $0x38;
	[tilespmem:$0xCA00] =	vst v63  }
0x15d: {  	s0 =	sand.u32 $0x1FFFFFF0, s22  }
0x15e: {  	s24 =	sand.u32 $0x100, s17;
	s23 =	sand.u32 $0x70, s15;
	s0 =	sadd.s32 s4, s0  }
0x15f: {  	[tilespmem:s26], [sflag:$0x4] =	stream.linear.gather [hbm4b:s0+s3], $0x80, $0x38;
	[tilespmem:$0xCA00] =	vst v63  }
0x160: {  	s0 =	sor.u32 s23, s24  }
0x161: {  	v0 =	vld [tilespmem:s0+$0x80];
	_ =	sdelay $0x4  }
0x162: {  	v0 =	vshll.u32 v0, $0x4  }
0x163: {  	(v2sf) =	vpush v0, $0x0;
	_ =	sdelay $0x1  }
0x164: {  	(v2sf) =	vpush v0, $0x1;
	_ =	sdelay $0x1  }
0x165: {  	(v2sf) =	vpush v0, $0x2;
	_ =	sdelay $0x2  }
0x166: {  	(v2sf) =	vpush v0, $0x3;
	_ =	sdelay $0x7  }
0x167: {  	s26 =	spop (v2sf);
	(v2sf) =	vpush v0, $0x4;
	_ =	sdelay $0x1  }
0x168: {  	s28 =	spop (v2sf);
	(v2sf) =	vpush v0, $0x5;
	_ =	sdelay $0x1  }
0x169: {  	s30 =	spop (v2sf);
	(v2sf) =	vpush v0, $0x6;
	_ =	sdelay $0x1  }
0x16a: {  	s0 =	sshra.s32 s14, $0x2;
	s1 =	sand.u32 $0x1FFFFFF0, s26  }
0x16b: {  	s2 =	sadd.s32 $0x6600, s0;
	s1 =	sadd.s32 s4, s1;
	s5 =	spop (v2sf);
	(v2sf) =	vpush v0, $0x7  }
0x16c: {  	[tilespmem:s2], [sflag:$0x4] =	stream.linear.gather [hbm4b:s1+s3], $0x80, $0x38;
	[tilespmem:$0xCA00] =	vst v63  }
0x16d: {  	s1 =	sand.u32 $0x1FFFFFF0, s28  }
0x16e: {  	s29 =	sadd.s32 $0x6680, s0;
	s1 =	sadd.s32 s4, s1  }
0x16f: {  	[tilespmem:s29], [sflag:$0x4] =	stream.linear.gather [hbm4b:s1+s3], $0x80, $0x38;
	[tilespmem:$0xCA00] =	vst v63  }
0x170: {  	s1 =	sand.u32 $0x1FFFFFF0, s30  }
0x171: {  	s31 =	sadd.s32 $0x6700, s0;
	s1 =	sadd.s32 s4, s1  }
0x172: {  	[tilespmem:s31], [sflag:$0x4] =	stream.linear.gather [hbm4b:s1+s3], $0x80, $0x38;
	[tilespmem:$0xCA00] =	vst v63  }
0x173: {  	s7 =	spop (v2sf);
	(v2sf) =	vpush v0, $0x8  }
0x174: {  	s1 =	sand.u32 $0x1FFFFFF0, s5  }
0x175: {  	s6 =	sadd.s32 $0x6780, s0;
	s1 =	sadd.s32 s4, s1;
	s9 =	spop (v2sf);
	(v2sf) =	vpush v0, $0x9  }
0x176: {  	[tilespmem:s6], [sflag:$0x4] =	stream.linear.gather [hbm4b:s1+s3], $0x80, $0x38;
	[tilespmem:$0xCA00] =	vst v63  }
0x177: {  	s1 =	sand.u32 $0x1FFFFFF0, s7;
	s13 =	spop (v2sf);
	(v2sf) =	vpush v0, $0xA  }
0x178: {  	s8 =	sadd.s32 $0x6800, s0;
	s1 =	sadd.s32 s4, s1  }
0x179: {  	[tilespmem:s8], [sflag:$0x4] =	stream.linear.gather [hbm4b:s1+s3], $0x80, $0x38;
	[tilespmem:$0xCA00] =	vst v63  }
0x17a: {  	s15 =	spop (v2sf);
	(v2sf) =	vpush v0, $0xB  }
0x17b: {  	s1 =	sand.u32 $0x1FFFFFF0, s9  }
0x17c: {  	s10 =	sadd.s32 $0x6880, s0;
	s1 =	sadd.s32 s4, s1  }
0x17d: {  	[tilespmem:s10], [sflag:$0x4] =	stream.linear.gather [hbm4b:s1+s3], $0x80, $0x38;
	[tilespmem:$0xCA00] =	vst v63  }
0x17e: {  	s1 =	sand.u32 $0x1FFFFFF0, s13  }
0x17f: {  	s14 =	sadd.s32 $0x6900, s0;
	s1 =	sadd.s32 s4, s1  }
0x180: {  	[tilespmem:s14], [sflag:$0x4] =	stream.linear.gather [hbm4b:s1+s3], $0x80, $0x38;
	[tilespmem:$0xCA00] =	vst v63  }
0x181: {  	s1 =	sand.u32 $0x1FFFFFF0, s15  }
0x182: {  	s17 =	sadd.s32 $0x6980, s0;
	s1 =	sadd.s32 s4, s1;
	s18 =	spop (v2sf);
	(v2sf) =	vpush v0, $0xC  }
0x183: {  	[tilespmem:s17], [sflag:$0x4] =	stream.linear.gather [hbm4b:s1+s3], $0x80, $0x38;
	[tilespmem:$0xCA00] =	vst v63  }
0x184: {  	s20 =	spop (v2sf);
	(v2sf) =	vpush v0, $0xD  }
0x185: {  	s1 =	sand.u32 $0x1FFFFFF0, s18  }
0x186: {  	s19 =	sadd.s32 $0x6A00, s0;
	s1 =	sadd.s32 s4, s1;
	s22 =	spop (v2sf)  }
0x187: {  	(v2sf) =	vpush v0, $0xE;
	[tilespmem:s19], [sflag:$0x4] =	stream.linear.gather [hbm4b:s1+s3], $0x80, $0x38;
	[tilespmem:$0xCA00] =	vst v63  }
0x188: {  	s1 =	sand.u32 $0x1FFFFFF0, s20  }
0x189: {  	s21 =	sadd.s32 $0x6A80, s0;
	s24 =	spop (v2sf);
	s1 =	sadd.s32 s4, s1  }
0x18a: {  	(v2sf) =	vpush v0, $0xF;
	[tilespmem:s21], [sflag:$0x4] =	stream.linear.gather [hbm4b:s1+s3], $0x80, $0x38;
	[tilespmem:$0xCA00] =	vst v63  }
0x18b: {  	s1 =	sand.u32 $0x1FFFFFF0, s22  }
0x18c: {  	s23 =	sadd.s32 $0x6B00, s0;
	s1 =	sadd.s32 s4, s1  }
0x18d: {  	[tilespmem:s23], [sflag:$0x4] =	stream.linear.gather [hbm4b:s1+s3], $0x80, $0x38;
	[tilespmem:$0xCA00] =	vst v63  }
0x18e: {  	s1 =	sand.u32 $0x1FFFFFF0, s24  }
0x18f: {  	s26 =	sadd.s32 $0x6B80, s0;
	s1 =	sadd.s32 s4, s1  }
0x190: {  	[tilespmem:s26], [sflag:$0x4] =	stream.linear.gather [hbm4b:s1+s3], $0x80, $0x38;
	[tilespmem:$0xCA00] =	vst v63  }
0x191: {  	s28 =	spop (v2sf)  }
0x192: {  	s1 =	sand.u32 $0x1FFFFFF0, s28  }
0x193: {  	s29 =	sadd.s32 $0x6C00, s0;
	s30 =	spop (v2sf);
	s1 =	sadd.s32 s4, s1  }
0x194: {  	[tilespmem:s29], [sflag:$0x4] =	stream.linear.gather [hbm4b:s1+s3], $0x80, $0x38;
	[tilespmem:$0xCA00] =	vst v63  }
0x195: {  	s1 =	sand.u32 $0x1FFFFFF0, s30  }
0x196: {  	s31 =	sadd.s32 $0x6C80, s0;
	s2 =	spop (v2sf);
	s1 =	sadd.s32 s4, s1  }
0x197: {  	[tilespmem:s31], [sflag:$0x4] =	stream.linear.gather [hbm4b:s1+s3], $0x80, $0x38;
	[tilespmem:$0xCA00] =	vst v63  }
0x198: {  	s1 =	sand.u32 $0x1FFFFFF0, s2  }
0x199: {  	s5 =	sadd.s32 $0x6D00, s0;
	s6 =	spop (v2sf);
	s1 =	sadd.s32 s4, s1  }
0x19a: {  	[tilespmem:s5], [sflag:$0x4] =	stream.linear.gather [hbm4b:s1+s3], $0x80, $0x38;
	[tilespmem:$0xCA00] =	vst v63  }
0x19b: {  	s1 =	sand.u32 $0x1FFFFFF0, s6  }
0x19c: {  	s0 =	sadd.s32 $0x6D80, s0;
	s1 =	sadd.s32 s4, s1  }
0x19d: {  	[tilespmem:s0], [sflag:$0x4] =	stream.linear.gather [hbm4b:s1+s3], $0x80, $0x38;
	[tilespmem:$0xCA00] =	vst v63  }
0x19e: {  	v63 =	vld [tilespmem:$0x1C0];
	_ =	sdelay $0x4  }
0x19f: {  	v0 =	vshll.u32 v63, $0x4  }
0x1a0: {  	(v2sf) =	vpush v0, $0x0;
	_ =	sdelay $0x1  }
0x1a1: {  	(v2sf) =	vpush v0, $0x1;
	_ =	sdelay $0x1  }
0x1a2: {  	(v2sf) =	vpush v0, $0x2;
	_ =	sdelay $0x2  }
0x1a3: {  	(v2sf) =	vpush v0, $0x3;
	_ =	sdelay $0x7  }
0x1a4: {  	s7 =	spop (v2sf);
	(v2sf) =	vpush v0, $0x4;
	_ =	sdelay $0x1  }
0x1a5: {  	s9 =	spop (v2sf);
	(v2sf) =	vpush v0, $0x5  }
0x1a6: {  	s0 =	sand.u32 $0x1FFFFFF0, s7  }
0x1a7: {  	s8 =	simm.s32 $0xC600;
	s0 =	sadd.s32 s4, s0;
	s13 =	spop (v2sf)  }
0x1a8: {  	(v2sf) =	vpush v0, $0x6;
	[tilespmem:s8], [sflag:$0x4] =	stream.linear.gather [hbm4b:s0+s3], $0x80, $0x38;
	[tilespmem:$0xCA00] =	vst v63  }
0x1a9: {  	s0 =	sand.u32 $0x1FFFFFF0, s9  }
0x1aa: {  	s10 =	simm.s32 $0xC680;
	s15 =	spop (v2sf);
	s0 =	sadd.s32 s4, s0  }
0x1ab: {  	(v2sf) =	vpush v0, $0x7;
	[tilespmem:s10], [sflag:$0x4] =	stream.linear.gather [hbm4b:s0+s3], $0x80, $0x38;
	[tilespmem:$0xCA00] =	vst v63  }
0x1ac: {  	s0 =	sand.u32 $0x1FFFFFF0, s13  }
0x1ad: {  	s14 =	simm.s32 $0xC700;
	s0 =	sadd.s32 s4, s0  }
0x1ae: {  	[tilespmem:s14], [sflag:$0x4] =	stream.linear.gather [hbm4b:s0+s3], $0x80, $0x38;
	[tilespmem:$0xCA00] =	vst v63  }
0x1af: {  	s0 =	sand.u32 $0x1FFFFFF0, s15  }
0x1b0: {  	s17 =	simm.s32 $0xC780;
	s0 =	sadd.s32 s4, s0  }
0x1b1: {  	[tilespmem:s17], [sflag:$0x4] =	stream.linear.gather [hbm4b:s0+s3], $0x80, $0x38;
	[tilespmem:$0xCA00] =	vst v63  }
0x1b2: {  	s18 =	spop (v2sf)  }
0x1b3: {  	s0 =	sand.u32 $0x1FFFFFF0, s18  }
0x1b4: {  	s19 =	simm.s32 $0xC800;
	s20 =	spop (v2sf);
	s0 =	sadd.s32 s4, s0  }
0x1b5: {  	[tilespmem:s19], [sflag:$0x4] =	stream.linear.gather [hbm4b:s0+s3], $0x80, $0x38;
	[tilespmem:$0xCA00] =	vst v63  }
0x1b6: {  	s0 =	sand.u32 $0x1FFFFFF0, s20  }
0x1b7: {  	s21 =	simm.s32 $0xC880;
	s22 =	spop (v2sf);
	s0 =	sadd.s32 s4, s0  }
0x1b8: {  	[tilespmem:s21], [sflag:$0x4] =	stream.linear.gather [hbm4b:s0+s3], $0x80, $0x38;
	[tilespmem:$0xCA00] =	vst v63  }
0x1b9: {  	s0 =	sand.u32 $0x1FFFFFF0, s22  }
0x1ba: {  	s23 =	simm.s32 $0xC900;
	s24 =	spop (v2sf);
	s0 =	sadd.s32 s4, s0  }
0x1bb: {  	[tilespmem:s23], [sflag:$0x4] =	stream.linear.gather [hbm4b:s0+s3], $0x80, $0x38;
	[tilespmem:$0xCA00] =	vst v63  }
0x1bc: {  	s11 =	sadd.s32 $0x1, s11;
	s0 =	sand.u32 $0x1FFFFFF0, s24  }
0x1bd: {  	p0 =	sne.s32 s11, $0x40;
	s26 =	simm.s32 $0xC980;
	s0 =	sadd.s32 s4, s0  }
0x1be: {  	[tilespmem:s26], [sflag:$0x4] =	stream.linear.gather [hbm4b:s0+s3], $0x80, $0x38;
	[tilespmem:$0xCA00] =	vst v63  }
.Ltmp2:
0x1bf: {  	s28 =	simm.s32 $0x3;
	(pc) =	sbr.rel @p0 .LBB2_2-.Ltmp2, $4  }
0x1c0: {  	s29 =	smul.u32 $0xC80, s12;
	_ =	swait.ge [sflag:s28], $0x6400  }
0x1c1: {  	[sflag:s28] =	ssyncset.done $0x0;
	s30 =	rddreg [dreg:$0x5]  }
0x1c2: {  	s31 =	simm.s32 $0x200;
	[sflag:s28] =	ssyncadd.s32 $0xFFFF9C00;
	s0 =	sadd.s32 s30, s29  }
0x1c3: {  	[hbm4b:s0+s3] =	stream.linear.scatter [tilespmem:s31], [sflag:$0x5], $0x6400, $0x38;
	[tilespmem:$0xCA00] =	vst v63  }
0x1c4: {  	s0 =	simm.s32 $0x4  }
0x1c5: {  	_ =	swait.ge [sflag:s0], $0x6400  }
0x1c6: {  	s1 =	simm.s32 $0x6600;
	[sflag:s0] =	ssyncset.done $0x0  }
0x1c7: {  	s29 =	simm.s32 $0x7;
	s28 =	rddreg [dreg:$0x9];
	[sflag:s0] =	ssyncadd.s32 $0xFFFF9C00  }
0x1c8: {  	[hbm4b:s28+s3] =	stream.linear.scatter [tilespmem:s1], [sflag:$0x7], $0x6400, $0x38;
	[tilespmem:$0xCA00] =	vst v63  }
0x1c9: {  	_ =	swait.ge [sflag:s29], $0x6400  }
0x1ca: {  	[sflag:s29] =	ssyncset.done $0x0  }
0x1cb: {  	s30 =	simm.s32 $0x5;
	[sflag:s29] =	ssyncadd.s32 $0xFFFF9C00  }
0x1cc: {  	_ =	swait.ge [sflag:s30], $0x6400  }
0x1cd: {  	s2 =	rddreg [dreg:$0xb]  }
0x1ce: {  	s31 =	rddreg [dreg:$0xa];
	s2 =	sadd.s32 $0x1, s2  }
0x1cf: {  	p0 =	sne.s32 s2, s31  }
.Ltmp3:
0x1d0: {  	_ = 	snop;
	(pc) =	sbr.rel @p0 .LBB2_1-.Ltmp3, $3  }
0x1d1: {  	_ =	sdelay $0x1  }
0x1d2: {  	[sflag:s30] =	ssyncset.done $0x0  }
0x1d3: {  	[sflag:s30] =	ssyncadd.s32 $0xFFFF9C00  }
0x1d4: {  	_ =	sfence.sel $0x180000  }
0x1d5: {  	[bflag:$0x0] =	sbarrier.arrive $0xFFFF  }
0x1d6: {  	_ =	strace $0x90000047  }
0x1d7: {  	s0 =	stileid.u32;
	[bflag:$0x2] =	sbarrier.arrive $0xFFFF  }
0x1d8: {  	p0 =	sne.s32 s0, $0x0;
	s0 =	rddreg [dreg:$0x2]  }
0x1d9: {  	s0 =	sadd.s32 @!p0 $0x100000, s0  }
0x1da: {  	[sflag:s0] =	ssyncadd.tile.s32 @!p0 $0x1;
	_ =	shalt  }
.Lfunc_end2:
_tile_overlayer_lowered:
.L_overlay_start_2:
0x1db: {  	(tag) =	ssettag $0x2  }
0x1dc: {  	s0 =	rddreg [dreg:$0x0];
	s2 =	stileid.u32  }
0x1dd: {  	s1 =	rddreg [dreg:$0x1];
	p0 =	sne.s32 s2, $0x0  }
0x1de: {  	s3 =	rddreg [dreg:$0x2];
	[bflag:$0x3] =	sbarrier.arrive $0xFFFF;
	s2 =	simm.s32 @!p0 $0x1C07  }
0x1df: {  	[timem:s3], [sflag:s2] =	dma.local @!p0 [hbm:s0], s1  }
0x1e0: {  	s0 =	simm.s32 @!p0 $0x7  }
0x1e1: {  	_ =	swait.ge @!p0 [sflag:s0], s1  }
0x1e2: {  	s1 =	ssub.s32 @!p0 $0x0, s1;
	[sflag:s0] =	ssyncset.done @!p0 $0x0  }
0x1e3: {  	[sflag:s0] =	ssyncadd.s32 @!p0 s1  }
0x1e4: {  	[bflag:$0x3] =	sbarrier.arrive $0xFFFF  }
0x1e5: {  	_ =	shalt  }

// kernel: sparse-core-data-format-call.cloned.1.call-start
scs
called_computation_lowered:
.L_overlay_start_0:
0x0: {  	s1 =	sld [smem:$0x3FD9]  }
0x1: {  	s2 =	sld [smem:$0x3FFE];
	_ =	sdelay $0x1  }
0x2: {  	s3 =	srdreg.scid  }
0x3: {  	s0 =	sand.u32 $0x1, s3  }
0x4: {  	s17 =	sshll.u32 s0, $0xA;
	s1 =	sadd.s32 s2, s1  }
0x5: {  	s1 =	sadd.s32 s1, s17  }
0x6: {  	[smem:$0x3FC6] =	sst s1  }
0x7: {  	_ = 	snop  }
0x8: {  	(tm) =	ssettm $0x1  }
0x9: {  	s18 =	sld [smem:$0x3FFB];
	_ =	sdelay $0x3  }
0xa: {  	_ =	strace s18  }
0xb: {  	s1 =	sld [smem:$0x3FFC];
	_ =	sdelay $0x3  }
0xc: {  	_ =	strace s1  }
0xd: {  	s1 =	sld [smem:$0x3FFD];
	_ =	sdelay $0x3  }
0xe: {  	_ =	strace s1  }
0xf: {  	_ =	strace $0x8FFFFFFF  }
0x10: {  	s19 =	sld [smem:$0x3FDB];
	_ =	sdelay $0x1  }
0x11: {  	s20 =	simm.s32 $_scs_section_size  }
0x12: {  	s4 =	simm.s32 $_size__tile_overlayer_lowered;
	s5 =	simm.s32 $_tile_overlayer_lowered  }
0x13: {  	s23 =	simm.s32 $0x1BFF;
	s22 =	sshll.u32 s5, $0x1;
	s1 =	sadd.s32 s20, s19  }
0x14: {  	s6 =	simm.s32 $0x0;
	s21 =	sshll.u32 s4, $0x1;
	s4 =	sadd.s32 s22, s1  }
0x15: {  	[timem:s6], [sflag:s23] =	dma.local [hbm:s4], s21  }
0x16: {  	_ =	swait.ge [sflag:s23], s21  }
0x17: {  	s2 =	ssub.s32 $0x0, s21;
	[sflag:s23] =	ssyncset.done $0x0  }
0x18: {  	[sflag:s23] =	ssyncadd.s32 s2;
	_ =	sdelay $0x1  }
0x19: {  	s24 =	simm.s32 $0x1B8B  }
0x1a: {  	_ =	swait.ge [sflag:s24], $0x1  }
0x1b: {  	[sflag:s24] =	ssyncset.done $0x0  }
0x1c: {  	s26 =	simm.s32 $0x1B8E;
	s25 =	sld [smem:$0x3FFE];
	[sflag:s24] =	ssyncadd.s32 $0xFFFFFFFF  }
0x1d: {  	s27 =	simm.s32 $execute0_lowered;
	[smem:$0x3FD2] =	sst s26  }
0x1e: {  	s4 =	sshll.u32 s27, $0x1;
	_ =	strace $0x80000049;
	[dreg:$0x1] =	wrdreg $0xFFFFFFFF  }
0x1f: {  	s28 =	simm.s32 $_size_execute0_lowered;
	s1 =	sadd.s32 s1, s4;
	[dreg:$0x0] =	wrdreg $0x0  }
0x20: {  	s4 =	sshll.u32 s28, $0x1;
	[dreg:$0x2] =	wrdreg s1  }
0x21: {  	[dreg:$0x3] =	wrdreg s4  }
0x22: {  	[dreg:$0x4] =	wrdreg $0xC0  }
0x23: {  	_ =	task [dreg:s6], $0x5FFFF  }
0x24: {  	[dreg:$0x1] =	wrdreg $0xFFFFFFFF  }
0x25: {  	[dreg:$0x0] =	wrdreg $0x60  }
0x26: {  	[dreg:$0x2] =	wrdreg s25  }
0x27: {  	[dreg:$0x3] =	wrdreg $0x9  }
0x28: {  	_ =	task.clear_ibuf [dreg:s6], $0x4FFFF;
	_ =	strace $0x90000049  }
0x29: {  	s29 =	simm.s32 $0x9;
	_ =	strace $0x8000004B  }
0x2a: {  	_ =	swait.ge [sflag:s29], $0x1  }
0x2b: {  	[sflag:s29] =	ssyncadd.s32 $0xFFFFFFFF  }
0x2c: {  	_ =	strace $0x9000004B  }
0x2d: {  	_ =	sfence  }
0x2e: {  	s30 =	sld [smem:$0x0];
	_ =	sdelay $0x2  }
0x2f: {  	s31 =	sshll.u32 s3, $0xD;
	s3 =	sshrl.u32 s3, $0x2  }
0x30: {  	s2 =	sand.u32 $0x4000, s31;
	s1 =	sadd.s32 s3, s30  }
0x31: {  	s0 =	sor.u32 s2, s0;
	s1 =	sshll.u32 s1, $0x11  }
0x32: {  	s0 =	sor.u32 s1, s0  }
0x33: {  	s0 =	sadd.s32 $0x8F2B, s0  }
0x34: {  	[sflag:s0] =	ssyncadd.remote.s32 $0x1  }
0x35: {  	_ =	sfence.sel $0xFFFF  }
0x36: {  	[dreg:$0x0] =	wrdreg $0xFFFFFFFF;
	(pc) =	sbr.abs _section_cstart, $3  }
0x37: {  	[dreg:$0x1] =	wrdreg $0xFFFFFFFF  }
0x38: {  	_ =	task.clear_ibuf [dreg:s6], $0x2FFFF;
	_ =	strace $0x9FFFFFFF  }
0x39: {  	(tm) =	ssettm $0x7FFFFFFF  }
tec
execute0_lowered:
.L_overlay_start_1:
0x0: {  	(tag) =	ssettag $0x1  }
0x1: {  	s0 =	srdreg.scid  }
0x2: {  	s1 =	sshll.u32 s0, $0x4  }
0x3: {  	s0 =	stileid.u32;
	s1 =	sand.u32 $0x10, s1  }
0x4: {  	s1 =	sor.u32 s0, s1  }
0x5: {  	s6 =	rddreg [dreg:$0x0];
	s7 =	simm.s32 $0x2;
	s2 =	sshll.u32 s1, $0x7  }
0x6: {  	s12 =	simm.s32 $0x0;
	s8 =	simm.s32 $0x8000;
	s1 =	ssub.s32 $0x1000, s2  }
0x7: {  	s13 =	simm.s32 $0x0;
	s9 =	simm.s32 $0x0;
	s3 =	sand.u32 $0xF80, s1  }
0x8: {  	s11 =	simm.s32 $0x0;
	p0 =	sne.s32 s3, $0x0;
	s3 =	simm.s32 $0x1  }
.Ltmp0:
0x9: {  	s4 =	sshrl.u32 s1, $0xC;
	s3 =	simm.s32 @!p0 $0x0;
	(pc) =	sbr.rel .LBB1_1-.Ltmp0, $4  }
0xa: {  	s5 =	sadd.s32 $0xF53600, s6;
	s1 =	rddreg [dreg:$0x1];
	s4 =	sadd.s32 s3, s4  }
0xb: {  	_ =	strace $0x8000004A;
	s3 =	simm.s32 $0x1;
	s4 =	smul.u32 $0xC8, s4  }
0xc: {  	s6 =	sadd.s32 $0x1200, s6;
	s10 =	smov.u32 s2;
	[sflag:s3] =	ssyncpa.u1 $0x0  }
0xd: {  	p0 =	por $0x0, $0x0;
	[sflag:s7] =	ssyncpa.u1 $0x0;
	s7 =	sor.u32 $0x1, s4  }
.LBB1_4:
0xe: {  	s16 =	sshll.u32 s13, $0x3;
	s17 =	sand.u32 $0x78, s13  }
0xf: {  	s30 =	sand.u32 $0x7E00, s13;
	s12 =	sshll.u32 s12, $0xF;
	s16 =	sand.u32 $0xC00, s16  }
0x10: {  	[tilespmem:s15+$0x810 ss:$0x81] =	vst.msk $0xffff, v2;
	s31 =	sand.u32 $0x7, s13;
	s16 =	sor.u32 s17, s16;
	s17 =	sadd.s32 s6, s30  }
0x11: {  	[tilespmem:s15+$0x1020 ss:$0x81] =	vst.msk $0xffff, v0;
	s13 =	sshll.u32 s31, $0x12;
	s12 =	sadd.s32 s12, s17;
	s16 =	sshrl.u32 s16, $0x3  }
0x12: {  	[tilespmem:s15+$0x0 ss:$0x81] =	vst.msk $0xffff, v1;
	s13 =	sor.u32 $0x400, s13;
	s12 =	sadd.s32 s16, s12  }
0x13: {  	[hbm4b:s12+s13] =	stream.strided.scatter [tilespmem:s14], [sflag:$0x2], $0x2000, s8, s13, $0x20;
	[tilespmem:$0x8080] =	vst v63  }
.LBB1_5:
0x14: {  	s14 =	sadd.s32 $0x1, s9  }
0x15: {  	s12 =	sadd.s32 $0x1000, s10;
	s16 =	smov.u32 s10;
	p2 =	sgt.s32 s14, $0xC7  }
0x16: {  	s16 =	smov.u32 @p2 s12  }
0x17: {  	s14 =	simm.s32 @p2 $0x0;
	p2 =	sgt.s32 s16, $0xFFF  }
0x18: {  	s16 =	smov.u32 @p2 s2;
	p2 =	sne.s32 s11, s7  }
.Ltmp1:
0x19: {  	p1 =	slt.u32 s11, $0x2;
	(pc) =	sbr.rel @!p2 .LBB1_6-.Ltmp1, $4  }
0x1a: {  	s15 =	simm.s32 @!p1 $0x2  }
0x1b: {  	s13 =	smov.u32 s10;
	p0 =	por !p0, !p0;
	_ =	swait.ge @!p1 [sflag:s15], $0x2000  }
0x1c: {  	s12 =	smov.u32 s9;
	[sflag:s15] =	ssyncset.done @!p1 $0x0;
	s9 =	smov.u32 s14  }
0x1d: {  	s11 =	sadd.s32 $0x1, s11;
	[sflag:s15] =	ssyncadd.s32 @!p1 $0xFFFFE000;
	s10 =	smov.u32 s16  }
.LBB1_1:
0x1e: {  	p1 =	sge.u32 s11, s4  }
0x1f: {  	s14 =	sand.u32 @!p1 $0x1FFFFFF, s9  }
0x20: {  	s15 =	smulhi.u32 @!p1 $0x147AE15, s14;
	_ =	sdelay $0x1  }
0x21: {  	s15 =	smul.u32 @!p1 $0xC8, s15  }
0x22: {  	s16 =	sxor.u32 @!p1 $0xFFFFFFFF, s11;
	s17 =	smul.u32 @!p1 $0xC80, s10  }
0x23: {  	s31 =	sadd.s32 $0xFFFFFFFF, s11;
	s16 =	sshll.u32 @!p1 s16, $0xD;
	s14 =	ssub.s32 @!p1 s14, s15  }
0x24: {  	s15 =	sand.u32 @!p1 $0x2000, s16;
	s16 =	sadd.s32 @!p1 s5, s17;
	s14 =	sshll.u32 @!p1 s14, $0x4  }
0x25: {  	s17 =	simm.s32 @!p1 $0x6400;
	s14 =	sadd.s32 @!p1 s14, s16;
	s16 =	simm.s32 @!p1 $0x40  }
0x26: {  	[tilespmem:s15], [sflag:$0x1] =	stream.strided.gather @!p1 [hbm4b:s14+s16], $0x2000, s17, s16, $0x38;
	[tilespmem:$0x8080] =	vst v63  }
0x27: {  	p1 =	sge.u32 s31, s4  }
.Ltmp2:
0x28: {  	_ = 	snop;
	(pc) =	sbr.rel @p1 .LBB1_5-.Ltmp2, $1  }
0x29: {  	_ =	sdelay $0x3  }
0x2a: {  	s14 =	simm.s32 $0x1  }
0x2b: {  	_ =	swait.ge [sflag:s3], $0x2000;
	s14 =	simm.s32 @!p0 $0x0  }
0x2c: {  	[sflag:s3] =	ssyncset.done $0x0;
	s15 =	sshll.u32 s14, $0xD  }
0x2d: {  	[sflag:s3] =	ssyncadd.s32 $0xFFFFE000;
	s18 =	sor.u32 $0x20, s15  }
0x2e: {  	s14 =	smul.u32 $0x8100, s14;
	v3 =	vld [tilespmem:s18+$0x10]  }
0x2f: {  	s30 =	sand.u32 $0x1, s11;
	v2 =	vld [tilespmem:s18+$0xFFFFFFF0]  }
0x30: {  	s15 =	smul.u32 $0x8100, s30;
	s14 =	sshrl.u32 s14, $0x2;
	v0 =	vld [tilespmem:s18+$0x0]  }
0x31: {  	v1 =	vld [tilespmem:s18+$0xFFFFFFE0];
	s16 =	sor.u32 $0x4000, s14  }
0x32: {  	s31 =	sshrl.u32 s15, $0x2;
	s15 =	sadd.s32 $0x0, s16  }
0x33: {  	s17 =	simm.s32 $0x4;
	s18 =	sadd.s32 $0x40, s18;
	s14 =	sor.u32 $0x4000, s31;
	[tilespmem:s15+$0x1830 ss:$0x81] =	vst.msk $0xffff, v3  }
.LBB1_3:
0x34: {  	v3 =	vld [tilespmem:s18+$0x10];
	p1 =	sne.s32 s17, $0x1FC;
	[tilespmem:s15+$0x810 ss:$0x81] =	vst.msk $0xffff, v2;
	s19 =	smov.u32 s17;
	s17 =	sadd.s32 $0x4, s17  }
.Ltmp3:
0x35: {  	v2 =	vld [tilespmem:s18+$0xFFFFFFF0];
	[tilespmem:s15+$0x1020 ss:$0x81] =	vst.msk $0xffff, v0;
	(pc) =	sbr.rel @p1 .LBB1_3-.Ltmp3, $4  }
0x36: {  	v0 =	vld [tilespmem:s18+$0x0];
	[tilespmem:s15+$0x0 ss:$0x81] =	vst.msk $0xffff, v1  }
0x37: {  	s15 =	sshra.s32 s19, $0x2;
	v1 =	vld [tilespmem:s18+$0xFFFFFFE0]  }
0x38: {  	s15 =	sadd.s32 s15, s16  }
0x39: {  	s18 =	sadd.s32 $0x40, s18;
	[tilespmem:s15+$0x1830 ss:$0x81] =	vst.msk $0xffff, v3  }
.Ltmp4:
0x3a: {  	_ = 	snop;
	(pc) =	sbr.rel .LBB1_4-.Ltmp4, $1  }
0x3b: {  	_ =	sdelay $0x3  }
.LBB1_6:
0x3c: {  	_ =	sfence.sel $0x180000  }
0x3d: {  	s2 =	simm.s32 $0x1;
	[bflag:$0x0] =	sbarrier.arrive $0xFFFF  }
0x3e: {  	s31 =	simm.s32 $0x2;
	[sflag:s2] =	ssyncpa.u1 $0x1  }
0x3f: {  	[sflag:s31] =	ssyncpa.u1 $0x1  }
0x40: {  	p0 =	sne.s32 s0, $0x0;
	_ =	strace $0x9000004A  }
0x41: {  	s0 =	sadd.s32 @!p0 $0x100000, s1;
	[bflag:$0x2] =	sbarrier.arrive $0xFFFF  }
0x42: {  	[sflag:s0] =	ssyncadd.tile.s32 @!p0 $0x1;
	_ =	shalt  }
.Lfunc_end1:
_tile_overlayer_lowered:
.L_overlay_start_2:
0x43: {  	(tag) =	ssettag $0x2  }
0x44: {  	s0 =	rddreg [dreg:$0x0];
	s2 =	stileid.u32  }
0x45: {  	s1 =	rddreg [dreg:$0x1];
	p0 =	sne.s32 s2, $0x0  }
0x46: {  	s3 =	rddreg [dreg:$0x2];
	[bflag:$0x3] =	sbarrier.arrive $0xFFFF;
	s2 =	simm.s32 @!p0 $0x1C01  }
0x47: {  	[timem:s3], [sflag:s2] =	dma.local @!p0 [hbm:s0], s1  }
0x48: {  	s0 =	simm.s32 @!p0 $0x1  }
0x49: {  	_ =	swait.ge @!p0 [sflag:s0], s1  }
0x4a: {  	s1 =	ssub.s32 @!p0 $0x0, s1;
	[sflag:s0] =	ssyncset.done @!p0 $0x0  }
0x4b: {  	[sflag:s0] =	ssyncadd.s32 @!p0 s1  }
0x4c: {  	[bflag:$0x3] =	sbarrier.arrive $0xFFFF  }
0x4d: {  	_ =	shalt  }

</sc_bundles>
